<compile_context>
chip_gen: v7x
topology: tpu7x:2x2x1
jax: 0.10.2.dev20260603
libtpu: 0.0.44.dev20260713+nightly
codegen_flags: <defaults>
</compile_context>

<pallas_src>
import functools

import jax
import jax.numpy as jnp
from jax import lax
from jax.experimental import pallas as pl
from jax.experimental.pallas import tpu as pltpu
from jax.experimental.pallas import tpu_sc as plsc

N = 10000
NPAD = 10240
E = 320000
D = 128
NSUB = 16
ROWS_PER_TILE = NPAD // NSUB
EDGES_PER_TILE = E // NSUB
CHUNK = 128
NCHUNK = EDGES_PER_TILE // CHUNK
TAIL = EDGES_PER_TILE - NCHUNK * CHUNK
N_HOP = ROWS_PER_TILE // CHUNK
DEG_W = 16


def _sc_agg_body(x_hbm, edges_hbm, zacc_hbm, zdeg_hbm,
                 p_hbm, dpart_hbm,
                 acc, sp, dp, dst_v, tsrc_v, tdst_v, rows3, degacc_v,
                 gs, si, di, *, with_deg):
    c = lax.axis_index("c")
    s = lax.axis_index("s")

    row0 = s * ROWS_PER_TILE
    pltpu.sync_copy(zacc_hbm, rows3.at[0])
    pltpu.sync_copy(zdeg_hbm, degacc_v)
    for j in range(N_HOP):
        pltpu.sync_copy(rows3.at[0], acc.at[pl.ds(row0 + j * CHUNK, CHUNK)])
    plsc.subcore_barrier()

    base = s * EDGES_PER_TILE
    rel0 = c * (2 * E)

    def src_off(i):
        return rel0 + base + i * CHUNK

    def dst_off(i):
        return rel0 + E + base + i * CHUNK

    pltpu.sync_copy(edges_hbm.at[pl.ds(src_off(NCHUNK), TAIL)], tsrc_v)
    pltpu.sync_copy(edges_hbm.at[pl.ds(dst_off(NCHUNK), TAIL)], tdst_v)
    pltpu.async_copy(x_hbm.at[tsrc_v], rows3.at[0, pl.ds(0, TAIL)], gs).wait()
    if with_deg:
        for k in range(TAIL // 16):
            tidx16 = tdst_v[pl.ds(k * 16, 16)]
            plsc.addupdate_scatter(degacc_v, [tidx16],
                                   jnp.full((16,), 1.0, jnp.float32))
    pltpu.sync_copy(rows3.at[0, pl.ds(0, TAIL)], acc.at[tdst_v], add=True)

    pltpu.sync_copy(edges_hbm.at[pl.ds(src_off(0), CHUNK)], sp.at[0])
    pltpu.sync_copy(edges_hbm.at[pl.ds(dst_off(0), CHUNK)], dp.at[0])
    pltpu.async_copy(x_hbm.at[sp.at[0]], rows3.at[0], gs)
    pltpu.async_copy(edges_hbm.at[pl.ds(src_off(1), CHUNK)], sp.at[1], si)
    pltpu.async_copy(edges_hbm.at[pl.ds(dst_off(1), CHUNK)], dp.at[1], di)

    def step(i, carry):
        p = lax.rem(i, 2)
        q = 1 - p
        pltpu.make_async_copy(x_hbm.at[sp.at[p]], rows3.at[p], gs).wait()

        @pl.when(i < NCHUNK - 1)
        def _():
            pltpu.make_async_copy(
                edges_hbm.at[pl.ds(src_off(i + 1), CHUNK)], sp.at[q],
                si).wait()
            pltpu.async_copy(x_hbm.at[sp.at[q]], rows3.at[q], gs)

        @pl.when(i < NCHUNK - 2)
        def _():
            pltpu.async_copy(
                edges_hbm.at[pl.ds(src_off(i + 2), CHUNK)], sp.at[p], si)

        @pl.when(i > 0)
        def _():
            pltpu.make_async_copy(
                edges_hbm.at[pl.ds(dst_off(i), CHUNK)], dp.at[p], di).wait()

        @pl.when(i < NCHUNK - 1)
        def _():
            pltpu.async_copy(
                edges_hbm.at[pl.ds(dst_off(i + 1), CHUNK)], dp.at[q], di)
        for k in range(CHUNK // 16):
            idx16 = dp[p, pl.ds(k * 16, 16)]
            dst_v[pl.ds(k * 16, 16)] = idx16
            if with_deg:
                plsc.addupdate_scatter(degacc_v, [idx16],
                                       jnp.full((16,), 1.0, jnp.float32))
        pltpu.sync_copy(rows3.at[p], acc.at[dst_v], add=True)
        return carry

    lax.fori_loop(0, NCHUNK, step, 0)
    if with_deg:
        pltpu.sync_copy(degacc_v,
                        dpart_hbm.at[pl.ds((c * NSUB + s) * NPAD, NPAD)])
    plsc.subcore_barrier()

    out0 = c * NPAD + row0
    for j in range(N_HOP):
        pltpu.sync_copy(acc.at[pl.ds(row0 + j * CHUNK, CHUNK)], rows3.at[0])
        pltpu.sync_copy(rows3.at[0], p_hbm.at[pl.ds(out0 + j * CHUNK, CHUNK)])


def _make_sc_agg(with_deg):
  return pl.kernel(
    functools.partial(_sc_agg_body, with_deg=with_deg),
    out_type=(
        jax.ShapeDtypeStruct((2 * NPAD, D), jnp.float32),
        jax.ShapeDtypeStruct((2 * NSUB * NPAD,), jnp.float32),
    ),
    mesh=plsc.VectorSubcoreMesh(core_axis_name="c", subcore_axis_name="s",
                                num_cores=2, num_subcores=NSUB),
    compiler_params=pltpu.CompilerParams(needs_layout_passes=False),
    scratch_types=[
        pltpu.VMEM_SHARED((NPAD, D), jnp.float32),
        pltpu.VMEM((2, CHUNK), jnp.int32),
        pltpu.VMEM((2, CHUNK), jnp.int32),
        pltpu.VMEM((CHUNK,), jnp.int32),
        pltpu.VMEM((TAIL,), jnp.int32),
        pltpu.VMEM((TAIL,), jnp.int32),
        pltpu.VMEM((2, CHUNK, D), jnp.float32),
        pltpu.VMEM((NPAD,), jnp.float32),
        pltpu.SemaphoreType.DMA,
        pltpu.SemaphoreType.DMA,
        pltpu.SemaphoreType.DMA,
    ],
  )


_sc_agg = _make_sc_agg(True)
_sc_agg_nodeg = _make_sc_agg(False)


def _tc_layer_body(x_ref, p0_ref, p1_ref, d0_ref, d1_ref,
                   ws0_ref, ws1_ref, wn0_ref, wn1_ref, b0_ref, b1_ref,
                   out_ref, *, relu):
    ones16 = jnp.ones((NSUB, 1), jnp.float32)
    dn = (((0,), (0,)), ((), ()))
    d0 = lax.dot_general(d0_ref[...], ones16, dn,
                         preferred_element_type=jnp.float32)
    d1 = lax.dot_general(d1_ref[...], ones16, dn,
                         preferred_element_type=jnp.float32)
    r0 = 1.0 / jnp.maximum(d0, 1.0)
    r1 = 1.0 / jnp.maximum(d1, 1.0)
    ws = ws0_ref[...] + ws1_ref[...]
    acc = jnp.dot(x_ref[...], ws, preferred_element_type=jnp.float32)
    acc += jnp.dot(p0_ref[...] * r0, wn0_ref[...],
                   preferred_element_type=jnp.float32)
    acc += jnp.dot(p1_ref[...] * r1, wn1_ref[...],
                   preferred_element_type=jnp.float32)
    acc += b0_ref[...] + b1_ref[...]
    out_ref[...] = jnp.maximum(acc, 0.0) if relu else acc


def _tc_layer(relu, x, p0, p1, d0, d1, ws0, ws1, wn0, wn1, b0, b1):
    blk = 1024
    grid = (NPAD // blk,)
    row_spec = pl.BlockSpec((blk, D), lambda i: (i, 0))
    deg_spec = pl.BlockSpec((NSUB, blk), lambda i: (0, i))
    w_spec = pl.BlockSpec((D, D), lambda i: (0, 0))
    b_spec = pl.BlockSpec((1, D), lambda i: (0, 0))
    return pl.pallas_call(
        functools.partial(_tc_layer_body, relu=relu),
        grid=grid,
        in_specs=[row_spec, row_spec, row_spec, deg_spec, deg_spec,
                  w_spec, w_spec, w_spec, w_spec, b_spec, b_spec],
        out_specs=row_spec,
        out_shape=jax.ShapeDtypeStruct((NPAD, D), jnp.float32),
    )(x, p0, p1, d0, d1, ws0, ws1, wn0, wn1, b0, b1)


def kernel(x, edge_index_rel0, edge_index_rel1,
           W_self1_0, W_neigh1_0, b1_0, W_self1_1, W_neigh1_1, b1_1,
           W_self2_0, W_neigh2_0, b2_0, W_self2_1, W_neigh2_1, b2_1):
    edges = jnp.concatenate([edge_index_rel0.reshape(-1),
                             edge_index_rel1.reshape(-1)])
    zacc = jnp.zeros((CHUNK, D), jnp.float32)
    zdeg = jnp.zeros((NPAD,), jnp.float32)
    xp = jnp.pad(x, ((0, NPAD - N), (0, 0)))

    p1, dpart = _sc_agg(xp, edges, zacc, zdeg)
    p1 = p1.reshape(2, NPAD, D)
    dp = dpart.reshape(2 * NSUB, NPAD)
    d0, d1 = dp[:NSUB], dp[NSUB:]
    h = _tc_layer(True, xp, p1[0], p1[1], d0, d1,
                  W_self1_0, W_self1_1, W_neigh1_0, W_neigh1_1,
                  b1_0.reshape(1, D), b1_1.reshape(1, D))
    p2, _ = _sc_agg(h, edges, zacc, zdeg)
    p2 = p2.reshape(2, NPAD, D)
    out = _tc_layer(False, h, p2[0], p2[1], d0, d1,
                    W_self2_0, W_self2_1, W_neigh2_0, W_neigh2_1,
                    b2_0.reshape(1, D), b2_1.reshape(1, D))
    return out[:N]

# --- scband reference (transcript-rebuilt; emitter-appended) ---
"""Pipeline reference for scband-hgraph-sage-78786880078302 (READ-ONLY COPY).

The authoritative reference and input builder live on the scoring server;
editing this copy changes nothing except your own understanding.
"""

import jax, jax.numpy as jnp
import numpy as np

N = 10000
E = 320000
D_IN = 128
D_HID = 128
D_OUT = 128


def _glorot(k, shape):
    s = jnp.sqrt(6.0 / (shape[0] + shape[1]))
    return jax.random.uniform(k, shape, jnp.float32, -s, s)


def _sage(x, src, dst, W_self, W_neigh, b):
    # DGL SAGEConv(aggregator_type='mean'): fc_self(h_dst) + fc_neigh(mean_{u in N(v)} h_u) + bias
    agg = jax.ops.segment_sum(x[src], dst, num_segments=x.shape[0])
    deg = jax.ops.segment_sum(jnp.ones((src.shape[0],), x.dtype), dst, num_segments=x.shape[0])
    h_neigh = agg / jnp.maximum(deg, 1.0)[:, None]
    return x @ W_self + h_neigh @ W_neigh + b


def setup_inputs(seed: int = 0):
    key = jax.random.key(seed)
    ks = jax.random.split(key, 16)
    inp = {}
    inp['x'] = jax.random.normal(ks[0], (N, D_IN), dtype=jnp.float32)
    inp['edge_index_rel0'] = jax.random.randint(ks[1], (2, E), 0, N, dtype=jnp.int32)
    inp['edge_index_rel1'] = jax.random.randint(ks[2], (2, E), 0, N, dtype=jnp.int32)
    i = 3
    for layer, (di, do) in zip([1, 2], [(D_IN, D_HID), (D_HID, D_OUT)]):
        for r in range(2):
            inp['W_self%d_%d' % (layer, r)] = _glorot(ks[i], (di, do)); i += 1
            inp['W_neigh%d_%d' % (layer, r)] = _glorot(ks[i], (di, do)); i += 1
            inp['b%d_%d' % (layer, r)] = jnp.zeros((do,), jnp.float32)
    return inp


def reference(x, edge_index_rel0, edge_index_rel1,
              W_self1_0, W_neigh1_0, b1_0, W_self1_1, W_neigh1_1, b1_1,
              W_self2_0, W_neigh2_0, b2_0, W_self2_1, W_neigh2_1, b2_1):
    # HeteroGraphConv(aggregate='sum') over two relations, single node type
    h = (_sage(x, edge_index_rel0[0], edge_index_rel0[1], W_self1_0, W_neigh1_0, b1_0)
         + _sage(x, edge_index_rel1[0], edge_index_rel1[1], W_self1_1, W_neigh1_1, b1_1))
    h = jax.nn.relu(h)
    out = (_sage(h, edge_index_rel0[0], edge_index_rel0[1], W_self2_0, W_neigh2_0, b2_0)
           + _sage(h, edge_index_rel1[0], edge_index_rel1[1], W_self2_1, W_neigh2_1, b2_1))
    return out

if __name__ == "__main__":
    import jax
    _d = setup_inputs()
    print(jax.jit(kernel)(*tuple(_d.values())))

</pallas_src>

<mosaic_0001>
#map = affine_map<(d0, d1) -> (0, 0)>
#map1 = affine_map<(d0, d1) -> (0)>
module attributes {stable_mosaic.version = 14 : i64} {
  func.func @_sc_agg_body(%arg0: i32, %arg1: i32, %arg2: memref<10240x128xf32, #tpu.memory_space<hbm>>, %arg3: memref<1280000xi32, #tpu.memory_space<hbm>>, %arg4: memref<128x128xf32, #tpu.memory_space<hbm>>, %arg5: memref<10240xf32, #tpu.memory_space<hbm>>, %arg6: memref<20480x128xf32, #tpu.memory_space<hbm>>, %arg7: memref<327680xf32, #tpu.memory_space<hbm>>, %arg8: memref<10240x128xf32, #tpu.memory_space<vmem_shared>>, %arg9: memref<2x128xi32, #tpu.memory_space<vmem>>, %arg10: memref<2x128xi32, #tpu.memory_space<vmem>>, %arg11: memref<128xi32, #tpu.memory_space<vmem>>, %arg12: memref<32xi32, #tpu.memory_space<vmem>>, %arg13: memref<32xi32, #tpu.memory_space<vmem>>, %arg14: memref<2x128x128xf32, #tpu.memory_space<vmem>>, %arg15: memref<10240xf32, #tpu.memory_space<vmem>>, %arg16: memref<!tpu.dma_semaphore, #tpu.memory_space<semaphore_mem>>, %arg17: memref<!tpu.dma_semaphore, #tpu.memory_space<semaphore_mem>>, %arg18: memref<!tpu.dma_semaphore, #tpu.memory_space<semaphore_mem>>) attributes {dimension_semantics = [#tpu.dimension_semantics<core_parallel>, #tpu.dimension_semantics<subcore_parallel>], iteration_bounds = array<i64: 2, 16>, scalar_prefetch = 0 : i64, scratch_operands = 11 : i64, tpu.core_type = #tpu.core_type<sc_vector_subcore>, window_params = [{transform_indices = #map}, {transform_indices = #map1}, {transform_indices = #map}, {transform_indices = #map1}, {transform_indices = #map}, {transform_indices = #map1}]} {
    %mul3A = arith.constant 640 : i32
    %mul3A_0 = arith.muli %arg1, %mul3A : i32
    %run_scoped3A = arith.constant 0 : i32
    "tpu.region"() ({
      %run_scoped3A_140 = tpu.sem_alloc : memref<!tpu.dma_semaphore, #tpu.memory_space<semaphore_mem>>
      %dma_start3A_141 = arith.constant 0 : i32
      %dma_start3A_142 = arith.constant 0 : i32
      %dma_start3A_143 = tpu.memref_slice %arg14[%run_scoped3A, %dma_start3A_141, %dma_start3A_142] : memref<2x128x128xf32, #tpu.memory_space<vmem>> -> memref<1x128x128xf32, #tpu.memory_space<vmem>>
      %dma_start3A_144 = tpu.memref_squeeze %dma_start3A_143 : memref<1x128x128xf32, #tpu.memory_space<vmem>> -> memref<128x128xf32, #tpu.memory_space<vmem>>
      %dma_start3A_145 = arith.constant 0 : i32
      %dma_start3A_146 = arith.constant 0 : i32
      %dma_start3A_147 = tpu.memref_slice %arg14[%run_scoped3A, %dma_start3A_145, %dma_start3A_146] : memref<2x128x128xf32, #tpu.memory_space<vmem>> -> memref<1x128x128xf32, #tpu.memory_space<vmem>>
      %dma_start3A_148 = tpu.memref_squeeze %dma_start3A_147 : memref<1x128x128xf32, #tpu.memory_space<vmem>> -> memref<128x128xf32, #tpu.memory_space<vmem>>
      tpu.enqueue_dma source(%arg4 : memref<128x128xf32, #tpu.memory_space<hbm>>) target(%dma_start3A_148 : memref<128x128xf32, #tpu.memory_space<vmem>>) target_semaphore(%run_scoped3A_140 : memref<!tpu.dma_semaphore, #tpu.memory_space<semaphore_mem>>)
      %dma_wait3A_149 = arith.constant 0 : i32
      %dma_wait3A_150 = arith.constant 0 : i32
      %dma_wait3A_151 = tpu.memref_slice %arg14[%run_scoped3A, %dma_wait3A_149, %dma_wait3A_150] : memref<2x128x128xf32, #tpu.memory_space<vmem>> -> memref<1x128x128xf32, #tpu.memory_space<vmem>>
      %dma_wait3A_152 = tpu.memref_squeeze %dma_wait3A_151 : memref<1x128x128xf32, #tpu.memory_space<vmem>> -> memref<128x128xf32, #tpu.memory_space<vmem>>
      %dma_wait3A_153 = arith.constant 0 : i32
      %dma_wait3A_154 = arith.constant 0 : i32
      %dma_wait3A_155 = tpu.memref_slice %arg14[%run_scoped3A, %dma_wait3A_153, %dma_wait3A_154] : memref<2x128x128xf32, #tpu.memory_space<vmem>> -> memref<1x128x128xf32, #tpu.memory_space<vmem>>
      %dma_wait3A_156 = tpu.memref_squeeze %dma_wait3A_155 : memref<1x128x128xf32, #tpu.memory_space<vmem>> -> memref<128x128xf32, #tpu.memory_space<vmem>>
      tpu.wait_dma2 semaphore(%run_scoped3A_140 : memref<!tpu.dma_semaphore, #tpu.memory_space<semaphore_mem>>) src(%arg4 : memref<128x128xf32, #tpu.memory_space<hbm>>) dst(%dma_wait3A_156 : memref<128x128xf32, #tpu.memory_space<vmem>>)
      tpu.yield
    }) : () -> ()
    "tpu.region"() ({
      %run_scoped3A_140 = tpu.sem_alloc : memref<!tpu.dma_semaphore, #tpu.memory_space<semaphore_mem>>
      tpu.enqueue_dma source(%arg5 : memref<10240xf32, #tpu.memory_space<hbm>>) target(%arg15 : memref<10240xf32, #tpu.memory_space<vmem>>) target_semaphore(%run_scoped3A_140 : memref<!tpu.dma_semaphore, #tpu.memory_space<semaphore_mem>>)
      tpu.wait_dma2 semaphore(%run_scoped3A_140 : memref<!tpu.dma_semaphore, #tpu.memory_space<semaphore_mem>>) src(%arg5 : memref<10240xf32, #tpu.memory_space<hbm>>) dst(%arg15 : memref<10240xf32, #tpu.memory_space<vmem>>)
      tpu.yield
    }) : () -> ()
    %add3A = arith.constant 0 : i32
    %add3A_1 = arith.addi %mul3A_0, %add3A : i32
    %run_scoped3A_2 = arith.constant 0 : i32
    "tpu.region"() ({
      %run_scoped3A_140 = tpu.sem_alloc : memref<!tpu.dma_semaphore, #tpu.memory_space<semaphore_mem>>
      %dma_start3A_141 = arith.constant 0 : i32
      %dma_start3A_142 = arith.constant 0 : i32
      %dma_start3A_143 = tpu.memref_slice %arg14[%run_scoped3A_2, %dma_start3A_141, %dma_start3A_142] : memref<2x128x128xf32, #tpu.memory_space<vmem>> -> memref<1x128x128xf32, #tpu.memory_space<vmem>>
      %dma_start3A_144 = tpu.memref_squeeze %dma_start3A_143 : memref<1x128x128xf32, #tpu.memory_space<vmem>> -> memref<128x128xf32, #tpu.memory_space<vmem>>
      %dma_start3A_145 = arith.constant 0 : i32
      %dma_start3A_146 = tpu.memref_slice %arg8[%add3A_1, %dma_start3A_145] : memref<10240x128xf32, #tpu.memory_space<vmem_shared>> -> memref<128x128xf32, #tpu.memory_space<vmem_shared>>
      %dma_start3A_147 = arith.constant 0 : i32
      %dma_start3A_148 = tpu.memref_slice %arg8[%add3A_1, %dma_start3A_147] : memref<10240x128xf32, #tpu.memory_space<vmem_shared>> -> memref<128x128xf32, #tpu.memory_space<vmem_shared>>
      %dma_start3A_149 = arith.constant 0 : i32
      %dma_start3A_150 = arith.constant 0 : i32
      %dma_start3A_151 = tpu.memref_slice %arg14[%run_scoped3A_2, %dma_start3A_149, %dma_start3A_150] : memref<2x128x128xf32, #tpu.memory_space<vmem>> -> memref<1x128x128xf32, #tpu.memory_space<vmem>>
      %dma_start3A_152 = tpu.memref_squeeze %dma_start3A_151 : memref<1x128x128xf32, #tpu.memory_space<vmem>> -> memref<128x128xf32, #tpu.memory_space<vmem>>
      tpu.enqueue_dma source(%dma_start3A_152 : memref<128x128xf32, #tpu.memory_space<vmem>>) target(%dma_start3A_148 : memref<128x128xf32, #tpu.memory_space<vmem_shared>>) target_semaphore(%run_scoped3A_140 : memref<!tpu.dma_semaphore, #tpu.memory_space<semaphore_mem>>)
      %dma_wait3A_153 = arith.constant 0 : i32
      %dma_wait3A_154 = arith.constant 0 : i32
      %dma_wait3A_155 = tpu.memref_slice %arg14[%run_scoped3A_2, %dma_wait3A_153, %dma_wait3A_154] : memref<2x128x128xf32, #tpu.memory_space<vmem>> -> memref<1x128x128xf32, #tpu.memory_space<vmem>>
      %dma_wait3A_156 = tpu.memref_squeeze %dma_wait3A_155 : memref<1x128x128xf32, #tpu.memory_space<vmem>> -> memref<128x128xf32, #tpu.memory_space<vmem>>
      %dma_wait3A_157 = arith.constant 0 : i32
      %dma_wait3A_158 = tpu.memref_slice %arg8[%add3A_1, %dma_wait3A_157] : memref<10240x128xf32, #tpu.memory_space<vmem_shared>> -> memref<128x128xf32, #tpu.memory_space<vmem_shared>>
      %dma_wait3A_159 = arith.constant 0 : i32
      %dma_wait3A_160 = tpu.memref_slice %arg8[%add3A_1, %dma_wait3A_159] : memref<10240x128xf32, #tpu.memory_space<vmem_shared>> -> memref<128x128xf32, #tpu.memory_space<vmem_shared>>
      %dma_wait3A_161 = arith.constant 0 : i32
      %dma_wait3A_162 = arith.constant 0 : i32
      %dma_wait3A_163 = tpu.memref_slice %arg14[%run_scoped3A_2, %dma_wait3A_161, %dma_wait3A_162] : memref<2x128x128xf32, #tpu.memory_space<vmem>> -> memref<1x128x128xf32, #tpu.memory_space<vmem>>
      %dma_wait3A_164 = tpu.memref_squeeze %dma_wait3A_163 : memref<1x128x128xf32, #tpu.memory_space<vmem>> -> memref<128x128xf32, #tpu.memory_space<vmem>>
      tpu.wait_dma2 semaphore(%run_scoped3A_140 : memref<!tpu.dma_semaphore, #tpu.memory_space<semaphore_mem>>) src(%dma_wait3A_164 : memref<128x128xf32, #tpu.memory_space<vmem>>) dst(%dma_wait3A_160 : memref<128x128xf32, #tpu.memory_space<vmem_shared>>)
      tpu.yield
    }) : () -> ()
    %add3A_3 = arith.constant 128 : i32
    %add3A_4 = arith.addi %mul3A_0, %add3A_3 : i32
    %run_scoped3A_5 = arith.constant 0 : i32
    "tpu.region"() ({
      %run_scoped3A_140 = tpu.sem_alloc : memref<!tpu.dma_semaphore, #tpu.memory_space<semaphore_mem>>
      %dma_start3A_141 = arith.constant 0 : i32
      %dma_start3A_142 = arith.constant 0 : i32
      %dma_start3A_143 = tpu.memref_slice %arg14[%run_scoped3A_5, %dma_start3A_141, %dma_start3A_142] : memref<2x128x128xf32, #tpu.memory_space<vmem>> -> memref<1x128x128xf32, #tpu.memory_space<vmem>>
      %dma_start3A_144 = tpu.memref_squeeze %dma_start3A_143 : memref<1x128x128xf32, #tpu.memory_space<vmem>> -> memref<128x128xf32, #tpu.memory_space<vmem>>
      %dma_start3A_145 = arith.constant 0 : i32
      %dma_start3A_146 = tpu.memref_slice %arg8[%add3A_4, %dma_start3A_145] : memref<10240x128xf32, #tpu.memory_space<vmem_shared>> -> memref<128x128xf32, #tpu.memory_space<vmem_shared>>
      %dma_start3A_147 = arith.constant 0 : i32
      %dma_start3A_148 = tpu.memref_slice %arg8[%add3A_4, %dma_start3A_147] : memref<10240x128xf32, #tpu.memory_space<vmem_shared>> -> memref<128x128xf32, #tpu.memory_space<vmem_shared>>
      %dma_start3A_149 = arith.constant 0 : i32
      %dma_start3A_150 = arith.constant 0 : i32
      %dma_start3A_151 = tpu.memref_slice %arg14[%run_scoped3A_5, %dma_start3A_149, %dma_start3A_150] : memref<2x128x128xf32, #tpu.memory_space<vmem>> -> memref<1x128x128xf32, #tpu.memory_space<vmem>>
      %dma_start3A_152 = tpu.memref_squeeze %dma_start3A_151 : memref<1x128x128xf32, #tpu.memory_space<vmem>> -> memref<128x128xf32, #tpu.memory_space<vmem>>
      tpu.enqueue_dma source(%dma_start3A_152 : memref<128x128xf32, #tpu.memory_space<vmem>>) target(%dma_start3A_148 : memref<128x128xf32, #tpu.memory_space<vmem_shared>>) target_semaphore(%run_scoped3A_140 : memref<!tpu.dma_semaphore, #tpu.memory_space<semaphore_mem>>)
      %dma_wait3A_153 = arith.constant 0 : i32
      %dma_wait3A_154 = arith.constant 0 : i32
      %dma_wait3A_155 = tpu.memref_slice %arg14[%run_scoped3A_5, %dma_wait3A_153, %dma_wait3A_154] : memref<2x128x128xf32, #tpu.memory_space<vmem>> -> memref<1x128x128xf32, #tpu.memory_space<vmem>>
      %dma_wait3A_156 = tpu.memref_squeeze %dma_wait3A_155 : memref<1x128x128xf32, #tpu.memory_space<vmem>> -> memref<128x128xf32, #tpu.memory_space<vmem>>
      %dma_wait3A_157 = arith.constant 0 : i32
      %dma_wait3A_158 = tpu.memref_slice %arg8[%add3A_4, %dma_wait3A_157] : memref<10240x128xf32, #tpu.memory_space<vmem_shared>> -> memref<128x128xf32, #tpu.memory_space<vmem_shared>>
      %dma_wait3A_159 = arith.constant 0 : i32
      %dma_wait3A_160 = tpu.memref_slice %arg8[%add3A_4, %dma_wait3A_159] : memref<10240x128xf32, #tpu.memory_space<vmem_shared>> -> memref<128x128xf32, #tpu.memory_space<vmem_shared>>
      %dma_wait3A_161 = arith.constant 0 : i32
      %dma_wait3A_162 = arith.constant 0 : i32
      %dma_wait3A_163 = tpu.memref_slice %arg14[%run_scoped3A_5, %dma_wait3A_161, %dma_wait3A_162] : memref<2x128x128xf32, #tpu.memory_space<vmem>> -> memref<1x128x128xf32, #tpu.memory_space<vmem>>
      %dma_wait3A_164 = tpu.memref_squeeze %dma_wait3A_163 : memref<1x128x128xf32, #tpu.memory_space<vmem>> -> memref<128x128xf32, #tpu.memory_space<vmem>>
      tpu.wait_dma2 semaphore(%run_scoped3A_140 : memref<!tpu.dma_semaphore, #tpu.memory_space<semaphore_mem>>) src(%dma_wait3A_164 : memref<128x128xf32, #tpu.memory_space<vmem>>) dst(%dma_wait3A_160 : memref<128x128xf32, #tpu.memory_space<vmem_shared>>)
      tpu.yield
    }) : () -> ()
    %add3A_6 = arith.constant 256 : i32
    %add3A_7 = arith.addi %mul3A_0, %add3A_6 : i32
    %run_scoped3A_8 = arith.constant 0 : i32
    "tpu.region"() ({
      %run_scoped3A_140 = tpu.sem_alloc : memref<!tpu.dma_semaphore, #tpu.memory_space<semaphore_mem>>
      %dma_start3A_141 = arith.constant 0 : i32
      %dma_start3A_142 = arith.constant 0 : i32
      %dma_start3A_143 = tpu.memref_slice %arg14[%run_scoped3A_8, %dma_start3A_141, %dma_start3A_142] : memref<2x128x128xf32, #tpu.memory_space<vmem>> -> memref<1x128x128xf32, #tpu.memory_space<vmem>>
      %dma_start3A_144 = tpu.memref_squeeze %dma_start3A_143 : memref<1x128x128xf32, #tpu.memory_space<vmem>> -> memref<128x128xf32, #tpu.memory_space<vmem>>
      %dma_start3A_145 = arith.constant 0 : i32
      %dma_start3A_146 = tpu.memref_slice %arg8[%add3A_7, %dma_start3A_145] : memref<10240x128xf32, #tpu.memory_space<vmem_shared>> -> memref<128x128xf32, #tpu.memory_space<vmem_shared>>
      %dma_start3A_147 = arith.constant 0 : i32
      %dma_start3A_148 = tpu.memref_slice %arg8[%add3A_7, %dma_start3A_147] : memref<10240x128xf32, #tpu.memory_space<vmem_shared>> -> memref<128x128xf32, #tpu.memory_space<vmem_shared>>
      %dma_start3A_149 = arith.constant 0 : i32
      %dma_start3A_150 = arith.constant 0 : i32
      %dma_start3A_151 = tpu.memref_slice %arg14[%run_scoped3A_8, %dma_start3A_149, %dma_start3A_150] : memref<2x128x128xf32, #tpu.memory_space<vmem>> -> memref<1x128x128xf32, #tpu.memory_space<vmem>>
      %dma_start3A_152 = tpu.memref_squeeze %dma_start3A_151 : memref<1x128x128xf32, #tpu.memory_space<vmem>> -> memref<128x128xf32, #tpu.memory_space<vmem>>
      tpu.enqueue_dma source(%dma_start3A_152 : memref<128x128xf32, #tpu.memory_space<vmem>>) target(%dma_start3A_148 : memref<128x128xf32, #tpu.memory_space<vmem_shared>>) target_semaphore(%run_scoped3A_140 : memref<!tpu.dma_semaphore, #tpu.memory_space<semaphore_mem>>)
      %dma_wait3A_153 = arith.constant 0 : i32
      %dma_wait3A_154 = arith.constant 0 : i32
      %dma_wait3A_155 = tpu.memref_slice %arg14[%run_scoped3A_8, %dma_wait3A_153, %dma_wait3A_154] : memref<2x128x128xf32, #tpu.memory_space<vmem>> -> memref<1x128x128xf32, #tpu.memory_space<vmem>>
      %dma_wait3A_156 = tpu.memref_squeeze %dma_wait3A_155 : memref<1x128x128xf32, #tpu.memory_space<vmem>> -> memref<128x128xf32, #tpu.memory_space<vmem>>
      %dma_wait3A_157 = arith.constant 0 : i32
      %dma_wait3A_158 = tpu.memref_slice %arg8[%add3A_7, %dma_wait3A_157] : memref<10240x128xf32, #tpu.memory_space<vmem_shared>> -> memref<128x128xf32, #tpu.memory_space<vmem_shared>>
      %dma_wait3A_159 = arith.constant 0 : i32
      %dma_wait3A_160 = tpu.memref_slice %arg8[%add3A_7, %dma_wait3A_159] : memref<10240x128xf32, #tpu.memory_space<vmem_shared>> -> memref<128x128xf32, #tpu.memory_space<vmem_shared>>
      %dma_wait3A_161 = arith.constant 0 : i32
      %dma_wait3A_162 = arith.constant 0 : i32
      %dma_wait3A_163 = tpu.memref_slice %arg14[%run_scoped3A_8, %dma_wait3A_161, %dma_wait3A_162] : memref<2x128x128xf32, #tpu.memory_space<vmem>> -> memref<1x128x128xf32, #tpu.memory_space<vmem>>
      %dma_wait3A_164 = tpu.memref_squeeze %dma_wait3A_163 : memref<1x128x128xf32, #tpu.memory_space<vmem>> -> memref<128x128xf32, #tpu.memory_space<vmem>>
      tpu.wait_dma2 semaphore(%run_scoped3A_140 : memref<!tpu.dma_semaphore, #tpu.memory_space<semaphore_mem>>) src(%dma_wait3A_164 : memref<128x128xf32, #tpu.memory_space<vmem>>) dst(%dma_wait3A_160 : memref<128x128xf32, #tpu.memory_space<vmem_shared>>)
      tpu.yield
    }) : () -> ()
    %add3A_9 = arith.constant 384 : i32
    %add3A_10 = arith.addi %mul3A_0, %add3A_9 : i32
    %run_scoped3A_11 = arith.constant 0 : i32
    "tpu.region"() ({
      %run_scoped3A_140 = tpu.sem_alloc : memref<!tpu.dma_semaphore, #tpu.memory_space<semaphore_mem>>
      %dma_start3A_141 = arith.constant 0 : i32
      %dma_start3A_142 = arith.constant 0 : i32
      %dma_start3A_143 = tpu.memref_slice %arg14[%run_scoped3A_11, %dma_start3A_141, %dma_start3A_142] : memref<2x128x128xf32, #tpu.memory_space<vmem>> -> memref<1x128x128xf32, #tpu.memory_space<vmem>>
      %dma_start3A_144 = tpu.memref_squeeze %dma_start3A_143 : memref<1x128x128xf32, #tpu.memory_space<vmem>> -> memref<128x128xf32, #tpu.memory_space<vmem>>
      %dma_start3A_145 = arith.constant 0 : i32
      %dma_start3A_146 = tpu.memref_slice %arg8[%add3A_10, %dma_start3A_145] : memref<10240x128xf32, #tpu.memory_space<vmem_shared>> -> memref<128x128xf32, #tpu.memory_space<vmem_shared>>
      %dma_start3A_147 = arith.constant 0 : i32
      %dma_start3A_148 = tpu.memref_slice %arg8[%add3A_10, %dma_start3A_147] : memref<10240x128xf32, #tpu.memory_space<vmem_shared>> -> memref<128x128xf32, #tpu.memory_space<vmem_shared>>
      %dma_start3A_149 = arith.constant 0 : i32
      %dma_start3A_150 = arith.constant 0 : i32
      %dma_start3A_151 = tpu.memref_slice %arg14[%run_scoped3A_11, %dma_start3A_149, %dma_start3A_150] : memref<2x128x128xf32, #tpu.memory_space<vmem>> -> memref<1x128x128xf32, #tpu.memory_space<vmem>>
      %dma_start3A_152 = tpu.memref_squeeze %dma_start3A_151 : memref<1x128x128xf32, #tpu.memory_space<vmem>> -> memref<128x128xf32, #tpu.memory_space<vmem>>
      tpu.enqueue_dma source(%dma_start3A_152 : memref<128x128xf32, #tpu.memory_space<vmem>>) target(%dma_start3A_148 : memref<128x128xf32, #tpu.memory_space<vmem_shared>>) target_semaphore(%run_scoped3A_140 : memref<!tpu.dma_semaphore, #tpu.memory_space<semaphore_mem>>)
      %dma_wait3A_153 = arith.constant 0 : i32
      %dma_wait3A_154 = arith.constant 0 : i32
      %dma_wait3A_155 = tpu.memref_slice %arg14[%run_scoped3A_11, %dma_wait3A_153, %dma_wait3A_154] : memref<2x128x128xf32, #tpu.memory_space<vmem>> -> memref<1x128x128xf32, #tpu.memory_space<vmem>>
      %dma_wait3A_156 = tpu.memref_squeeze %dma_wait3A_155 : memref<1x128x128xf32, #tpu.memory_space<vmem>> -> memref<128x128xf32, #tpu.memory_space<vmem>>
      %dma_wait3A_157 = arith.constant 0 : i32
      %dma_wait3A_158 = tpu.memref_slice %arg8[%add3A_10, %dma_wait3A_157] : memref<10240x128xf32, #tpu.memory_space<vmem_shared>> -> memref<128x128xf32, #tpu.memory_space<vmem_shared>>
      %dma_wait3A_159 = arith.constant 0 : i32
      %dma_wait3A_160 = tpu.memref_slice %arg8[%add3A_10, %dma_wait3A_159] : memref<10240x128xf32, #tpu.memory_space<vmem_shared>> -> memref<128x128xf32, #tpu.memory_space<vmem_shared>>
      %dma_wait3A_161 = arith.constant 0 : i32
      %dma_wait3A_162 = arith.constant 0 : i32
      %dma_wait3A_163 = tpu.memref_slice %arg14[%run_scoped3A_11, %dma_wait3A_161, %dma_wait3A_162] : memref<2x128x128xf32, #tpu.memory_space<vmem>> -> memref<1x128x128xf32, #tpu.memory_space<vmem>>
      %dma_wait3A_164 = tpu.memref_squeeze %dma_wait3A_163 : memref<1x128x128xf32, #tpu.memory_space<vmem>> -> memref<128x128xf32, #tpu.memory_space<vmem>>
      tpu.wait_dma2 semaphore(%run_scoped3A_140 : memref<!tpu.dma_semaphore, #tpu.memory_space<semaphore_mem>>) src(%dma_wait3A_164 : memref<128x128xf32, #tpu.memory_space<vmem>>) dst(%dma_wait3A_160 : memref<128x128xf32, #tpu.memory_space<vmem_shared>>)
      tpu.yield
    }) : () -> ()
    %add3A_12 = arith.constant 512 : i32
    %add3A_13 = arith.addi %mul3A_0, %add3A_12 : i32
    %run_scoped3A_14 = arith.constant 0 : i32
    "tpu.region"() ({
      %run_scoped3A_140 = tpu.sem_alloc : memref<!tpu.dma_semaphore, #tpu.memory_space<semaphore_mem>>
      %dma_start3A_141 = arith.constant 0 : i32
      %dma_start3A_142 = arith.constant 0 : i32
      %dma_start3A_143 = tpu.memref_slice %arg14[%run_scoped3A_14, %dma_start3A_141, %dma_start3A_142] : memref<2x128x128xf32, #tpu.memory_space<vmem>> -> memref<1x128x128xf32, #tpu.memory_space<vmem>>
      %dma_start3A_144 = tpu.memref_squeeze %dma_start3A_143 : memref<1x128x128xf32, #tpu.memory_space<vmem>> -> memref<128x128xf32, #tpu.memory_space<vmem>>
      %dma_start3A_145 = arith.constant 0 : i32
      %dma_start3A_146 = tpu.memref_slice %arg8[%add3A_13, %dma_start3A_145] : memref<10240x128xf32, #tpu.memory_space<vmem_shared>> -> memref<128x128xf32, #tpu.memory_space<vmem_shared>>
      %dma_start3A_147 = arith.constant 0 : i32
      %dma_start3A_148 = tpu.memref_slice %arg8[%add3A_13, %dma_start3A_147] : memref<10240x128xf32, #tpu.memory_space<vmem_shared>> -> memref<128x128xf32, #tpu.memory_space<vmem_shared>>
      %dma_start3A_149 = arith.constant 0 : i32
      %dma_start3A_150 = arith.constant 0 : i32
      %dma_start3A_151 = tpu.memref_slice %arg14[%run_scoped3A_14, %dma_start3A_149, %dma_start3A_150] : memref<2x128x128xf32, #tpu.memory_space<vmem>> -> memref<1x128x128xf32, #tpu.memory_space<vmem>>
      %dma_start3A_152 = tpu.memref_squeeze %dma_start3A_151 : memref<1x128x128xf32, #tpu.memory_space<vmem>> -> memref<128x128xf32, #tpu.memory_space<vmem>>
      tpu.enqueue_dma source(%dma_start3A_152 : memref<128x128xf32, #tpu.memory_space<vmem>>) target(%dma_start3A_148 : memref<128x128xf32, #tpu.memory_space<vmem_shared>>) target_semaphore(%run_scoped3A_140 : memref<!tpu.dma_semaphore, #tpu.memory_space<semaphore_mem>>)
      %dma_wait3A_153 = arith.constant 0 : i32
      %dma_wait3A_154 = arith.constant 0 : i32
      %dma_wait3A_155 = tpu.memref_slice %arg14[%run_scoped3A_14, %dma_wait3A_153, %dma_wait3A_154] : memref<2x128x128xf32, #tpu.memory_space<vmem>> -> memref<1x128x128xf32, #tpu.memory_space<vmem>>
      %dma_wait3A_156 = tpu.memref_squeeze %dma_wait3A_155 : memref<1x128x128xf32, #tpu.memory_space<vmem>> -> memref<128x128xf32, #tpu.memory_space<vmem>>
      %dma_wait3A_157 = arith.constant 0 : i32
      %dma_wait3A_158 = tpu.memref_slice %arg8[%add3A_13, %dma_wait3A_157] : memref<10240x128xf32, #tpu.memory_space<vmem_shared>> -> memref<128x128xf32, #tpu.memory_space<vmem_shared>>
      %dma_wait3A_159 = arith.constant 0 : i32
      %dma_wait3A_160 = tpu.memref_slice %arg8[%add3A_13, %dma_wait3A_159] : memref<10240x128xf32, #tpu.memory_space<vmem_shared>> -> memref<128x128xf32, #tpu.memory_space<vmem_shared>>
      %dma_wait3A_161 = arith.constant 0 : i32
      %dma_wait3A_162 = arith.constant 0 : i32
      %dma_wait3A_163 = tpu.memref_slice %arg14[%run_scoped3A_14, %dma_wait3A_161, %dma_wait3A_162] : memref<2x128x128xf32, #tpu.memory_space<vmem>> -> memref<1x128x128xf32, #tpu.memory_space<vmem>>
      %dma_wait3A_164 = tpu.memref_squeeze %dma_wait3A_163 : memref<1x128x128xf32, #tpu.memory_space<vmem>> -> memref<128x128xf32, #tpu.memory_space<vmem>>
      tpu.wait_dma2 semaphore(%run_scoped3A_140 : memref<!tpu.dma_semaphore, #tpu.memory_space<semaphore_mem>>) src(%dma_wait3A_164 : memref<128x128xf32, #tpu.memory_space<vmem>>) dst(%dma_wait3A_160 : memref<128x128xf32, #tpu.memory_space<vmem_shared>>)
      tpu.yield
    }) : () -> ()
    %barrier3A = arith.constant 0 : index
    tpu.barrier barrier_id(%barrier3A)
    %mul3A_15 = arith.constant 20000 : i32
    %mul3A_16 = arith.muli %arg1, %mul3A_15 : i32
    %mul3A_17 = arith.constant 640000 : i32
    %mul3A_18 = arith.muli %arg0, %mul3A_17 : i32
    %add3A_19 = arith.addi %mul3A_18, %mul3A_16 : i32
    %add3A_20 = arith.constant 19968 : i32
    %add3A_21 = arith.addi %add3A_19, %add3A_20 : i32
    "tpu.region"() ({
      %run_scoped3A_140 = tpu.sem_alloc : memref<!tpu.dma_semaphore, #tpu.memory_space<semaphore_mem>>
      %dma_start3A_141 = tpu.memref_slice %arg3[%add3A_21] : memref<1280000xi32, #tpu.memory_space<hbm>> -> memref<32xi32, #tpu.memory_space<hbm>>
      %dma_start3A_142 = tpu.memref_slice %arg3[%add3A_21] : memref<1280000xi32, #tpu.memory_space<hbm>> -> memref<32xi32, #tpu.memory_space<hbm>>
      tpu.enqueue_dma source(%dma_start3A_142 : memref<32xi32, #tpu.memory_space<hbm>>) target(%arg12 : memref<32xi32, #tpu.memory_space<vmem>>) target_semaphore(%run_scoped3A_140 : memref<!tpu.dma_semaphore, #tpu.memory_space<semaphore_mem>>)
      %dma_wait3A_143 = tpu.memref_slice %arg3[%add3A_21] : memref<1280000xi32, #tpu.memory_space<hbm>> -> memref<32xi32, #tpu.memory_space<hbm>>
      %dma_wait3A_144 = tpu.memref_slice %arg3[%add3A_21] : memref<1280000xi32, #tpu.memory_space<hbm>> -> memref<32xi32, #tpu.memory_space<hbm>>
      tpu.wait_dma2 semaphore(%run_scoped3A_140 : memref<!tpu.dma_semaphore, #tpu.memory_space<semaphore_mem>>) src(%dma_wait3A_144 : memref<32xi32, #tpu.memory_space<hbm>>) dst(%arg12 : memref<32xi32, #tpu.memory_space<vmem>>)
      tpu.yield
    }) : () -> ()
    %add3A_22 = arith.constant 320000 : i32
    %add3A_23 = arith.addi %mul3A_18, %add3A_22 : i32
    %add3A_24 = arith.addi %add3A_23, %mul3A_16 : i32
    %add3A_25 = arith.constant 19968 : i32
    %add3A_26 = arith.addi %add3A_24, %add3A_25 : i32
    "tpu.region"() ({
      %run_scoped3A_140 = tpu.sem_alloc : memref<!tpu.dma_semaphore, #tpu.memory_space<semaphore_mem>>
      %dma_start3A_141 = tpu.memref_slice %arg3[%add3A_26] : memref<1280000xi32, #tpu.memory_space<hbm>> -> memref<32xi32, #tpu.memory_space<hbm>>
      %dma_start3A_142 = tpu.memref_slice %arg3[%add3A_26] : memref<1280000xi32, #tpu.memory_space<hbm>> -> memref<32xi32, #tpu.memory_space<hbm>>
      tpu.enqueue_dma source(%dma_start3A_142 : memref<32xi32, #tpu.memory_space<hbm>>) target(%arg13 : memref<32xi32, #tpu.memory_space<vmem>>) target_semaphore(%run_scoped3A_140 : memref<!tpu.dma_semaphore, #tpu.memory_space<semaphore_mem>>)
      %dma_wait3A_143 = tpu.memref_slice %arg3[%add3A_26] : memref<1280000xi32, #tpu.memory_space<hbm>> -> memref<32xi32, #tpu.memory_space<hbm>>
      %dma_wait3A_144 = tpu.memref_slice %arg3[%add3A_26] : memref<1280000xi32, #tpu.memory_space<hbm>> -> memref<32xi32, #tpu.memory_space<hbm>>
      tpu.wait_dma2 semaphore(%run_scoped3A_140 : memref<!tpu.dma_semaphore, #tpu.memory_space<semaphore_mem>>) src(%dma_wait3A_144 : memref<32xi32, #tpu.memory_space<hbm>>) dst(%arg13 : memref<32xi32, #tpu.memory_space<vmem>>)
      tpu.yield
    }) : () -> ()
    %dma_start3A = arith.constant 0 : i32
    %dma_start3A_27 = arith.constant 0 : i32
    %dma_start3A_28 = arith.constant 0 : i32
    %dma_start3A_29 = tpu.memref_slice %arg14[%dma_start3A, %dma_start3A_27, %dma_start3A_28] : memref<2x128x128xf32, #tpu.memory_space<vmem>> -> memref<1x32x128xf32, #tpu.memory_space<vmem>>
    %dma_start3A_30 = tpu.memref_squeeze %dma_start3A_29 : memref<1x32x128xf32, #tpu.memory_space<vmem>> -> memref<32x128xf32, #tpu.memory_space<vmem>>
    %dma_start3A_31 = arith.constant 0 : i32
    %dma_start3A_32 = arith.constant 0 : i32
    %dma_start3A_33 = tpu.memref_slice %arg2[%dma_start3A_31, %dma_start3A_32] : memref<10240x128xf32, #tpu.memory_space<hbm>> -> memref<10240x128xf32, #tpu.memory_space<hbm>>
    tpu.enqueue_indirect_dma source(%dma_start3A_33 : memref<10240x128xf32, #tpu.memory_space<hbm>>) target(%dma_start3A_30 : memref<32x128xf32, #tpu.memory_space<vmem>>) offsets(%arg12 : memref<32xi32, #tpu.memory_space<vmem>>) semaphore(%arg16 : memref<!tpu.dma_semaphore, #tpu.memory_space<semaphore_mem>>)
    %dma_wait3A = arith.constant 0 : i32
    %dma_wait3A_34 = arith.constant 0 : i32
    %dma_wait3A_35 = arith.constant 0 : i32
    %dma_wait3A_36 = tpu.memref_slice %arg14[%dma_wait3A, %dma_wait3A_34, %dma_wait3A_35] : memref<2x128x128xf32, #tpu.memory_space<vmem>> -> memref<1x32x128xf32, #tpu.memory_space<vmem>>
    %dma_wait3A_37 = tpu.memref_squeeze %dma_wait3A_36 : memref<1x32x128xf32, #tpu.memory_space<vmem>> -> memref<32x128xf32, #tpu.memory_space<vmem>>
    %dma_wait3A_38 = arith.constant 0 : i32
    %dma_wait3A_39 = arith.constant 0 : i32
    %dma_wait3A_40 = tpu.memref_slice %arg2[%dma_wait3A_38, %dma_wait3A_39] : memref<10240x128xf32, #tpu.memory_space<hbm>> -> memref<10240x128xf32, #tpu.memory_space<hbm>>
    tpu.wait_indirect_dma semaphore(%arg16 : memref<!tpu.dma_semaphore, #tpu.memory_space<semaphore_mem>>) src(%dma_wait3A_40 : memref<10240x128xf32, #tpu.memory_space<hbm>>) dst(%dma_wait3A_37 : memref<32x128xf32, #tpu.memory_space<vmem>>)
    %get3A = arith.constant 0 : index
    %get3A_41 = tpu.vector_load %arg13[%get3A] {strides = array<i32>} : memref<32xi32, #tpu.memory_space<vmem>>, vector<16xi32>,
    %broadcast_in_dim3A = arith.constant 1.000000e+00 : f32
    %broadcast_in_dim3A_42 = vector.broadcast %broadcast_in_dim3A : f32 to vector<16xf32>
    tpu.vector_store_idx %arg15[%get3A_41], %broadcast_in_dim3A_42 {add = true} : memref<10240xf32, #tpu.memory_space<vmem>>[vector<16xi32>], vector<16xf32>,
    %get3A_43 = arith.constant 16 : index
    %get3A_44 = tpu.vector_load %arg13[%get3A_43] {strides = array<i32>} : memref<32xi32, #tpu.memory_space<vmem>>, vector<16xi32>,
    %broadcast_in_dim3A_45 = arith.constant 1.000000e+00 : f32
    %broadcast_in_dim3A_46 = vector.broadcast %broadcast_in_dim3A_45 : f32 to vector<16xf32>
    tpu.vector_store_idx %arg15[%get3A_44], %broadcast_in_dim3A_46 {add = true} : memref<10240xf32, #tpu.memory_space<vmem>>[vector<16xi32>], vector<16xf32>,
    %run_scoped3A_47 = arith.constant 0 : i32
    "tpu.region"() ({
      %run_scoped3A_140 = tpu.sem_alloc : memref<!tpu.dma_semaphore, #tpu.memory_space<semaphore_mem>>
      %dma_start3A_141 = arith.constant 0 : i32
      %dma_start3A_142 = arith.constant 0 : i32
      %dma_start3A_143 = tpu.memref_slice %arg14[%run_scoped3A_47, %dma_start3A_141, %dma_start3A_142] : memref<2x128x128xf32, #tpu.memory_space<vmem>> -> memref<1x32x128xf32, #tpu.memory_space<vmem>>
      %dma_start3A_144 = tpu.memref_squeeze %dma_start3A_143 : memref<1x32x128xf32, #tpu.memory_space<vmem>> -> memref<32x128xf32, #tpu.memory_space<vmem>>
      %dma_start3A_145 = arith.constant 0 : i32
      %dma_start3A_146 = arith.constant 0 : i32
      %dma_start3A_147 = tpu.memref_slice %arg8[%dma_start3A_145, %dma_start3A_146] : memref<10240x128xf32, #tpu.memory_space<vmem_shared>> -> memref<10240x128xf32, #tpu.memory_space<vmem_shared>>
      tpu.enqueue_indirect_dma source(%dma_start3A_144 : memref<32x128xf32, #tpu.memory_space<vmem>>) target(%dma_start3A_147 : memref<10240x128xf32, #tpu.memory_space<vmem_shared>>) offsets(%arg13 : memref<32xi32, #tpu.memory_space<vmem>>) semaphore(%run_scoped3A_140 : memref<!tpu.dma_semaphore, #tpu.memory_space<semaphore_mem>>) {add = true}
      %dma_wait3A_148 = arith.constant 0 : i32
      %dma_wait3A_149 = arith.constant 0 : i32
      %dma_wait3A_150 = tpu.memref_slice %arg14[%run_scoped3A_47, %dma_wait3A_148, %dma_wait3A_149] : memref<2x128x128xf32, #tpu.memory_space<vmem>> -> memref<1x32x128xf32, #tpu.memory_space<vmem>>
      %dma_wait3A_151 = tpu.memref_squeeze %dma_wait3A_150 : memref<1x32x128xf32, #tpu.memory_space<vmem>> -> memref<32x128xf32, #tpu.memory_space<vmem>>
      %dma_wait3A_152 = arith.constant 0 : i32
      %dma_wait3A_153 = arith.constant 0 : i32
      %dma_wait3A_154 = tpu.memref_slice %arg8[%dma_wait3A_152, %dma_wait3A_153] : memref<10240x128xf32, #tpu.memory_space<vmem_shared>> -> memref<10240x128xf32, #tpu.memory_space<vmem_shared>>
      tpu.wait_indirect_dma semaphore(%run_scoped3A_140 : memref<!tpu.dma_semaphore, #tpu.memory_space<semaphore_mem>>) src(%dma_wait3A_151 : memref<32x128xf32, #tpu.memory_space<vmem>>) dst(%dma_wait3A_154 : memref<10240x128xf32, #tpu.memory_space<vmem_shared>>)
      tpu.yield
    }) : () -> ()
    %add3A_48 = arith.addi %mul3A_18, %mul3A_16 : i32
    %add3A_49 = arith.constant 0 : i32
    %add3A_50 = arith.addi %add3A_48, %add3A_49 : i32
    %run_scoped3A_51 = arith.constant 0 : i32
    "tpu.region"() ({
      %run_scoped3A_140 = tpu.sem_alloc : memref<!tpu.dma_semaphore, #tpu.memory_space<semaphore_mem>>
      %dma_start3A_141 = arith.constant 0 : i32
      %dma_start3A_142 = tpu.memref_slice %arg9[%run_scoped3A_51, %dma_start3A_141] : memref<2x128xi32, #tpu.memory_space<vmem>> -> memref<1x128xi32, #tpu.memory_space<vmem>>
      %dma_start3A_143 = tpu.memref_squeeze %dma_start3A_142 : memref<1x128xi32, #tpu.memory_space<vmem>> -> memref<128xi32, #tpu.memory_space<vmem>>
      %dma_start3A_144 = tpu.memref_slice %arg3[%add3A_50] : memref<1280000xi32, #tpu.memory_space<hbm>> -> memref<128xi32, #tpu.memory_space<hbm>>
      %dma_start3A_145 = arith.constant 0 : i32
      %dma_start3A_146 = tpu.memref_slice %arg9[%run_scoped3A_51, %dma_start3A_145] : memref<2x128xi32, #tpu.memory_space<vmem>> -> memref<1x128xi32, #tpu.memory_space<vmem>>
      %dma_start3A_147 = tpu.memref_squeeze %dma_start3A_146 : memref<1x128xi32, #tpu.memory_space<vmem>> -> memref<128xi32, #tpu.memory_space<vmem>>
      %dma_start3A_148 = tpu.memref_slice %arg3[%add3A_50] : memref<1280000xi32, #tpu.memory_space<hbm>> -> memref<128xi32, #tpu.memory_space<hbm>>
      tpu.enqueue_dma source(%dma_start3A_148 : memref<128xi32, #tpu.memory_space<hbm>>) target(%dma_start3A_147 : memref<128xi32, #tpu.memory_space<vmem>>) target_semaphore(%run_scoped3A_140 : memref<!tpu.dma_semaphore, #tpu.memory_space<semaphore_mem>>)
      %dma_wait3A_149 = arith.constant 0 : i32
      %dma_wait3A_150 = tpu.memref_slice %arg9[%run_scoped3A_51, %dma_wait3A_149] : memref<2x128xi32, #tpu.memory_space<vmem>> -> memref<1x128xi32, #tpu.memory_space<vmem>>
      %dma_wait3A_151 = tpu.memref_squeeze %dma_wait3A_150 : memref<1x128xi32, #tpu.memory_space<vmem>> -> memref<128xi32, #tpu.memory_space<vmem>>
      %dma_wait3A_152 = tpu.memref_slice %arg3[%add3A_50] : memref<1280000xi32, #tpu.memory_space<hbm>> -> memref<128xi32, #tpu.memory_space<hbm>>
      %dma_wait3A_153 = arith.constant 0 : i32
      %dma_wait3A_154 = tpu.memref_slice %arg9[%run_scoped3A_51, %dma_wait3A_153] : memref<2x128xi32, #tpu.memory_space<vmem>> -> memref<1x128xi32, #tpu.memory_space<vmem>>
      %dma_wait3A_155 = tpu.memref_squeeze %dma_wait3A_154 : memref<1x128xi32, #tpu.memory_space<vmem>> -> memref<128xi32, #tpu.memory_space<vmem>>
      %dma_wait3A_156 = tpu.memref_slice %arg3[%add3A_50] : memref<1280000xi32, #tpu.memory_space<hbm>> -> memref<128xi32, #tpu.memory_space<hbm>>
      tpu.wait_dma2 semaphore(%run_scoped3A_140 : memref<!tpu.dma_semaphore, #tpu.memory_space<semaphore_mem>>) src(%dma_wait3A_156 : memref<128xi32, #tpu.memory_space<hbm>>) dst(%dma_wait3A_155 : memref<128xi32, #tpu.memory_space<vmem>>)
      tpu.yield
    }) : () -> ()
    %add3A_52 = arith.constant 320000 : i32
    %add3A_53 = arith.addi %mul3A_18, %add3A_52 : i32
    %add3A_54 = arith.addi %add3A_53, %mul3A_16 : i32
    %add3A_55 = arith.constant 0 : i32
    %add3A_56 = arith.addi %add3A_54, %add3A_55 : i32
    %run_scoped3A_57 = arith.constant 0 : i32
    "tpu.region"() ({
      %run_scoped3A_140 = tpu.sem_alloc : memref<!tpu.dma_semaphore, #tpu.memory_space<semaphore_mem>>
      %dma_start3A_141 = arith.constant 0 : i32
      %dma_start3A_142 = tpu.memref_slice %arg10[%run_scoped3A_57, %dma_start3A_141] : memref<2x128xi32, #tpu.memory_space<vmem>> -> memref<1x128xi32, #tpu.memory_space<vmem>>
      %dma_start3A_143 = tpu.memref_squeeze %dma_start3A_142 : memref<1x128xi32, #tpu.memory_space<vmem>> -> memref<128xi32, #tpu.memory_space<vmem>>
      %dma_start3A_144 = tpu.memref_slice %arg3[%add3A_56] : memref<1280000xi32, #tpu.memory_space<hbm>> -> memref<128xi32, #tpu.memory_space<hbm>>
      %dma_start3A_145 = arith.constant 0 : i32
      %dma_start3A_146 = tpu.memref_slice %arg10[%run_scoped3A_57, %dma_start3A_145] : memref<2x128xi32, #tpu.memory_space<vmem>> -> memref<1x128xi32, #tpu.memory_space<vmem>>
      %dma_start3A_147 = tpu.memref_squeeze %dma_start3A_146 : memref<1x128xi32, #tpu.memory_space<vmem>> -> memref<128xi32, #tpu.memory_space<vmem>>
      %dma_start3A_148 = tpu.memref_slice %arg3[%add3A_56] : memref<1280000xi32, #tpu.memory_space<hbm>> -> memref<128xi32, #tpu.memory_space<hbm>>
      tpu.enqueue_dma source(%dma_start3A_148 : memref<128xi32, #tpu.memory_space<hbm>>) target(%dma_start3A_147 : memref<128xi32, #tpu.memory_space<vmem>>) target_semaphore(%run_scoped3A_140 : memref<!tpu.dma_semaphore, #tpu.memory_space<semaphore_mem>>)
      %dma_wait3A_149 = arith.constant 0 : i32
      %dma_wait3A_150 = tpu.memref_slice %arg10[%run_scoped3A_57, %dma_wait3A_149] : memref<2x128xi32, #tpu.memory_space<vmem>> -> memref<1x128xi32, #tpu.memory_space<vmem>>
      %dma_wait3A_151 = tpu.memref_squeeze %dma_wait3A_150 : memref<1x128xi32, #tpu.memory_space<vmem>> -> memref<128xi32, #tpu.memory_space<vmem>>
      %dma_wait3A_152 = tpu.memref_slice %arg3[%add3A_56] : memref<1280000xi32, #tpu.memory_space<hbm>> -> memref<128xi32, #tpu.memory_space<hbm>>
      %dma_wait3A_153 = arith.constant 0 : i32
      %dma_wait3A_154 = tpu.memref_slice %arg10[%run_scoped3A_57, %dma_wait3A_153] : memref<2x128xi32, #tpu.memory_space<vmem>> -> memref<1x128xi32, #tpu.memory_space<vmem>>
      %dma_wait3A_155 = tpu.memref_squeeze %dma_wait3A_154 : memref<1x128xi32, #tpu.memory_space<vmem>> -> memref<128xi32, #tpu.memory_space<vmem>>
      %dma_wait3A_156 = tpu.memref_slice %arg3[%add3A_56] : memref<1280000xi32, #tpu.memory_space<hbm>> -> memref<128xi32, #tpu.memory_space<hbm>>
      tpu.wait_dma2 semaphore(%run_scoped3A_140 : memref<!tpu.dma_semaphore, #tpu.memory_space<semaphore_mem>>) src(%dma_wait3A_156 : memref<128xi32, #tpu.memory_space<hbm>>) dst(%dma_wait3A_155 : memref<128xi32, #tpu.memory_space<vmem>>)
      tpu.yield
    }) : () -> ()
    %dma_start3A_58 = arith.constant 0 : i32
    %dma_start3A_59 = arith.constant 0 : i32
    %dma_start3A_60 = arith.constant 0 : i32
    %dma_start3A_61 = arith.constant 0 : i32
    %dma_start3A_62 = tpu.memref_slice %arg14[%dma_start3A_59, %dma_start3A_60, %dma_start3A_61] : memref<2x128x128xf32, #tpu.memory_space<vmem>> -> memref<1x128x128xf32, #tpu.memory_space<vmem>>
    %dma_start3A_63 = tpu.memref_squeeze %dma_start3A_62 : memref<1x128x128xf32, #tpu.memory_space<vmem>> -> memref<128x128xf32, #tpu.memory_space<vmem>>
    %dma_start3A_64 = arith.constant 0 : i32
    %dma_start3A_65 = tpu.memref_slice %arg9[%dma_start3A_58, %dma_start3A_64] : memref<2x128xi32, #tpu.memory_space<vmem>> -> memref<1x128xi32, #tpu.memory_space<vmem>>
    %dma_start3A_66 = tpu.memref_squeeze %dma_start3A_65 : memref<1x128xi32, #tpu.memory_space<vmem>> -> memref<128xi32, #tpu.memory_space<vmem>>
    %dma_start3A_67 = arith.constant 0 : i32
    %dma_start3A_68 = arith.constant 0 : i32
    %dma_start3A_69 = tpu.memref_slice %arg2[%dma_start3A_67, %dma_start3A_68] : memref<10240x128xf32, #tpu.memory_space<hbm>> -> memref<10240x128xf32, #tpu.memory_space<hbm>>
    tpu.enqueue_indirect_dma source(%dma_start3A_69 : memref<10240x128xf32, #tpu.memory_space<hbm>>) target(%dma_start3A_63 : memref<128x128xf32, #tpu.memory_space<vmem>>) offsets(%dma_start3A_66 : memref<128xi32, #tpu.memory_space<vmem>>) semaphore(%arg16 : memref<!tpu.dma_semaphore, #tpu.memory_space<semaphore_mem>>)
    %add3A_70 = arith.addi %mul3A_18, %mul3A_16 : i32
    %add3A_71 = arith.constant 128 : i32
    %add3A_72 = arith.addi %add3A_70, %add3A_71 : i32
    %dma_start3A_73 = arith.constant 1 : i32
    %dma_start3A_74 = arith.constant 0 : i32
    %dma_start3A_75 = tpu.memref_slice %arg9[%dma_start3A_73, %dma_start3A_74] : memref<2x128xi32, #tpu.memory_space<vmem>> -> memref<1x128xi32, #tpu.memory_space<vmem>>
    %dma_start3A_76 = tpu.memref_squeeze %dma_start3A_75 : memref<1x128xi32, #tpu.memory_space<vmem>> -> memref<128xi32, #tpu.memory_space<vmem>>
    %dma_start3A_77 = tpu.memref_slice %arg3[%add3A_72] : memref<1280000xi32, #tpu.memory_space<hbm>> -> memref<128xi32, #tpu.memory_space<hbm>>
    %dma_start3A_78 = arith.constant 0 : i32
    %dma_start3A_79 = tpu.memref_slice %arg9[%dma_start3A_73, %dma_start3A_78] : memref<2x128xi32, #tpu.memory_space<vmem>> -> memref<1x128xi32, #tpu.memory_space<vmem>>
    %dma_start3A_80 = tpu.memref_squeeze %dma_start3A_79 : memref<1x128xi32, #tpu.memory_space<vmem>> -> memref<128xi32, #tpu.memory_space<vmem>>
    %dma_start3A_81 = tpu.memref_slice %arg3[%add3A_72] : memref<1280000xi32, #tpu.memory_space<hbm>> -> memref<128xi32, #tpu.memory_space<hbm>>
    tpu.enqueue_dma source(%dma_start3A_81 : memref<128xi32, #tpu.memory_space<hbm>>) target(%dma_start3A_80 : memref<128xi32, #tpu.memory_space<vmem>>) target_semaphore(%arg17 : memref<!tpu.dma_semaphore, #tpu.memory_space<semaphore_mem>>)
    %add3A_82 = arith.constant 320000 : i32
    %add3A_83 = arith.addi %mul3A_18, %add3A_82 : i32
    %add3A_84 = arith.addi %add3A_83, %mul3A_16 : i32
    %add3A_85 = arith.constant 128 : i32
    %add3A_86 = arith.addi %add3A_84, %add3A_85 : i32
    %dma_start3A_87 = arith.constant 1 : i32
    %dma_start3A_88 = arith.constant 0 : i32
    %dma_start3A_89 = tpu.memref_slice %arg10[%dma_start3A_87, %dma_start3A_88] : memref<2x128xi32, #tpu.memory_space<vmem>> -> memref<1x128xi32, #tpu.memory_space<vmem>>
    %dma_start3A_90 = tpu.memref_squeeze %dma_start3A_89 : memref<1x128xi32, #tpu.memory_space<vmem>> -> memref<128xi32, #tpu.memory_space<vmem>>
    %dma_start3A_91 = tpu.memref_slice %arg3[%add3A_86] : memref<1280000xi32, #tpu.memory_space<hbm>> -> memref<128xi32, #tpu.memory_space<hbm>>
    %dma_start3A_92 = arith.constant 0 : i32
    %dma_start3A_93 = tpu.memref_slice %arg10[%dma_start3A_87, %dma_start3A_92] : memref<2x128xi32, #tpu.memory_space<vmem>> -> memref<1x128xi32, #tpu.memory_space<vmem>>
    %dma_start3A_94 = tpu.memref_squeeze %dma_start3A_93 : memref<1x128xi32, #tpu.memory_space<vmem>> -> memref<128xi32, #tpu.memory_space<vmem>>
    %dma_start3A_95 = tpu.memref_slice %arg3[%add3A_86] : memref<1280000xi32, #tpu.memory_space<hbm>> -> memref<128xi32, #tpu.memory_space<hbm>>
    tpu.enqueue_dma source(%dma_start3A_95 : memref<128xi32, #tpu.memory_space<hbm>>) target(%dma_start3A_94 : memref<128xi32, #tpu.memory_space<vmem>>) target_semaphore(%arg18 : memref<!tpu.dma_semaphore, #tpu.memory_space<semaphore_mem>>)
    %scan3A = arith.constant 0 : i32
    %scan3A_96 = arith.constant 0 : i32
    %scan3A_97 = arith.constant 156 : i32
    %scan3A_98 = arith.addi %scan3A_96, %scan3A_97 : i32
    %scan3A_99 = arith.constant 1 : i32
    scf.for %scan3A_140 = %scan3A_96 to %scan3A_98 step %scan3A_99  : i32 {
      %rem3A = arith.constant 2 : i32
      %rem3A_141 = arith.remsi %scan3A_140, %rem3A : i32
      %sub3A = arith.constant 1 : i32
      %sub3A_142 = arith.subi %sub3A, %rem3A_141 : i32
      %dma_wait3A_143 = arith.constant 0 : i32
      %dma_wait3A_144 = arith.constant 0 : i32
      %dma_wait3A_145 = tpu.memref_slice %arg14[%rem3A_141, %dma_wait3A_143, %dma_wait3A_144] : memref<2x128x128xf32, #tpu.memory_space<vmem>> -> memref<1x128x128xf32, #tpu.memory_space<vmem>>
      %dma_wait3A_146 = tpu.memref_squeeze %dma_wait3A_145 : memref<1x128x128xf32, #tpu.memory_space<vmem>> -> memref<128x128xf32, #tpu.memory_space<vmem>>
      %dma_wait3A_147 = arith.constant 0 : i32
      %dma_wait3A_148 = tpu.memref_slice %arg9[%rem3A_141, %dma_wait3A_147] : memref<2x128xi32, #tpu.memory_space<vmem>> -> memref<1x128xi32, #tpu.memory_space<vmem>>
      %dma_wait3A_149 = tpu.memref_squeeze %dma_wait3A_148 : memref<1x128xi32, #tpu.memory_space<vmem>> -> memref<128xi32, #tpu.memory_space<vmem>>
      %dma_wait3A_150 = arith.constant 0 : i32
      %dma_wait3A_151 = arith.constant 0 : i32
      %dma_wait3A_152 = tpu.memref_slice %arg2[%dma_wait3A_150, %dma_wait3A_151] : memref<10240x128xf32, #tpu.memory_space<hbm>> -> memref<10240x128xf32, #tpu.memory_space<hbm>>
      tpu.wait_indirect_dma semaphore(%arg16 : memref<!tpu.dma_semaphore, #tpu.memory_space<semaphore_mem>>) src(%dma_wait3A_152 : memref<10240x128xf32, #tpu.memory_space<hbm>>) dst(%dma_wait3A_146 : memref<128x128xf32, #tpu.memory_space<vmem>>)
      %lt3A = arith.constant 155 : i32
      %lt3A_153 = arith.cmpi slt, %scan3A_140, %lt3A : i32
      %convert_element_type3A = arith.extui %lt3A_153 : i1 to i32
      %cond3A = arith.constant 0 : i32
      %cond3A_154 = arith.cmpi ne, %convert_element_type3A, %cond3A : i32
      scf.if %cond3A_154 {
        %add3A_224 = arith.constant 1 : i32
        %add3A_225 = arith.addi %scan3A_140, %add3A_224 : i32
        %add3A_226 = arith.addi %mul3A_18, %mul3A_16 : i32
        %mul3A_227 = arith.constant 128 : i32
        %mul3A_228 = arith.muli %add3A_225, %mul3A_227 : i32
        %add3A_229 = arith.addi %add3A_226, %mul3A_228 : i32
        %dma_wait3A_230 = arith.constant 0 : i32
        %dma_wait3A_231 = tpu.memref_slice %arg9[%sub3A_142, %dma_wait3A_230] : memref<2x128xi32, #tpu.memory_space<vmem>> -> memref<1x128xi32, #tpu.memory_space<vmem>>
        %dma_wait3A_232 = tpu.memref_squeeze %dma_wait3A_231 : memref<1x128xi32, #tpu.memory_space<vmem>> -> memref<128xi32, #tpu.memory_space<vmem>>
        %dma_wait3A_233 = tpu.memref_slice %arg3[%add3A_229] : memref<1280000xi32, #tpu.memory_space<hbm>> -> memref<128xi32, #tpu.memory_space<hbm>>
        %dma_wait3A_234 = arith.constant 0 : i32
        %dma_wait3A_235 = tpu.memref_slice %arg9[%sub3A_142, %dma_wait3A_234] : memref<2x128xi32, #tpu.memory_space<vmem>> -> memref<1x128xi32, #tpu.memory_space<vmem>>
        %dma_wait3A_236 = tpu.memref_squeeze %dma_wait3A_235 : memref<1x128xi32, #tpu.memory_space<vmem>> -> memref<128xi32, #tpu.memory_space<vmem>>
        %dma_wait3A_237 = tpu.memref_slice %arg3[%add3A_229] : memref<1280000xi32, #tpu.memory_space<hbm>> -> memref<128xi32, #tpu.memory_space<hbm>>
        tpu.wait_dma2 semaphore(%arg17 : memref<!tpu.dma_semaphore, #tpu.memory_space<semaphore_mem>>) src(%dma_wait3A_237 : memref<128xi32, #tpu.memory_space<hbm>>) dst(%dma_wait3A_236 : memref<128xi32, #tpu.memory_space<vmem>>)
        %dma_start3A_238 = arith.constant 0 : i32
        %dma_start3A_239 = arith.constant 0 : i32
        %dma_start3A_240 = tpu.memref_slice %arg14[%sub3A_142, %dma_start3A_238, %dma_start3A_239] : memref<2x128x128xf32, #tpu.memory_space<vmem>> -> memref<1x128x128xf32, #tpu.memory_space<vmem>>
        %dma_start3A_241 = tpu.memref_squeeze %dma_start3A_240 : memref<1x128x128xf32, #tpu.memory_space<vmem>> -> memref<128x128xf32, #tpu.memory_space<vmem>>
        %dma_start3A_242 = arith.constant 0 : i32
        %dma_start3A_243 = tpu.memref_slice %arg9[%sub3A_142, %dma_start3A_242] : memref<2x128xi32, #tpu.memory_space<vmem>> -> memref<1x128xi32, #tpu.memory_space<vmem>>
        %dma_start3A_244 = tpu.memref_squeeze %dma_start3A_243 : memref<1x128xi32, #tpu.memory_space<vmem>> -> memref<128xi32, #tpu.memory_space<vmem>>
        %dma_start3A_245 = arith.constant 0 : i32
        %dma_start3A_246 = arith.constant 0 : i32
        %dma_start3A_247 = tpu.memref_slice %arg2[%dma_start3A_245, %dma_start3A_246] : memref<10240x128xf32, #tpu.memory_space<hbm>> -> memref<10240x128xf32, #tpu.memory_space<hbm>>
        tpu.enqueue_indirect_dma source(%dma_start3A_247 : memref<10240x128xf32, #tpu.memory_space<hbm>>) target(%dma_start3A_241 : memref<128x128xf32, #tpu.memory_space<vmem>>) offsets(%dma_start3A_244 : memref<128xi32, #tpu.memory_space<vmem>>) semaphore(%arg16 : memref<!tpu.dma_semaphore, #tpu.memory_space<semaphore_mem>>)
      } else {
      }
      %lt3A_155 = arith.constant 154 : i32
      %lt3A_156 = arith.cmpi slt, %scan3A_140, %lt3A_155 : i32
      %convert_element_type3A_157 = arith.extui %lt3A_156 : i1 to i32
      %cond3A_158 = arith.constant 0 : i32
      %cond3A_159 = arith.cmpi ne, %convert_element_type3A_157, %cond3A_158 : i32
      scf.if %cond3A_159 {
        %add3A_224 = arith.constant 2 : i32
        %add3A_225 = arith.addi %scan3A_140, %add3A_224 : i32
        %add3A_226 = arith.addi %mul3A_18, %mul3A_16 : i32
        %mul3A_227 = arith.constant 128 : i32
        %mul3A_228 = arith.muli %add3A_225, %mul3A_227 : i32
        %add3A_229 = arith.addi %add3A_226, %mul3A_228 : i32
        %dma_start3A_230 = arith.constant 0 : i32
        %dma_start3A_231 = tpu.memref_slice %arg9[%rem3A_141, %dma_start3A_230] : memref<2x128xi32, #tpu.memory_space<vmem>> -> memref<1x128xi32, #tpu.memory_space<vmem>>
        %dma_start3A_232 = tpu.memref_squeeze %dma_start3A_231 : memref<1x128xi32, #tpu.memory_space<vmem>> -> memref<128xi32, #tpu.memory_space<vmem>>
        %dma_start3A_233 = tpu.memref_slice %arg3[%add3A_229] : memref<1280000xi32, #tpu.memory_space<hbm>> -> memref<128xi32, #tpu.memory_space<hbm>>
        %dma_start3A_234 = arith.constant 0 : i32
        %dma_start3A_235 = tpu.memref_slice %arg9[%rem3A_141, %dma_start3A_234] : memref<2x128xi32, #tpu.memory_space<vmem>> -> memref<1x128xi32, #tpu.memory_space<vmem>>
        %dma_start3A_236 = tpu.memref_squeeze %dma_start3A_235 : memref<1x128xi32, #tpu.memory_space<vmem>> -> memref<128xi32, #tpu.memory_space<vmem>>
        %dma_start3A_237 = tpu.memref_slice %arg3[%add3A_229] : memref<1280000xi32, #tpu.memory_space<hbm>> -> memref<128xi32, #tpu.memory_space<hbm>>
        tpu.enqueue_dma source(%dma_start3A_237 : memref<128xi32, #tpu.memory_space<hbm>>) target(%dma_start3A_236 : memref<128xi32, #tpu.memory_space<vmem>>) target_semaphore(%arg17 : memref<!tpu.dma_semaphore, #tpu.memory_space<semaphore_mem>>)
      } else {
      }
      %gt3A = arith.constant 0 : i32
      %gt3A_160 = arith.cmpi sgt, %scan3A_140, %gt3A : i32
      %convert_element_type3A_161 = arith.extui %gt3A_160 : i1 to i32
      %cond3A_162 = arith.constant 0 : i32
      %cond3A_163 = arith.cmpi ne, %convert_element_type3A_161, %cond3A_162 : i32
      scf.if %cond3A_163 {
        %add3A_224 = arith.constant 320000 : i32
        %add3A_225 = arith.addi %mul3A_18, %add3A_224 : i32
        %add3A_226 = arith.addi %add3A_225, %mul3A_16 : i32
        %mul3A_227 = arith.constant 128 : i32
        %mul3A_228 = arith.muli %scan3A_140, %mul3A_227 : i32
        %add3A_229 = arith.addi %add3A_226, %mul3A_228 : i32
        %dma_wait3A_230 = arith.constant 0 : i32
        %dma_wait3A_231 = tpu.memref_slice %arg10[%rem3A_141, %dma_wait3A_230] : memref<2x128xi32, #tpu.memory_space<vmem>> -> memref<1x128xi32, #tpu.memory_space<vmem>>
        %dma_wait3A_232 = tpu.memref_squeeze %dma_wait3A_231 : memref<1x128xi32, #tpu.memory_space<vmem>> -> memref<128xi32, #tpu.memory_space<vmem>>
        %dma_wait3A_233 = tpu.memref_slice %arg3[%add3A_229] : memref<1280000xi32, #tpu.memory_space<hbm>> -> memref<128xi32, #tpu.memory_space<hbm>>
        %dma_wait3A_234 = arith.constant 0 : i32
        %dma_wait3A_235 = tpu.memref_slice %arg10[%rem3A_141, %dma_wait3A_234] : memref<2x128xi32, #tpu.memory_space<vmem>> -> memref<1x128xi32, #tpu.memory_space<vmem>>
        %dma_wait3A_236 = tpu.memref_squeeze %dma_wait3A_235 : memref<1x128xi32, #tpu.memory_space<vmem>> -> memref<128xi32, #tpu.memory_space<vmem>>
        %dma_wait3A_237 = tpu.memref_slice %arg3[%add3A_229] : memref<1280000xi32, #tpu.memory_space<hbm>> -> memref<128xi32, #tpu.memory_space<hbm>>
        tpu.wait_dma2 semaphore(%arg18 : memref<!tpu.dma_semaphore, #tpu.memory_space<semaphore_mem>>) src(%dma_wait3A_237 : memref<128xi32, #tpu.memory_space<hbm>>) dst(%dma_wait3A_236 : memref<128xi32, #tpu.memory_space<vmem>>)
      } else {
      }
      %lt3A_164 = arith.constant 155 : i32
      %lt3A_165 = arith.cmpi slt, %scan3A_140, %lt3A_164 : i32
      %convert_element_type3A_166 = arith.extui %lt3A_165 : i1 to i32
      %cond3A_167 = arith.constant 0 : i32
      %cond3A_168 = arith.cmpi ne, %convert_element_type3A_166, %cond3A_167 : i32
      scf.if %cond3A_168 {
        %add3A_224 = arith.constant 1 : i32
        %add3A_225 = arith.addi %scan3A_140, %add3A_224 : i32
        %add3A_226 = arith.constant 320000 : i32
        %add3A_227 = arith.addi %mul3A_18, %add3A_226 : i32
        %add3A_228 = arith.addi %add3A_227, %mul3A_16 : i32
        %mul3A_229 = arith.constant 128 : i32
        %mul3A_230 = arith.muli %add3A_225, %mul3A_229 : i32
        %add3A_231 = arith.addi %add3A_228, %mul3A_230 : i32
        %dma_start3A_232 = arith.constant 0 : i32
        %dma_start3A_233 = tpu.memref_slice %arg10[%sub3A_142, %dma_start3A_232] : memref<2x128xi32, #tpu.memory_space<vmem>> -> memref<1x128xi32, #tpu.memory_space<vmem>>
        %dma_start3A_234 = tpu.memref_squeeze %dma_start3A_233 : memref<1x128xi32, #tpu.memory_space<vmem>> -> memref<128xi32, #tpu.memory_space<vmem>>
        %dma_start3A_235 = tpu.memref_slice %arg3[%add3A_231] : memref<1280000xi32, #tpu.memory_space<hbm>> -> memref<128xi32, #tpu.memory_space<hbm>>
        %dma_start3A_236 = arith.constant 0 : i32
        %dma_start3A_237 = tpu.memref_slice %arg10[%sub3A_142, %dma_start3A_236] : memref<2x128xi32, #tpu.memory_space<vmem>> -> memref<1x128xi32, #tpu.memory_space<vmem>>
        %dma_start3A_238 = tpu.memref_squeeze %dma_start3A_237 : memref<1x128xi32, #tpu.memory_space<vmem>> -> memref<128xi32, #tpu.memory_space<vmem>>
        %dma_start3A_239 = tpu.memref_slice %arg3[%add3A_231] : memref<1280000xi32, #tpu.memory_space<hbm>> -> memref<128xi32, #tpu.memory_space<hbm>>
        tpu.enqueue_dma source(%dma_start3A_239 : memref<128xi32, #tpu.memory_space<hbm>>) target(%dma_start3A_238 : memref<128xi32, #tpu.memory_space<vmem>>) target_semaphore(%arg18 : memref<!tpu.dma_semaphore, #tpu.memory_space<semaphore_mem>>)
      } else {
      }
      %get3A_169 = arith.index_cast %rem3A_141 : i32 to index
      %get3A_170 = arith.constant 0 : index
      %get3A_171 = tpu.vector_load %arg10[%get3A_169, %get3A_170] {strides = array<i32>} : memref<2x128xi32, #tpu.memory_space<vmem>>, vector<16xi32>,
      %swap3A = arith.constant 0 : index
      %swap3A_172 = tpu.vector_load %arg11[%swap3A] {strides = array<i32>} : memref<128xi32, #tpu.memory_space<vmem>>, vector<16xi32>,
      tpu.vector_store %arg11[%swap3A], %get3A_171 {strides = array<i32>} : memref<128xi32, #tpu.memory_space<vmem>>, vector<16xi32>,
      %broadcast_in_dim3A_173 = arith.constant 1.000000e+00 : f32
      %broadcast_in_dim3A_174 = vector.broadcast %broadcast_in_dim3A_173 : f32 to vector<16xf32>
      tpu.vector_store_idx %arg15[%get3A_171], %broadcast_in_dim3A_174 {add = true} : memref<10240xf32, #tpu.memory_space<vmem>>[vector<16xi32>], vector<16xf32>,
      %get3A_175 = arith.index_cast %rem3A_141 : i32 to index
      %get3A_176 = arith.constant 16 : index
      %get3A_177 = tpu.vector_load %arg10[%get3A_175, %get3A_176] {strides = array<i32>} : memref<2x128xi32, #tpu.memory_space<vmem>>, vector<16xi32>,
      %swap3A_178 = arith.constant 16 : index
      %swap3A_179 = tpu.vector_load %arg11[%swap3A_178] {strides = array<i32>} : memref<128xi32, #tpu.memory_space<vmem>>, vector<16xi32>,
      tpu.vector_store %arg11[%swap3A_178], %get3A_177 {strides = array<i32>} : memref<128xi32, #tpu.memory_space<vmem>>, vector<16xi32>,
      %broadcast_in_dim3A_180 = arith.constant 1.000000e+00 : f32
      %broadcast_in_dim3A_181 = vector.broadcast %broadcast_in_dim3A_180 : f32 to vector<16xf32>
      tpu.vector_store_idx %arg15[%get3A_177], %broadcast_in_dim3A_181 {add = true} : memref<10240xf32, #tpu.memory_space<vmem>>[vector<16xi32>], vector<16xf32>,
      %get3A_182 = arith.index_cast %rem3A_141 : i32 to index
      %get3A_183 = arith.constant 32 : index
      %get3A_184 = tpu.vector_load %arg10[%get3A_182, %get3A_183] {strides = array<i32>} : memref<2x128xi32, #tpu.memory_space<vmem>>, vector<16xi32>,
      %swap3A_185 = arith.constant 32 : index
      %swap3A_186 = tpu.vector_load %arg11[%swap3A_185] {strides = array<i32>} : memref<128xi32, #tpu.memory_space<vmem>>, vector<16xi32>,
      tpu.vector_store %arg11[%swap3A_185], %get3A_184 {strides = array<i32>} : memref<128xi32, #tpu.memory_space<vmem>>, vector<16xi32>,
      %broadcast_in_dim3A_187 = arith.constant 1.000000e+00 : f32
      %broadcast_in_dim3A_188 = vector.broadcast %broadcast_in_dim3A_187 : f32 to vector<16xf32>
      tpu.vector_store_idx %arg15[%get3A_184], %broadcast_in_dim3A_188 {add = true} : memref<10240xf32, #tpu.memory_space<vmem>>[vector<16xi32>], vector<16xf32>,
      %get3A_189 = arith.index_cast %rem3A_141 : i32 to index
      %get3A_190 = arith.constant 48 : index
      %get3A_191 = tpu.vector_load %arg10[%get3A_189, %get3A_190] {strides = array<i32>} : memref<2x128xi32, #tpu.memory_space<vmem>>, vector<16xi32>,
      %swap3A_192 = arith.constant 48 : index
      %swap3A_193 = tpu.vector_load %arg11[%swap3A_192] {strides = array<i32>} : memref<128xi32, #tpu.memory_space<vmem>>, vector<16xi32>,
      tpu.vector_store %arg11[%swap3A_192], %get3A_191 {strides = array<i32>} : memref<128xi32, #tpu.memory_space<vmem>>, vector<16xi32>,
      %broadcast_in_dim3A_194 = arith.constant 1.000000e+00 : f32
      %broadcast_in_dim3A_195 = vector.broadcast %broadcast_in_dim3A_194 : f32 to vector<16xf32>
      tpu.vector_store_idx %arg15[%get3A_191], %broadcast_in_dim3A_195 {add = true} : memref<10240xf32, #tpu.memory_space<vmem>>[vector<16xi32>], vector<16xf32>,
      %get3A_196 = arith.index_cast %rem3A_141 : i32 to index
      %get3A_197 = arith.constant 64 : index
      %get3A_198 = tpu.vector_load %arg10[%get3A_196, %get3A_197] {strides = array<i32>} : memref<2x128xi32, #tpu.memory_space<vmem>>, vector<16xi32>,
      %swap3A_199 = arith.constant 64 : index
      %swap3A_200 = tpu.vector_load %arg11[%swap3A_199] {strides = array<i32>} : memref<128xi32, #tpu.memory_space<vmem>>, vector<16xi32>,
      tpu.vector_store %arg11[%swap3A_199], %get3A_198 {strides = array<i32>} : memref<128xi32, #tpu.memory_space<vmem>>, vector<16xi32>,
      %broadcast_in_dim3A_201 = arith.constant 1.000000e+00 : f32
      %broadcast_in_dim3A_202 = vector.broadcast %broadcast_in_dim3A_201 : f32 to vector<16xf32>
      tpu.vector_store_idx %arg15[%get3A_198], %broadcast_in_dim3A_202 {add = true} : memref<10240xf32, #tpu.memory_space<vmem>>[vector<16xi32>], vector<16xf32>,
      %get3A_203 = arith.index_cast %rem3A_141 : i32 to index
      %get3A_204 = arith.constant 80 : index
      %get3A_205 = tpu.vector_load %arg10[%get3A_203, %get3A_204] {strides = array<i32>} : memref<2x128xi32, #tpu.memory_space<vmem>>, vector<16xi32>,
      %swap3A_206 = arith.constant 80 : index
      %swap3A_207 = tpu.vector_load %arg11[%swap3A_206] {strides = array<i32>} : memref<128xi32, #tpu.memory_space<vmem>>, vector<16xi32>,
      tpu.vector_store %arg11[%swap3A_206], %get3A_205 {strides = array<i32>} : memref<128xi32, #tpu.memory_space<vmem>>, vector<16xi32>,
      %broadcast_in_dim3A_208 = arith.constant 1.000000e+00 : f32
      %broadcast_in_dim3A_209 = vector.broadcast %broadcast_in_dim3A_208 : f32 to vector<16xf32>
      tpu.vector_store_idx %arg15[%get3A_205], %broadcast_in_dim3A_209 {add = true} : memref<10240xf32, #tpu.memory_space<vmem>>[vector<16xi32>], vector<16xf32>,
      %get3A_210 = arith.index_cast %rem3A_141 : i32 to index
      %get3A_211 = arith.constant 96 : index
      %get3A_212 = tpu.vector_load %arg10[%get3A_210, %get3A_211] {strides = array<i32>} : memref<2x128xi32, #tpu.memory_space<vmem>>, vector<16xi32>,
      %swap3A_213 = arith.constant 96 : index
      %swap3A_214 = tpu.vector_load %arg11[%swap3A_213] {strides = array<i32>} : memref<128xi32, #tpu.memory_space<vmem>>, vector<16xi32>,
      tpu.vector_store %arg11[%swap3A_213], %get3A_212 {strides = array<i32>} : memref<128xi32, #tpu.memory_space<vmem>>, vector<16xi32>,
      %broadcast_in_dim3A_215 = arith.constant 1.000000e+00 : f32
      %broadcast_in_dim3A_216 = vector.broadcast %broadcast_in_dim3A_215 : f32 to vector<16xf32>
      tpu.vector_store_idx %arg15[%get3A_212], %broadcast_in_dim3A_216 {add = true} : memref<10240xf32, #tpu.memory_space<vmem>>[vector<16xi32>], vector<16xf32>,
      %get3A_217 = arith.index_cast %rem3A_141 : i32 to index
      %get3A_218 = arith.constant 112 : index
      %get3A_219 = tpu.vector_load %arg10[%get3A_217, %get3A_218] {strides = array<i32>} : memref<2x128xi32, #tpu.memory_space<vmem>>, vector<16xi32>,
      %swap3A_220 = arith.constant 112 : index
      %swap3A_221 = tpu.vector_load %arg11[%swap3A_220] {strides = array<i32>} : memref<128xi32, #tpu.memory_space<vmem>>, vector<16xi32>,
      tpu.vector_store %arg11[%swap3A_220], %get3A_219 {strides = array<i32>} : memref<128xi32, #tpu.memory_space<vmem>>, vector<16xi32>,
      %broadcast_in_dim3A_222 = arith.constant 1.000000e+00 : f32
      %broadcast_in_dim3A_223 = vector.broadcast %broadcast_in_dim3A_222 : f32 to vector<16xf32>
      tpu.vector_store_idx %arg15[%get3A_219], %broadcast_in_dim3A_223 {add = true} : memref<10240xf32, #tpu.memory_space<vmem>>[vector<16xi32>], vector<16xf32>,
      "tpu.region"() ({
        %run_scoped3A_224 = tpu.sem_alloc : memref<!tpu.dma_semaphore, #tpu.memory_space<semaphore_mem>>
        %dma_start3A_225 = arith.constant 0 : i32
        %dma_start3A_226 = arith.constant 0 : i32
        %dma_start3A_227 = tpu.memref_slice %arg14[%rem3A_141, %dma_start3A_225, %dma_start3A_226] : memref<2x128x128xf32, #tpu.memory_space<vmem>> -> memref<1x128x128xf32, #tpu.memory_space<vmem>>
        %dma_start3A_228 = tpu.memref_squeeze %dma_start3A_227 : memref<1x128x128xf32, #tpu.memory_space<vmem>> -> memref<128x128xf32, #tpu.memory_space<vmem>>
        %dma_start3A_229 = arith.constant 0 : i32
        %dma_start3A_230 = arith.constant 0 : i32
        %dma_start3A_231 = tpu.memref_slice %arg8[%dma_start3A_229, %dma_start3A_230] : memref<10240x128xf32, #tpu.memory_space<vmem_shared>> -> memref<10240x128xf32, #tpu.memory_space<vmem_shared>>
        tpu.enqueue_indirect_dma source(%dma_start3A_228 : memref<128x128xf32, #tpu.memory_space<vmem>>) target(%dma_start3A_231 : memref<10240x128xf32, #tpu.memory_space<vmem_shared>>) offsets(%arg11 : memref<128xi32, #tpu.memory_space<vmem>>) semaphore(%run_scoped3A_224 : memref<!tpu.dma_semaphore, #tpu.memory_space<semaphore_mem>>) {add = true}
        %dma_wait3A_232 = arith.constant 0 : i32
        %dma_wait3A_233 = arith.constant 0 : i32
        %dma_wait3A_234 = tpu.memref_slice %arg14[%rem3A_141, %dma_wait3A_232, %dma_wait3A_233] : memref<2x128x128xf32, #tpu.memory_space<vmem>> -> memref<1x128x128xf32, #tpu.memory_space<vmem>>
        %dma_wait3A_235 = tpu.memref_squeeze %dma_wait3A_234 : memref<1x128x128xf32, #tpu.memory_space<vmem>> -> memref<128x128xf32, #tpu.memory_space<vmem>>
        %dma_wait3A_236 = arith.constant 0 : i32
        %dma_wait3A_237 = arith.constant 0 : i32
        %dma_wait3A_238 = tpu.memref_slice %arg8[%dma_wait3A_236, %dma_wait3A_237] : memref<10240x128xf32, #tpu.memory_space<vmem_shared>> -> memref<10240x128xf32, #tpu.memory_space<vmem_shared>>
        tpu.wait_indirect_dma semaphore(%run_scoped3A_224 : memref<!tpu.dma_semaphore, #tpu.memory_space<semaphore_mem>>) src(%dma_wait3A_235 : memref<128x128xf32, #tpu.memory_space<vmem>>) dst(%dma_wait3A_238 : memref<10240x128xf32, #tpu.memory_space<vmem_shared>>)
        tpu.yield
      }) : () -> ()
    }
    %scan3A_100 = arith.constant 156 : i32
    %mul3A_101 = arith.constant 16 : i32
    %mul3A_102 = arith.muli %arg0, %mul3A_101 : i32
    %add3A_103 = arith.addi %mul3A_102, %arg1 : i32
    %mul3A_104 = arith.constant 10240 : i32
    %mul3A_105 = arith.muli %add3A_103, %mul3A_104 : i32
    "tpu.region"() ({
      %run_scoped3A_140 = tpu.sem_alloc : memref<!tpu.dma_semaphore, #tpu.memory_space<semaphore_mem>>
      %dma_start3A_141 = tpu.memref_slice %arg7[%mul3A_105] : memref<327680xf32, #tpu.memory_space<hbm>> -> memref<10240xf32, #tpu.memory_space<hbm>>
      %dma_start3A_142 = tpu.memref_slice %arg7[%mul3A_105] : memref<327680xf32, #tpu.memory_space<hbm>> -> memref<10240xf32, #tpu.memory_space<hbm>>
      tpu.enqueue_dma source(%arg15 : memref<10240xf32, #tpu.memory_space<vmem>>) target(%dma_start3A_142 : memref<10240xf32, #tpu.memory_space<hbm>>) target_semaphore(%run_scoped3A_140 : memref<!tpu.dma_semaphore, #tpu.memory_space<semaphore_mem>>)
      %dma_wait3A_143 = tpu.memref_slice %arg7[%mul3A_105] : memref<327680xf32, #tpu.memory_space<hbm>> -> memref<10240xf32, #tpu.memory_space<hbm>>
      %dma_wait3A_144 = tpu.memref_slice %arg7[%mul3A_105] : memref<327680xf32, #tpu.memory_space<hbm>> -> memref<10240xf32, #tpu.memory_space<hbm>>
      tpu.wait_dma2 semaphore(%run_scoped3A_140 : memref<!tpu.dma_semaphore, #tpu.memory_space<semaphore_mem>>) src(%arg15 : memref<10240xf32, #tpu.memory_space<vmem>>) dst(%dma_wait3A_144 : memref<10240xf32, #tpu.memory_space<hbm>>)
      tpu.yield
    }) : () -> ()
    %barrier3A_106 = arith.constant 0 : index
    tpu.barrier barrier_id(%barrier3A_106)
    %mul3A_107 = arith.constant 10240 : i32
    %mul3A_108 = arith.muli %arg0, %mul3A_107 : i32
    %add3A_109 = arith.addi %mul3A_108, %mul3A_0 : i32
    %add3A_110 = arith.constant 0 : i32
    %add3A_111 = arith.addi %mul3A_0, %add3A_110 : i32
    %run_scoped3A_112 = arith.constant 0 : i32
    "tpu.region"() ({
      %run_scoped3A_140 = tpu.sem_alloc : memref<!tpu.dma_semaphore, #tpu.memory_space<semaphore_mem>>
      %dma_start3A_141 = arith.constant 0 : i32
      %dma_start3A_142 = arith.constant 0 : i32
      %dma_start3A_143 = tpu.memref_slice %arg14[%run_scoped3A_112, %dma_start3A_141, %dma_start3A_142] : memref<2x128x128xf32, #tpu.memory_space<vmem>> -> memref<1x128x128xf32, #tpu.memory_space<vmem>>
      %dma_start3A_144 = tpu.memref_squeeze %dma_start3A_143 : memref<1x128x128xf32, #tpu.memory_space<vmem>> -> memref<128x128xf32, #tpu.memory_space<vmem>>
      %dma_start3A_145 = arith.constant 0 : i32
      %dma_start3A_146 = tpu.memref_slice %arg8[%add3A_111, %dma_start3A_145] : memref<10240x128xf32, #tpu.memory_space<vmem_shared>> -> memref<128x128xf32, #tpu.memory_space<vmem_shared>>
      %dma_start3A_147 = arith.constant 0 : i32
      %dma_start3A_148 = arith.constant 0 : i32
      %dma_start3A_149 = tpu.memref_slice %arg14[%run_scoped3A_112, %dma_start3A_147, %dma_start3A_148] : memref<2x128x128xf32, #tpu.memory_space<vmem>> -> memref<1x128x128xf32, #tpu.memory_space<vmem>>
      %dma_start3A_150 = tpu.memref_squeeze %dma_start3A_149 : memref<1x128x128xf32, #tpu.memory_space<vmem>> -> memref<128x128xf32, #tpu.memory_space<vmem>>
      %dma_start3A_151 = arith.constant 0 : i32
      %dma_start3A_152 = tpu.memref_slice %arg8[%add3A_111, %dma_start3A_151] : memref<10240x128xf32, #tpu.memory_space<vmem_shared>> -> memref<128x128xf32, #tpu.memory_space<vmem_shared>>
      tpu.enqueue_dma source(%dma_start3A_152 : memref<128x128xf32, #tpu.memory_space<vmem_shared>>) target(%dma_start3A_150 : memref<128x128xf32, #tpu.memory_space<vmem>>) target_semaphore(%run_scoped3A_140 : memref<!tpu.dma_semaphore, #tpu.memory_space<semaphore_mem>>)
      %dma_wait3A_153 = arith.constant 0 : i32
      %dma_wait3A_154 = arith.constant 0 : i32
      %dma_wait3A_155 = tpu.memref_slice %arg14[%run_scoped3A_112, %dma_wait3A_153, %dma_wait3A_154] : memref<2x128x128xf32, #tpu.memory_space<vmem>> -> memref<1x128x128xf32, #tpu.memory_space<vmem>>
      %dma_wait3A_156 = tpu.memref_squeeze %dma_wait3A_155 : memref<1x128x128xf32, #tpu.memory_space<vmem>> -> memref<128x128xf32, #tpu.memory_space<vmem>>
      %dma_wait3A_157 = arith.constant 0 : i32
      %dma_wait3A_158 = tpu.memref_slice %arg8[%add3A_111, %dma_wait3A_157] : memref<10240x128xf32, #tpu.memory_space<vmem_shared>> -> memref<128x128xf32, #tpu.memory_space<vmem_shared>>
      %dma_wait3A_159 = arith.constant 0 : i32
      %dma_wait3A_160 = arith.constant 0 : i32
      %dma_wait3A_161 = tpu.memref_slice %arg14[%run_scoped3A_112, %dma_wait3A_159, %dma_wait3A_160] : memref<2x128x128xf32, #tpu.memory_space<vmem>> -> memref<1x128x128xf32, #tpu.memory_space<vmem>>
      %dma_wait3A_162 = tpu.memref_squeeze %dma_wait3A_161 : memref<1x128x128xf32, #tpu.memory_space<vmem>> -> memref<128x128xf32, #tpu.memory_space<vmem>>
      %dma_wait3A_163 = arith.constant 0 : i32
      %dma_wait3A_164 = tpu.memref_slice %arg8[%add3A_111, %dma_wait3A_163] : memref<10240x128xf32, #tpu.memory_space<vmem_shared>> -> memref<128x128xf32, #tpu.memory_space<vmem_shared>>
      tpu.wait_dma2 semaphore(%run_scoped3A_140 : memref<!tpu.dma_semaphore, #tpu.memory_space<semaphore_mem>>) src(%dma_wait3A_164 : memref<128x128xf32, #tpu.memory_space<vmem_shared>>) dst(%dma_wait3A_162 : memref<128x128xf32, #tpu.memory_space<vmem>>)
      tpu.yield
    }) : () -> ()
    %add3A_113 = arith.constant 0 : i32
    %add3A_114 = arith.addi %add3A_109, %add3A_113 : i32
    %run_scoped3A_115 = arith.constant 0 : i32
    "tpu.region"() ({
      %run_scoped3A_140 = tpu.sem_alloc : memref<!tpu.dma_semaphore, #tpu.memory_space<semaphore_mem>>
      %dma_start3A_141 = arith.constant 0 : i32
      %dma_start3A_142 = arith.constant 0 : i32
      %dma_start3A_143 = tpu.memref_slice %arg14[%run_scoped3A_115, %dma_start3A_141, %dma_start3A_142] : memref<2x128x128xf32, #tpu.memory_space<vmem>> -> memref<1x128x128xf32, #tpu.memory_space<vmem>>
      %dma_start3A_144 = tpu.memref_squeeze %dma_start3A_143 : memref<1x128x128xf32, #tpu.memory_space<vmem>> -> memref<128x128xf32, #tpu.memory_space<vmem>>
      %dma_start3A_145 = arith.constant 0 : i32
      %dma_start3A_146 = tpu.memref_slice %arg6[%add3A_114, %dma_start3A_145] : memref<20480x128xf32, #tpu.memory_space<hbm>> -> memref<128x128xf32, #tpu.memory_space<hbm>>
      %dma_start3A_147 = arith.constant 0 : i32
      %dma_start3A_148 = tpu.memref_slice %arg6[%add3A_114, %dma_start3A_147] : memref<20480x128xf32, #tpu.memory_space<hbm>> -> memref<128x128xf32, #tpu.memory_space<hbm>>
      %dma_start3A_149 = arith.constant 0 : i32
      %dma_start3A_150 = arith.constant 0 : i32
      %dma_start3A_151 = tpu.memref_slice %arg14[%run_scoped3A_115, %dma_start3A_149, %dma_start3A_150] : memref<2x128x128xf32, #tpu.memory_space<vmem>> -> memref<1x128x128xf32, #tpu.memory_space<vmem>>
      %dma_start3A_152 = tpu.memref_squeeze %dma_start3A_151 : memref<1x128x128xf32, #tpu.memory_space<vmem>> -> memref<128x128xf32, #tpu.memory_space<vmem>>
      tpu.enqueue_dma source(%dma_start3A_152 : memref<128x128xf32, #tpu.memory_space<vmem>>) target(%dma_start3A_148 : memref<128x128xf32, #tpu.memory_space<hbm>>) target_semaphore(%run_scoped3A_140 : memref<!tpu.dma_semaphore, #tpu.memory_space<semaphore_mem>>)
      %dma_wait3A_153 = arith.constant 0 : i32
      %dma_wait3A_154 = arith.constant 0 : i32
      %dma_wait3A_155 = tpu.memref_slice %arg14[%run_scoped3A_115, %dma_wait3A_153, %dma_wait3A_154] : memref<2x128x128xf32, #tpu.memory_space<vmem>> -> memref<1x128x128xf32, #tpu.memory_space<vmem>>
      %dma_wait3A_156 = tpu.memref_squeeze %dma_wait3A_155 : memref<1x128x128xf32, #tpu.memory_space<vmem>> -> memref<128x128xf32, #tpu.memory_space<vmem>>
      %dma_wait3A_157 = arith.constant 0 : i32
      %dma_wait3A_158 = tpu.memref_slice %arg6[%add3A_114, %dma_wait3A_157] : memref<20480x128xf32, #tpu.memory_space<hbm>> -> memref<128x128xf32, #tpu.memory_space<hbm>>
      %dma_wait3A_159 = arith.constant 0 : i32
      %dma_wait3A_160 = tpu.memref_slice %arg6[%add3A_114, %dma_wait3A_159] : memref<20480x128xf32, #tpu.memory_space<hbm>> -> memref<128x128xf32, #tpu.memory_space<hbm>>
      %dma_wait3A_161 = arith.constant 0 : i32
      %dma_wait3A_162 = arith.constant 0 : i32
      %dma_wait3A_163 = tpu.memref_slice %arg14[%run_scoped3A_115, %dma_wait3A_161, %dma_wait3A_162] : memref<2x128x128xf32, #tpu.memory_space<vmem>> -> memref<1x128x128xf32, #tpu.memory_space<vmem>>
      %dma_wait3A_164 = tpu.memref_squeeze %dma_wait3A_163 : memref<1x128x128xf32, #tpu.memory_space<vmem>> -> memref<128x128xf32, #tpu.memory_space<vmem>>
      tpu.wait_dma2 semaphore(%run_scoped3A_140 : memref<!tpu.dma_semaphore, #tpu.memory_space<semaphore_mem>>) src(%dma_wait3A_164 : memref<128x128xf32, #tpu.memory_space<vmem>>) dst(%dma_wait3A_160 : memref<128x128xf32, #tpu.memory_space<hbm>>)
      tpu.yield
    }) : () -> ()
    %add3A_116 = arith.constant 128 : i32
    %add3A_117 = arith.addi %mul3A_0, %add3A_116 : i32
    %run_scoped3A_118 = arith.constant 0 : i32
    "tpu.region"() ({
      %run_scoped3A_140 = tpu.sem_alloc : memref<!tpu.dma_semaphore, #tpu.memory_space<semaphore_mem>>
      %dma_start3A_141 = arith.constant 0 : i32
      %dma_start3A_142 = arith.constant 0 : i32
      %dma_start3A_143 = tpu.memref_slice %arg14[%run_scoped3A_118, %dma_start3A_141, %dma_start3A_142] : memref<2x128x128xf32, #tpu.memory_space<vmem>> -> memref<1x128x128xf32, #tpu.memory_space<vmem>>
      %dma_start3A_144 = tpu.memref_squeeze %dma_start3A_143 : memref<1x128x128xf32, #tpu.memory_space<vmem>> -> memref<128x128xf32, #tpu.memory_space<vmem>>
      %dma_start3A_145 = arith.constant 0 : i32
      %dma_start3A_146 = tpu.memref_slice %arg8[%add3A_117, %dma_start3A_145] : memref<10240x128xf32, #tpu.memory_space<vmem_shared>> -> memref<128x128xf32, #tpu.memory_space<vmem_shared>>
      %dma_start3A_147 = arith.constant 0 : i32
      %dma_start3A_148 = arith.constant 0 : i32
      %dma_start3A_149 = tpu.memref_slice %arg14[%run_scoped3A_118, %dma_start3A_147, %dma_start3A_148] : memref<2x128x128xf32, #tpu.memory_space<vmem>> -> memref<1x128x128xf32, #tpu.memory_space<vmem>>
      %dma_start3A_150 = tpu.memref_squeeze %dma_start3A_149 : memref<1x128x128xf32, #tpu.memory_space<vmem>> -> memref<128x128xf32, #tpu.memory_space<vmem>>
      %dma_start3A_151 = arith.constant 0 : i32
      %dma_start3A_152 = tpu.memref_slice %arg8[%add3A_117, %dma_start3A_151] : memref<10240x128xf32, #tpu.memory_space<vmem_shared>> -> memref<128x128xf32, #tpu.memory_space<vmem_shared>>
      tpu.enqueue_dma source(%dma_start3A_152 : memref<128x128xf32, #tpu.memory_space<vmem_shared>>) target(%dma_start3A_150 : memref<128x128xf32, #tpu.memory_space<vmem>>) target_semaphore(%run_scoped3A_140 : memref<!tpu.dma_semaphore, #tpu.memory_space<semaphore_mem>>)
      %dma_wait3A_153 = arith.constant 0 : i32
      %dma_wait3A_154 = arith.constant 0 : i32
      %dma_wait3A_155 = tpu.memref_slice %arg14[%run_scoped3A_118, %dma_wait3A_153, %dma_wait3A_154] : memref<2x128x128xf32, #tpu.memory_space<vmem>> -> memref<1x128x128xf32, #tpu.memory_space<vmem>>
      %dma_wait3A_156 = tpu.memref_squeeze %dma_wait3A_155 : memref<1x128x128xf32, #tpu.memory_space<vmem>> -> memref<128x128xf32, #tpu.memory_space<vmem>>
      %dma_wait3A_157 = arith.constant 0 : i32
      %dma_wait3A_158 = tpu.memref_slice %arg8[%add3A_117, %dma_wait3A_157] : memref<10240x128xf32, #tpu.memory_space<vmem_shared>> -> memref<128x128xf32, #tpu.memory_space<vmem_shared>>
      %dma_wait3A_159 = arith.constant 0 : i32
      %dma_wait3A_160 = arith.constant 0 : i32
      %dma_wait3A_161 = tpu.memref_slice %arg14[%run_scoped3A_118, %dma_wait3A_159, %dma_wait3A_160] : memref<2x128x128xf32, #tpu.memory_space<vmem>> -> memref<1x128x128xf32, #tpu.memory_space<vmem>>
      %dma_wait3A_162 = tpu.memref_squeeze %dma_wait3A_161 : memref<1x128x128xf32, #tpu.memory_space<vmem>> -> memref<128x128xf32, #tpu.memory_space<vmem>>
      %dma_wait3A_163 = arith.constant 0 : i32
      %dma_wait3A_164 = tpu.memref_slice %arg8[%add3A_117, %dma_wait3A_163] : memref<10240x128xf32, #tpu.memory_space<vmem_shared>> -> memref<128x128xf32, #tpu.memory_space<vmem_shared>>
      tpu.wait_dma2 semaphore(%run_scoped3A_140 : memref<!tpu.dma_semaphore, #tpu.memory_space<semaphore_mem>>) src(%dma_wait3A_164 : memref<128x128xf32, #tpu.memory_space<vmem_shared>>) dst(%dma_wait3A_162 : memref<128x128xf32, #tpu.memory_space<vmem>>)
      tpu.yield
    }) : () -> ()
    %add3A_119 = arith.constant 128 : i32
    %add3A_120 = arith.addi %add3A_109, %add3A_119 : i32
    %run_scoped3A_121 = arith.constant 0 : i32
    "tpu.region"() ({
      %run_scoped3A_140 = tpu.sem_alloc : memref<!tpu.dma_semaphore, #tpu.memory_space<semaphore_mem>>
      %dma_start3A_141 = arith.constant 0 : i32
      %dma_start3A_142 = arith.constant 0 : i32
      %dma_start3A_143 = tpu.memref_slice %arg14[%run_scoped3A_121, %dma_start3A_141, %dma_start3A_142] : memref<2x128x128xf32, #tpu.memory_space<vmem>> -> memref<1x128x128xf32, #tpu.memory_space<vmem>>
      %dma_start3A_144 = tpu.memref_squeeze %dma_start3A_143 : memref<1x128x128xf32, #tpu.memory_space<vmem>> -> memref<128x128xf32, #tpu.memory_space<vmem>>
      %dma_start3A_145 = arith.constant 0 : i32
      %dma_start3A_146 = tpu.memref_slice %arg6[%add3A_120, %dma_start3A_145] : memref<20480x128xf32, #tpu.memory_space<hbm>> -> memref<128x128xf32, #tpu.memory_space<hbm>>
      %dma_start3A_147 = arith.constant 0 : i32
      %dma_start3A_148 = tpu.memref_slice %arg6[%add3A_120, %dma_start3A_147] : memref<20480x128xf32, #tpu.memory_space<hbm>> -> memref<128x128xf32, #tpu.memory_space<hbm>>
      %dma_start3A_149 = arith.constant 0 : i32
      %dma_start3A_150 = arith.constant 0 : i32
      %dma_start3A_151 = tpu.memref_slice %arg14[%run_scoped3A_121, %dma_start3A_149, %dma_start3A_150] : memref<2x128x128xf32, #tpu.memory_space<vmem>> -> memref<1x128x128xf32, #tpu.memory_space<vmem>>
      %dma_start3A_152 = tpu.memref_squeeze %dma_start3A_151 : memref<1x128x128xf32, #tpu.memory_space<vmem>> -> memref<128x128xf32, #tpu.memory_space<vmem>>
      tpu.enqueue_dma source(%dma_start3A_152 : memref<128x128xf32, #tpu.memory_space<vmem>>) target(%dma_start3A_148 : memref<128x128xf32, #tpu.memory_space<hbm>>) target_semaphore(%run_scoped3A_140 : memref<!tpu.dma_semaphore, #tpu.memory_space<semaphore_mem>>)
      %dma_wait3A_153 = arith.constant 0 : i32
      %dma_wait3A_154 = arith.constant 0 : i32
      %dma_wait3A_155 = tpu.memref_slice %arg14[%run_scoped3A_121, %dma_wait3A_153, %dma_wait3A_154] : memref<2x128x128xf32, #tpu.memory_space<vmem>> -> memref<1x128x128xf32, #tpu.memory_space<vmem>>
      %dma_wait3A_156 = tpu.memref_squeeze %dma_wait3A_155 : memref<1x128x128xf32, #tpu.memory_space<vmem>> -> memref<128x128xf32, #tpu.memory_space<vmem>>
      %dma_wait3A_157 = arith.constant 0 : i32
      %dma_wait3A_158 = tpu.memref_slice %arg6[%add3A_120, %dma_wait3A_157] : memref<20480x128xf32, #tpu.memory_space<hbm>> -> memref<128x128xf32, #tpu.memory_space<hbm>>
      %dma_wait3A_159 = arith.constant 0 : i32
      %dma_wait3A_160 = tpu.memref_slice %arg6[%add3A_120, %dma_wait3A_159] : memref<20480x128xf32, #tpu.memory_space<hbm>> -> memref<128x128xf32, #tpu.memory_space<hbm>>
      %dma_wait3A_161 = arith.constant 0 : i32
      %dma_wait3A_162 = arith.constant 0 : i32
      %dma_wait3A_163 = tpu.memref_slice %arg14[%run_scoped3A_121, %dma_wait3A_161, %dma_wait3A_162] : memref<2x128x128xf32, #tpu.memory_space<vmem>> -> memref<1x128x128xf32, #tpu.memory_space<vmem>>
      %dma_wait3A_164 = tpu.memref_squeeze %dma_wait3A_163 : memref<1x128x128xf32, #tpu.memory_space<vmem>> -> memref<128x128xf32, #tpu.memory_space<vmem>>
      tpu.wait_dma2 semaphore(%run_scoped3A_140 : memref<!tpu.dma_semaphore, #tpu.memory_space<semaphore_mem>>) src(%dma_wait3A_164 : memref<128x128xf32, #tpu.memory_space<vmem>>) dst(%dma_wait3A_160 : memref<128x128xf32, #tpu.memory_space<hbm>>)
      tpu.yield
    }) : () -> ()
    %add3A_122 = arith.constant 256 : i32
    %add3A_123 = arith.addi %mul3A_0, %add3A_122 : i32
    %run_scoped3A_124 = arith.constant 0 : i32
    "tpu.region"() ({
      %run_scoped3A_140 = tpu.sem_alloc : memref<!tpu.dma_semaphore, #tpu.memory_space<semaphore_mem>>
      %dma_start3A_141 = arith.constant 0 : i32
      %dma_start3A_142 = arith.constant 0 : i32
      %dma_start3A_143 = tpu.memref_slice %arg14[%run_scoped3A_124, %dma_start3A_141, %dma_start3A_142] : memref<2x128x128xf32, #tpu.memory_space<vmem>> -> memref<1x128x128xf32, #tpu.memory_space<vmem>>
      %dma_start3A_144 = tpu.memref_squeeze %dma_start3A_143 : memref<1x128x128xf32, #tpu.memory_space<vmem>> -> memref<128x128xf32, #tpu.memory_space<vmem>>
      %dma_start3A_145 = arith.constant 0 : i32
      %dma_start3A_146 = tpu.memref_slice %arg8[%add3A_123, %dma_start3A_145] : memref<10240x128xf32, #tpu.memory_space<vmem_shared>> -> memref<128x128xf32, #tpu.memory_space<vmem_shared>>
      %dma_start3A_147 = arith.constant 0 : i32
      %dma_start3A_148 = arith.constant 0 : i32
      %dma_start3A_149 = tpu.memref_slice %arg14[%run_scoped3A_124, %dma_start3A_147, %dma_start3A_148] : memref<2x128x128xf32, #tpu.memory_space<vmem>> -> memref<1x128x128xf32, #tpu.memory_space<vmem>>
      %dma_start3A_150 = tpu.memref_squeeze %dma_start3A_149 : memref<1x128x128xf32, #tpu.memory_space<vmem>> -> memref<128x128xf32, #tpu.memory_space<vmem>>
      %dma_start3A_151 = arith.constant 0 : i32
      %dma_start3A_152 = tpu.memref_slice %arg8[%add3A_123, %dma_start3A_151] : memref<10240x128xf32, #tpu.memory_space<vmem_shared>> -> memref<128x128xf32, #tpu.memory_space<vmem_shared>>
      tpu.enqueue_dma source(%dma_start3A_152 : memref<128x128xf32, #tpu.memory_space<vmem_shared>>) target(%dma_start3A_150 : memref<128x128xf32, #tpu.memory_space<vmem>>) target_semaphore(%run_scoped3A_140 : memref<!tpu.dma_semaphore, #tpu.memory_space<semaphore_mem>>)
      %dma_wait3A_153 = arith.constant 0 : i32
      %dma_wait3A_154 = arith.constant 0 : i32
      %dma_wait3A_155 = tpu.memref_slice %arg14[%run_scoped3A_124, %dma_wait3A_153, %dma_wait3A_154] : memref<2x128x128xf32, #tpu.memory_space<vmem>> -> memref<1x128x128xf32, #tpu.memory_space<vmem>>
      %dma_wait3A_156 = tpu.memref_squeeze %dma_wait3A_155 : memref<1x128x128xf32, #tpu.memory_space<vmem>> -> memref<128x128xf32, #tpu.memory_space<vmem>>
      %dma_wait3A_157 = arith.constant 0 : i32
      %dma_wait3A_158 = tpu.memref_slice %arg8[%add3A_123, %dma_wait3A_157] : memref<10240x128xf32, #tpu.memory_space<vmem_shared>> -> memref<128x128xf32, #tpu.memory_space<vmem_shared>>
      %dma_wait3A_159 = arith.constant 0 : i32
      %dma_wait3A_160 = arith.constant 0 : i32
      %dma_wait3A_161 = tpu.memref_slice %arg14[%run_scoped3A_124, %dma_wait3A_159, %dma_wait3A_160] : memref<2x128x128xf32, #tpu.memory_space<vmem>> -> memref<1x128x128xf32, #tpu.memory_space<vmem>>
      %dma_wait3A_162 = tpu.memref_squeeze %dma_wait3A_161 : memref<1x128x128xf32, #tpu.memory_space<vmem>> -> memref<128x128xf32, #tpu.memory_space<vmem>>
      %dma_wait3A_163 = arith.constant 0 : i32
      %dma_wait3A_164 = tpu.memref_slice %arg8[%add3A_123, %dma_wait3A_163] : memref<10240x128xf32, #tpu.memory_space<vmem_shared>> -> memref<128x128xf32, #tpu.memory_space<vmem_shared>>
      tpu.wait_dma2 semaphore(%run_scoped3A_140 : memref<!tpu.dma_semaphore, #tpu.memory_space<semaphore_mem>>) src(%dma_wait3A_164 : memref<128x128xf32, #tpu.memory_space<vmem_shared>>) dst(%dma_wait3A_162 : memref<128x128xf32, #tpu.memory_space<vmem>>)
      tpu.yield
    }) : () -> ()
    %add3A_125 = arith.constant 256 : i32
    %add3A_126 = arith.addi %add3A_109, %add3A_125 : i32
    %run_scoped3A_127 = arith.constant 0 : i32
    "tpu.region"() ({
      %run_scoped3A_140 = tpu.sem_alloc : memref<!tpu.dma_semaphore, #tpu.memory_space<semaphore_mem>>
      %dma_start3A_141 = arith.constant 0 : i32
      %dma_start3A_142 = arith.constant 0 : i32
      %dma_start3A_143 = tpu.memref_slice %arg14[%run_scoped3A_127, %dma_start3A_141, %dma_start3A_142] : memref<2x128x128xf32, #tpu.memory_space<vmem>> -> memref<1x128x128xf32, #tpu.memory_space<vmem>>
      %dma_start3A_144 = tpu.memref_squeeze %dma_start3A_143 : memref<1x128x128xf32, #tpu.memory_space<vmem>> -> memref<128x128xf32, #tpu.memory_space<vmem>>
      %dma_start3A_145 = arith.constant 0 : i32
      %dma_start3A_146 = tpu.memref_slice %arg6[%add3A_126, %dma_start3A_145] : memref<20480x128xf32, #tpu.memory_space<hbm>> -> memref<128x128xf32, #tpu.memory_space<hbm>>
      %dma_start3A_147 = arith.constant 0 : i32
      %dma_start3A_148 = tpu.memref_slice %arg6[%add3A_126, %dma_start3A_147] : memref<20480x128xf32, #tpu.memory_space<hbm>> -> memref<128x128xf32, #tpu.memory_space<hbm>>
      %dma_start3A_149 = arith.constant 0 : i32
      %dma_start3A_150 = arith.constant 0 : i32
      %dma_start3A_151 = tpu.memref_slice %arg14[%run_scoped3A_127, %dma_start3A_149, %dma_start3A_150] : memref<2x128x128xf32, #tpu.memory_space<vmem>> -> memref<1x128x128xf32, #tpu.memory_space<vmem>>
      %dma_start3A_152 = tpu.memref_squeeze %dma_start3A_151 : memref<1x128x128xf32, #tpu.memory_space<vmem>> -> memref<128x128xf32, #tpu.memory_space<vmem>>
      tpu.enqueue_dma source(%dma_start3A_152 : memref<128x128xf32, #tpu.memory_space<vmem>>) target(%dma_start3A_148 : memref<128x128xf32, #tpu.memory_space<hbm>>) target_semaphore(%run_scoped3A_140 : memref<!tpu.dma_semaphore, #tpu.memory_space<semaphore_mem>>)
      %dma_wait3A_153 = arith.constant 0 : i32
      %dma_wait3A_154 = arith.constant 0 : i32
      %dma_wait3A_155 = tpu.memref_slice %arg14[%run_scoped3A_127, %dma_wait3A_153, %dma_wait3A_154] : memref<2x128x128xf32, #tpu.memory_space<vmem>> -> memref<1x128x128xf32, #tpu.memory_space<vmem>>
      %dma_wait3A_156 = tpu.memref_squeeze %dma_wait3A_155 : memref<1x128x128xf32, #tpu.memory_space<vmem>> -> memref<128x128xf32, #tpu.memory_space<vmem>>
      %dma_wait3A_157 = arith.constant 0 : i32
      %dma_wait3A_158 = tpu.memref_slice %arg6[%add3A_126, %dma_wait3A_157] : memref<20480x128xf32, #tpu.memory_space<hbm>> -> memref<128x128xf32, #tpu.memory_space<hbm>>
      %dma_wait3A_159 = arith.constant 0 : i32
      %dma_wait3A_160 = tpu.memref_slice %arg6[%add3A_126, %dma_wait3A_159] : memref<20480x128xf32, #tpu.memory_space<hbm>> -> memref<128x128xf32, #tpu.memory_space<hbm>>
      %dma_wait3A_161 = arith.constant 0 : i32
      %dma_wait3A_162 = arith.constant 0 : i32
      %dma_wait3A_163 = tpu.memref_slice %arg14[%run_scoped3A_127, %dma_wait3A_161, %dma_wait3A_162] : memref<2x128x128xf32, #tpu.memory_space<vmem>> -> memref<1x128x128xf32, #tpu.memory_space<vmem>>
      %dma_wait3A_164 = tpu.memref_squeeze %dma_wait3A_163 : memref<1x128x128xf32, #tpu.memory_space<vmem>> -> memref<128x128xf32, #tpu.memory_space<vmem>>
      tpu.wait_dma2 semaphore(%run_scoped3A_140 : memref<!tpu.dma_semaphore, #tpu.memory_space<semaphore_mem>>) src(%dma_wait3A_164 : memref<128x128xf32, #tpu.memory_space<vmem>>) dst(%dma_wait3A_160 : memref<128x128xf32, #tpu.memory_space<hbm>>)
      tpu.yield
    }) : () -> ()
    %add3A_128 = arith.constant 384 : i32
    %add3A_129 = arith.addi %mul3A_0, %add3A_128 : i32
    %run_scoped3A_130 = arith.constant 0 : i32
    "tpu.region"() ({
      %run_scoped3A_140 = tpu.sem_alloc : memref<!tpu.dma_semaphore, #tpu.memory_space<semaphore_mem>>
      %dma_start3A_141 = arith.constant 0 : i32
      %dma_start3A_142 = arith.constant 0 : i32
      %dma_start3A_143 = tpu.memref_slice %arg14[%run_scoped3A_130, %dma_start3A_141, %dma_start3A_142] : memref<2x128x128xf32, #tpu.memory_space<vmem>> -> memref<1x128x128xf32, #tpu.memory_space<vmem>>
      %dma_start3A_144 = tpu.memref_squeeze %dma_start3A_143 : memref<1x128x128xf32, #tpu.memory_space<vmem>> -> memref<128x128xf32, #tpu.memory_space<vmem>>
      %dma_start3A_145 = arith.constant 0 : i32
      %dma_start3A_146 = tpu.memref_slice %arg8[%add3A_129, %dma_start3A_145] : memref<10240x128xf32, #tpu.memory_space<vmem_shared>> -> memref<128x128xf32, #tpu.memory_space<vmem_shared>>
      %dma_start3A_147 = arith.constant 0 : i32
      %dma_start3A_148 = arith.constant 0 : i32
      %dma_start3A_149 = tpu.memref_slice %arg14[%run_scoped3A_130, %dma_start3A_147, %dma_start3A_148] : memref<2x128x128xf32, #tpu.memory_space<vmem>> -> memref<1x128x128xf32, #tpu.memory_space<vmem>>
      %dma_start3A_150 = tpu.memref_squeeze %dma_start3A_149 : memref<1x128x128xf32, #tpu.memory_space<vmem>> -> memref<128x128xf32, #tpu.memory_space<vmem>>
      %dma_start3A_151 = arith.constant 0 : i32
      %dma_start3A_152 = tpu.memref_slice %arg8[%add3A_129, %dma_start3A_151] : memref<10240x128xf32, #tpu.memory_space<vmem_shared>> -> memref<128x128xf32, #tpu.memory_space<vmem_shared>>
      tpu.enqueue_dma source(%dma_start3A_152 : memref<128x128xf32, #tpu.memory_space<vmem_shared>>) target(%dma_start3A_150 : memref<128x128xf32, #tpu.memory_space<vmem>>) target_semaphore(%run_scoped3A_140 : memref<!tpu.dma_semaphore, #tpu.memory_space<semaphore_mem>>)
      %dma_wait3A_153 = arith.constant 0 : i32
      %dma_wait3A_154 = arith.constant 0 : i32
      %dma_wait3A_155 = tpu.memref_slice %arg14[%run_scoped3A_130, %dma_wait3A_153, %dma_wait3A_154] : memref<2x128x128xf32, #tpu.memory_space<vmem>> -> memref<1x128x128xf32, #tpu.memory_space<vmem>>
      %dma_wait3A_156 = tpu.memref_squeeze %dma_wait3A_155 : memref<1x128x128xf32, #tpu.memory_space<vmem>> -> memref<128x128xf32, #tpu.memory_space<vmem>>
      %dma_wait3A_157 = arith.constant 0 : i32
      %dma_wait3A_158 = tpu.memref_slice %arg8[%add3A_129, %dma_wait3A_157] : memref<10240x128xf32, #tpu.memory_space<vmem_shared>> -> memref<128x128xf32, #tpu.memory_space<vmem_shared>>
      %dma_wait3A_159 = arith.constant 0 : i32
      %dma_wait3A_160 = arith.constant 0 : i32
      %dma_wait3A_161 = tpu.memref_slice %arg14[%run_scoped3A_130, %dma_wait3A_159, %dma_wait3A_160] : memref<2x128x128xf32, #tpu.memory_space<vmem>> -> memref<1x128x128xf32, #tpu.memory_space<vmem>>
      %dma_wait3A_162 = tpu.memref_squeeze %dma_wait3A_161 : memref<1x128x128xf32, #tpu.memory_space<vmem>> -> memref<128x128xf32, #tpu.memory_space<vmem>>
      %dma_wait3A_163 = arith.constant 0 : i32
      %dma_wait3A_164 = tpu.memref_slice %arg8[%add3A_129, %dma_wait3A_163] : memref<10240x128xf32, #tpu.memory_space<vmem_shared>> -> memref<128x128xf32, #tpu.memory_space<vmem_shared>>
      tpu.wait_dma2 semaphore(%run_scoped3A_140 : memref<!tpu.dma_semaphore, #tpu.memory_space<semaphore_mem>>) src(%dma_wait3A_164 : memref<128x128xf32, #tpu.memory_space<vmem_shared>>) dst(%dma_wait3A_162 : memref<128x128xf32, #tpu.memory_space<vmem>>)
      tpu.yield
    }) : () -> ()
    %add3A_131 = arith.constant 384 : i32
    %add3A_132 = arith.addi %add3A_109, %add3A_131 : i32
    %run_scoped3A_133 = arith.constant 0 : i32
    "tpu.region"() ({
      %run_scoped3A_140 = tpu.sem_alloc : memref<!tpu.dma_semaphore, #tpu.memory_space<semaphore_mem>>
      %dma_start3A_141 = arith.constant 0 : i32
      %dma_start3A_142 = arith.constant 0 : i32
      %dma_start3A_143 = tpu.memref_slice %arg14[%run_scoped3A_133, %dma_start3A_141, %dma_start3A_142] : memref<2x128x128xf32, #tpu.memory_space<vmem>> -> memref<1x128x128xf32, #tpu.memory_space<vmem>>
      %dma_start3A_144 = tpu.memref_squeeze %dma_start3A_143 : memref<1x128x128xf32, #tpu.memory_space<vmem>> -> memref<128x128xf32, #tpu.memory_space<vmem>>
      %dma_start3A_145 = arith.constant 0 : i32
      %dma_start3A_146 = tpu.memref_slice %arg6[%add3A_132, %dma_start3A_145] : memref<20480x128xf32, #tpu.memory_space<hbm>> -> memref<128x128xf32, #tpu.memory_space<hbm>>
      %dma_start3A_147 = arith.constant 0 : i32
      %dma_start3A_148 = tpu.memref_slice %arg6[%add3A_132, %dma_start3A_147] : memref<20480x128xf32, #tpu.memory_space<hbm>> -> memref<128x128xf32, #tpu.memory_space<hbm>>
      %dma_start3A_149 = arith.constant 0 : i32
      %dma_start3A_150 = arith.constant 0 : i32
      %dma_start3A_151 = tpu.memref_slice %arg14[%run_scoped3A_133, %dma_start3A_149, %dma_start3A_150] : memref<2x128x128xf32, #tpu.memory_space<vmem>> -> memref<1x128x128xf32, #tpu.memory_space<vmem>>
      %dma_start3A_152 = tpu.memref_squeeze %dma_start3A_151 : memref<1x128x128xf32, #tpu.memory_space<vmem>> -> memref<128x128xf32, #tpu.memory_space<vmem>>
      tpu.enqueue_dma source(%dma_start3A_152 : memref<128x128xf32, #tpu.memory_space<vmem>>) target(%dma_start3A_148 : memref<128x128xf32, #tpu.memory_space<hbm>>) target_semaphore(%run_scoped3A_140 : memref<!tpu.dma_semaphore, #tpu.memory_space<semaphore_mem>>)
      %dma_wait3A_153 = arith.constant 0 : i32
      %dma_wait3A_154 = arith.constant 0 : i32
      %dma_wait3A_155 = tpu.memref_slice %arg14[%run_scoped3A_133, %dma_wait3A_153, %dma_wait3A_154] : memref<2x128x128xf32, #tpu.memory_space<vmem>> -> memref<1x128x128xf32, #tpu.memory_space<vmem>>
      %dma_wait3A_156 = tpu.memref_squeeze %dma_wait3A_155 : memref<1x128x128xf32, #tpu.memory_space<vmem>> -> memref<128x128xf32, #tpu.memory_space<vmem>>
      %dma_wait3A_157 = arith.constant 0 : i32
      %dma_wait3A_158 = tpu.memref_slice %arg6[%add3A_132, %dma_wait3A_157] : memref<20480x128xf32, #tpu.memory_space<hbm>> -> memref<128x128xf32, #tpu.memory_space<hbm>>
      %dma_wait3A_159 = arith.constant 0 : i32
      %dma_wait3A_160 = tpu.memref_slice %arg6[%add3A_132, %dma_wait3A_159] : memref<20480x128xf32, #tpu.memory_space<hbm>> -> memref<128x128xf32, #tpu.memory_space<hbm>>
      %dma_wait3A_161 = arith.constant 0 : i32
      %dma_wait3A_162 = arith.constant 0 : i32
      %dma_wait3A_163 = tpu.memref_slice %arg14[%run_scoped3A_133, %dma_wait3A_161, %dma_wait3A_162] : memref<2x128x128xf32, #tpu.memory_space<vmem>> -> memref<1x128x128xf32, #tpu.memory_space<vmem>>
      %dma_wait3A_164 = tpu.memref_squeeze %dma_wait3A_163 : memref<1x128x128xf32, #tpu.memory_space<vmem>> -> memref<128x128xf32, #tpu.memory_space<vmem>>
      tpu.wait_dma2 semaphore(%run_scoped3A_140 : memref<!tpu.dma_semaphore, #tpu.memory_space<semaphore_mem>>) src(%dma_wait3A_164 : memref<128x128xf32, #tpu.memory_space<vmem>>) dst(%dma_wait3A_160 : memref<128x128xf32, #tpu.memory_space<hbm>>)
      tpu.yield
    }) : () -> ()
    %add3A_134 = arith.constant 512 : i32
    %add3A_135 = arith.addi %mul3A_0, %add3A_134 : i32
    %run_scoped3A_136 = arith.constant 0 : i32
    "tpu.region"() ({
      %run_scoped3A_140 = tpu.sem_alloc : memref<!tpu.dma_semaphore, #tpu.memory_space<semaphore_mem>>
      %dma_start3A_141 = arith.constant 0 : i32
      %dma_start3A_142 = arith.constant 0 : i32
      %dma_start3A_143 = tpu.memref_slice %arg14[%run_scoped3A_136, %dma_start3A_141, %dma_start3A_142] : memref<2x128x128xf32, #tpu.memory_space<vmem>> -> memref<1x128x128xf32, #tpu.memory_space<vmem>>
      %dma_start3A_144 = tpu.memref_squeeze %dma_start3A_143 : memref<1x128x128xf32, #tpu.memory_space<vmem>> -> memref<128x128xf32, #tpu.memory_space<vmem>>
      %dma_start3A_145 = arith.constant 0 : i32
      %dma_start3A_146 = tpu.memref_slice %arg8[%add3A_135, %dma_start3A_145] : memref<10240x128xf32, #tpu.memory_space<vmem_shared>> -> memref<128x128xf32, #tpu.memory_space<vmem_shared>>
      %dma_start3A_147 = arith.constant 0 : i32
      %dma_start3A_148 = arith.constant 0 : i32
      %dma_start3A_149 = tpu.memref_slice %arg14[%run_scoped3A_136, %dma_start3A_147, %dma_start3A_148] : memref<2x128x128xf32, #tpu.memory_space<vmem>> -> memref<1x128x128xf32, #tpu.memory_space<vmem>>
      %dma_start3A_150 = tpu.memref_squeeze %dma_start3A_149 : memref<1x128x128xf32, #tpu.memory_space<vmem>> -> memref<128x128xf32, #tpu.memory_space<vmem>>
      %dma_start3A_151 = arith.constant 0 : i32
      %dma_start3A_152 = tpu.memref_slice %arg8[%add3A_135, %dma_start3A_151] : memref<10240x128xf32, #tpu.memory_space<vmem_shared>> -> memref<128x128xf32, #tpu.memory_space<vmem_shared>>
      tpu.enqueue_dma source(%dma_start3A_152 : memref<128x128xf32, #tpu.memory_space<vmem_shared>>) target(%dma_start3A_150 : memref<128x128xf32, #tpu.memory_space<vmem>>) target_semaphore(%run_scoped3A_140 : memref<!tpu.dma_semaphore, #tpu.memory_space<semaphore_mem>>)
      %dma_wait3A_153 = arith.constant 0 : i32
      %dma_wait3A_154 = arith.constant 0 : i32
      %dma_wait3A_155 = tpu.memref_slice %arg14[%run_scoped3A_136, %dma_wait3A_153, %dma_wait3A_154] : memref<2x128x128xf32, #tpu.memory_space<vmem>> -> memref<1x128x128xf32, #tpu.memory_space<vmem>>
      %dma_wait3A_156 = tpu.memref_squeeze %dma_wait3A_155 : memref<1x128x128xf32, #tpu.memory_space<vmem>> -> memref<128x128xf32, #tpu.memory_space<vmem>>
      %dma_wait3A_157 = arith.constant 0 : i32
      %dma_wait3A_158 = tpu.memref_slice %arg8[%add3A_135, %dma_wait3A_157] : memref<10240x128xf32, #tpu.memory_space<vmem_shared>> -> memref<128x128xf32, #tpu.memory_space<vmem_shared>>
      %dma_wait3A_159 = arith.constant 0 : i32
      %dma_wait3A_160 = arith.constant 0 : i32
      %dma_wait3A_161 = tpu.memref_slice %arg14[%run_scoped3A_136, %dma_wait3A_159, %dma_wait3A_160] : memref<2x128x128xf32, #tpu.memory_space<vmem>> -> memref<1x128x128xf32, #tpu.memory_space<vmem>>
      %dma_wait3A_162 = tpu.memref_squeeze %dma_wait3A_161 : memref<1x128x128xf32, #tpu.memory_space<vmem>> -> memref<128x128xf32, #tpu.memory_space<vmem>>
      %dma_wait3A_163 = arith.constant 0 : i32
      %dma_wait3A_164 = tpu.memref_slice %arg8[%add3A_135, %dma_wait3A_163] : memref<10240x128xf32, #tpu.memory_space<vmem_shared>> -> memref<128x128xf32, #tpu.memory_space<vmem_shared>>
      tpu.wait_dma2 semaphore(%run_scoped3A_140 : memref<!tpu.dma_semaphore, #tpu.memory_space<semaphore_mem>>) src(%dma_wait3A_164 : memref<128x128xf32, #tpu.memory_space<vmem_shared>>) dst(%dma_wait3A_162 : memref<128x128xf32, #tpu.memory_space<vmem>>)
      tpu.yield
    }) : () -> ()
    %add3A_137 = arith.constant 512 : i32
    %add3A_138 = arith.addi %add3A_109, %add3A_137 : i32
    %run_scoped3A_139 = arith.constant 0 : i32
    "tpu.region"() ({
      %run_scoped3A_140 = tpu.sem_alloc : memref<!tpu.dma_semaphore, #tpu.memory_space<semaphore_mem>>
      %dma_start3A_141 = arith.constant 0 : i32
      %dma_start3A_142 = arith.constant 0 : i32
      %dma_start3A_143 = tpu.memref_slice %arg14[%run_scoped3A_139, %dma_start3A_141, %dma_start3A_142] : memref<2x128x128xf32, #tpu.memory_space<vmem>> -> memref<1x128x128xf32, #tpu.memory_space<vmem>>
      %dma_start3A_144 = tpu.memref_squeeze %dma_start3A_143 : memref<1x128x128xf32, #tpu.memory_space<vmem>> -> memref<128x128xf32, #tpu.memory_space<vmem>>
      %dma_start3A_145 = arith.constant 0 : i32
      %dma_start3A_146 = tpu.memref_slice %arg6[%add3A_138, %dma_start3A_145] : memref<20480x128xf32, #tpu.memory_space<hbm>> -> memref<128x128xf32, #tpu.memory_space<hbm>>
      %dma_start3A_147 = arith.constant 0 : i32
      %dma_start3A_148 = tpu.memref_slice %arg6[%add3A_138, %dma_start3A_147] : memref<20480x128xf32, #tpu.memory_space<hbm>> -> memref<128x128xf32, #tpu.memory_space<hbm>>
      %dma_start3A_149 = arith.constant 0 : i32
      %dma_start3A_150 = arith.constant 0 : i32
      %dma_start3A_151 = tpu.memref_slice %arg14[%run_scoped3A_139, %dma_start3A_149, %dma_start3A_150] : memref<2x128x128xf32, #tpu.memory_space<vmem>> -> memref<1x128x128xf32, #tpu.memory_space<vmem>>
      %dma_start3A_152 = tpu.memref_squeeze %dma_start3A_151 : memref<1x128x128xf32, #tpu.memory_space<vmem>> -> memref<128x128xf32, #tpu.memory_space<vmem>>
      tpu.enqueue_dma source(%dma_start3A_152 : memref<128x128xf32, #tpu.memory_space<vmem>>) target(%dma_start3A_148 : memref<128x128xf32, #tpu.memory_space<hbm>>) target_semaphore(%run_scoped3A_140 : memref<!tpu.dma_semaphore, #tpu.memory_space<semaphore_mem>>)
      %dma_wait3A_153 = arith.constant 0 : i32
      %dma_wait3A_154 = arith.constant 0 : i32
      %dma_wait3A_155 = tpu.memref_slice %arg14[%run_scoped3A_139, %dma_wait3A_153, %dma_wait3A_154] : memref<2x128x128xf32, #tpu.memory_space<vmem>> -> memref<1x128x128xf32, #tpu.memory_space<vmem>>
      %dma_wait3A_156 = tpu.memref_squeeze %dma_wait3A_155 : memref<1x128x128xf32, #tpu.memory_space<vmem>> -> memref<128x128xf32, #tpu.memory_space<vmem>>
      %dma_wait3A_157 = arith.constant 0 : i32
      %dma_wait3A_158 = tpu.memref_slice %arg6[%add3A_138, %dma_wait3A_157] : memref<20480x128xf32, #tpu.memory_space<hbm>> -> memref<128x128xf32, #tpu.memory_space<hbm>>
      %dma_wait3A_159 = arith.constant 0 : i32
      %dma_wait3A_160 = tpu.memref_slice %arg6[%add3A_138, %dma_wait3A_159] : memref<20480x128xf32, #tpu.memory_space<hbm>> -> memref<128x128xf32, #tpu.memory_space<hbm>>
      %dma_wait3A_161 = arith.constant 0 : i32
      %dma_wait3A_162 = arith.constant 0 : i32
      %dma_wait3A_163 = tpu.memref_slice %arg14[%run_scoped3A_139, %dma_wait3A_161, %dma_wait3A_162] : memref<2x128x128xf32, #tpu.memory_space<vmem>> -> memref<1x128x128xf32, #tpu.memory_space<vmem>>
      %dma_wait3A_164 = tpu.memref_squeeze %dma_wait3A_163 : memref<1x128x128xf32, #tpu.memory_space<vmem>> -> memref<128x128xf32, #tpu.memory_space<vmem>>
      tpu.wait_dma2 semaphore(%run_scoped3A_140 : memref<!tpu.dma_semaphore, #tpu.memory_space<semaphore_mem>>) src(%dma_wait3A_164 : memref<128x128xf32, #tpu.memory_space<vmem>>) dst(%dma_wait3A_160 : memref<128x128xf32, #tpu.memory_space<hbm>>)
      tpu.yield
    }) : () -> ()
    return
  }
}

#map = affine_map<(d0, d1) -> (0, 0)>
#map1 = affine_map<(d0, d1) -> (0)>
module attributes {stable_mosaic.version = 14 : i64} {
  func.func @_sc_agg_body(%arg0: i32, %arg1: i32, %arg2: memref<10240x128xf32, #tpu.memory_space<hbm>>, %arg3: memref<1280000xi32, #tpu.memory_space<hbm>>, %arg4: memref<128x128xf32, #tpu.memory_space<hbm>>, %arg5: memref<10240xf32, #tpu.memory_space<hbm>>, %arg6: memref<20480x128xf32, #tpu.memory_space<hbm>>, %arg7: memref<327680xf32, #tpu.memory_space<hbm>>, %arg8: memref<10240x128xf32, #tpu.memory_space<vmem_shared>>, %arg9: memref<2x128xi32, #tpu.memory_space<vmem>>, %arg10: memref<2x128xi32, #tpu.memory_space<vmem>>, %arg11: memref<128xi32, #tpu.memory_space<vmem>>, %arg12: memref<32xi32, #tpu.memory_space<vmem>>, %arg13: memref<32xi32, #tpu.memory_space<vmem>>, %arg14: memref<2x128x128xf32, #tpu.memory_space<vmem>>, %arg15: memref<10240xf32, #tpu.memory_space<vmem>>, %arg16: memref<!tpu.dma_semaphore, #tpu.memory_space<semaphore_mem>>, %arg17: memref<!tpu.dma_semaphore, #tpu.memory_space<semaphore_mem>>, %arg18: memref<!tpu.dma_semaphore, #tpu.memory_space<semaphore_mem>>) attributes {dimension_semantics = [#tpu.dimension_semantics<core_parallel>, #tpu.dimension_semantics<subcore_parallel>], iteration_bounds = array<i64: 2, 16>, scalar_prefetch = 0 : i64, scratch_operands = 11 : i64, tpu.core_type = #tpu.core_type<sc_vector_subcore>, window_params = [{transform_indices = #map}, {transform_indices = #map1}, {transform_indices = #map}, {transform_indices = #map1}, {transform_indices = #map}, {transform_indices = #map1}]} {
    %mul3A = arith.constant 640 : i32
    %mul3A_0 = arith.muli %arg1, %mul3A : i32
    %run_scoped3A = arith.constant 0 : i32
    "tpu.region"() ({
      %run_scoped3A_140 = tpu.sem_alloc : memref<!tpu.dma_semaphore, #tpu.memory_space<semaphore_mem>>
      %dma_start3A_141 = arith.constant 0 : i32
      %dma_start3A_142 = arith.constant 0 : i32
      %dma_start3A_143 = tpu.memref_slice %arg14[%run_scoped3A, %dma_start3A_141, %dma_start3A_142] : memref<2x128x128xf32, #tpu.memory_space<vmem>> -> memref<1x128x128xf32, #tpu.memory_space<vmem>>
      %dma_start3A_144 = tpu.memref_squeeze %dma_start3A_143 : memref<1x128x128xf32, #tpu.memory_space<vmem>> -> memref<128x128xf32, #tpu.memory_space<vmem>>
      %dma_start3A_145 = arith.constant 0 : i32
      %dma_start3A_146 = arith.constant 0 : i32
      %dma_start3A_147 = tpu.memref_slice %arg14[%run_scoped3A, %dma_start3A_145, %dma_start3A_146] : memref<2x128x128xf32, #tpu.memory_space<vmem>> -> memref<1x128x128xf32, #tpu.memory_space<vmem>>
      %dma_start3A_148 = tpu.memref_squeeze %dma_start3A_147 : memref<1x128x128xf32, #tpu.memory_space<vmem>> -> memref<128x128xf32, #tpu.memory_space<vmem>>
      tpu.enqueue_dma source(%arg4 : memref<128x128xf32, #tpu.memory_space<hbm>>) target(%dma_start3A_148 : memref<128x128xf32, #tpu.memory_space<vmem>>) target_semaphore(%run_scoped3A_140 : memref<!tpu.dma_semaphore, #tpu.memory_space<semaphore_mem>>)
      %dma_wait3A_149 = arith.constant 0 : i32
      %dma_wait3A_150 = arith.constant 0 : i32
      %dma_wait3A_151 = tpu.memref_slice %arg14[%run_scoped3A, %dma_wait3A_149, %dma_wait3A_150] : memref<2x128x128xf32, #tpu.memory_space<vmem>> -> memref<1x128x128xf32, #tpu.memory_space<vmem>>
      %dma_wait3A_152 = tpu.memref_squeeze %dma_wait3A_151 : memref<1x128x128xf32, #tpu.memory_space<vmem>> -> memref<128x128xf32, #tpu.memory_space<vmem>>
      %dma_wait3A_153 = arith.constant 0 : i32
      %dma_wait3A_154 = arith.constant 0 : i32
      %dma_wait3A_155 = tpu.memref_slice %arg14[%run_scoped3A, %dma_wait3A_153, %dma_wait3A_154] : memref<2x128x128xf32, #tpu.memory_space<vmem>> -> memref<1x128x128xf32, #tpu.memory_space<vmem>>
      %dma_wait3A_156 = tpu.memref_squeeze %dma_wait3A_155 : memref<1x128x128xf32, #tpu.memory_space<vmem>> -> memref<128x128xf32, #tpu.memory_space<vmem>>
      tpu.wait_dma2 semaphore(%run_scoped3A_140 : memref<!tpu.dma_semaphore, #tpu.memory_space<semaphore_mem>>) src(%arg4 : memref<128x128xf32, #tpu.memory_space<hbm>>) dst(%dma_wait3A_156 : memref<128x128xf32, #tpu.memory_space<vmem>>)
      tpu.yield
    }) : () -> ()
    "tpu.region"() ({
      %run_scoped3A_140 = tpu.sem_alloc : memref<!tpu.dma_semaphore, #tpu.memory_space<semaphore_mem>>
      tpu.enqueue_dma source(%arg5 : memref<10240xf32, #tpu.memory_space<hbm>>) target(%arg15 : memref<10240xf32, #tpu.memory_space<vmem>>) target_semaphore(%run_scoped3A_140 : memref<!tpu.dma_semaphore, #tpu.memory_space<semaphore_mem>>)
      tpu.wait_dma2 semaphore(%run_scoped3A_140 : memref<!tpu.dma_semaphore, #tpu.memory_space<semaphore_mem>>) src(%arg5 : memref<10240xf32, #tpu.memory_space<hbm>>) dst(%arg15 : memref<10240xf32, #tpu.memory_space<vmem>>)
      tpu.yield
    }) : () -> ()
    %add3A = arith.constant 0 : i32
    %add3A_1 = arith.addi %mul3A_0, %add3A : i32
    %run_scoped3A_2 = arith.constant 0 : i32
    "tpu.region"() ({
      %run_scoped3A_140 = tpu.sem_alloc : memref<!tpu.dma_semaphore, #tpu.memory_space<semaphore_mem>>
      %dma_start3A_141 = arith.constant 0 : i32
      %dma_start3A_142 = arith.constant 0 : i32
      %dma_start3A_143 = tpu.memref_slice %arg14[%run_scoped3A_2, %dma_start3A_141, %dma_start3A_142] : memref<2x128x128xf32, #tpu.memory_space<vmem>> -> memref<1x128x128xf32, #tpu.memory_space<vmem>>
      %dma_start3A_144 = tpu.memref_squeeze %dma_start3A_143 : memref<1x128x128xf32, #tpu.memory_space<vmem>> -> memref<128x128xf32, #tpu.memory_space<vmem>>
      %dma_start3A_145 = arith.constant 0 : i32
      %dma_start3A_146 = tpu.memref_slice %arg8[%add3A_1, %dma_start3A_145] : memref<10240x128xf32, #tpu.memory_space<vmem_shared>> -> memref<128x128xf32, #tpu.memory_space<vmem_shared>>
      %dma_start3A_147 = arith.constant 0 : i32
      %dma_start3A_148 = tpu.memref_slice %arg8[%add3A_1, %dma_start3A_147] : memref<10240x128xf32, #tpu.memory_space<vmem_shared>> -> memref<128x128xf32, #tpu.memory_space<vmem_shared>>
      %dma_start3A_149 = arith.constant 0 : i32
      %dma_start3A_150 = arith.constant 0 : i32
      %dma_start3A_151 = tpu.memref_slice %arg14[%run_scoped3A_2, %dma_start3A_149, %dma_start3A_150] : memref<2x128x128xf32, #tpu.memory_space<vmem>> -> memref<1x128x128xf32, #tpu.memory_space<vmem>>
      %dma_start3A_152 = tpu.memref_squeeze %dma_start3A_151 : memref<1x128x128xf32, #tpu.memory_space<vmem>> -> memref<128x128xf32, #tpu.memory_space<vmem>>
      tpu.enqueue_dma source(%dma_start3A_152 : memref<128x128xf32, #tpu.memory_space<vmem>>) target(%dma_start3A_148 : memref<128x128xf32, #tpu.memory_space<vmem_shared>>) target_semaphore(%run_scoped3A_140 : memref<!tpu.dma_semaphore, #tpu.memory_space<semaphore_mem>>)
      %dma_wait3A_153 = arith.constant 0 : i32
      %dma_wait3A_154 = arith.constant 0 : i32
      %dma_wait3A_155 = tpu.memref_slice %arg14[%run_scoped3A_2, %dma_wait3A_153, %dma_wait3A_154] : memref<2x128x128xf32, #tpu.memory_space<vmem>> -> memref<1x128x128xf32, #tpu.memory_space<vmem>>
      %dma_wait3A_156 = tpu.memref_squeeze %dma_wait3A_155 : memref<1x128x128xf32, #tpu.memory_space<vmem>> -> memref<128x128xf32, #tpu.memory_space<vmem>>
      %dma_wait3A_157 = arith.constant 0 : i32
      %dma_wait3A_158 = tpu.memref_slice %arg8[%add3A_1, %dma_wait3A_157] : memref<10240x128xf32, #tpu.memory_space<vmem_shared>> -> memref<128x128xf32, #tpu.memory_space<vmem_shared>>
      %dma_wait3A_159 = arith.constant 0 : i32
      %dma_wait3A_160 = tpu.memref_slice %arg8[%add3A_1, %dma_wait3A_159] : memref<10240x128xf32, #tpu.memory_space<vmem_shared>> -> memref<128x128xf32, #tpu.memory_space<vmem_shared>>
      %dma_wait3A_161 = arith.constant 0 : i32
      %dma_wait3A_162 = arith.constant 0 : i32
      %dma_wait3A_163 = tpu.memref_slice %arg14[%run_scoped3A_2, %dma_wait3A_161, %dma_wait3A_162] : memref<2x128x128xf32, #tpu.memory_space<vmem>> -> memref<1x128x128xf32, #tpu.memory_space<vmem>>
      %dma_wait3A_164 = tpu.memref_squeeze %dma_wait3A_163 : memref<1x128x128xf32, #tpu.memory_space<vmem>> -> memref<128x128xf32, #tpu.memory_space<vmem>>
      tpu.wait_dma2 semaphore(%run_scoped3A_140 : memref<!tpu.dma_semaphore, #tpu.memory_space<semaphore_mem>>) src(%dma_wait3A_164 : memref<128x128xf32, #tpu.memory_space<vmem>>) dst(%dma_wait3A_160 : memref<128x128xf32, #tpu.memory_space<vmem_shared>>)
      tpu.yield
    }) : () -> ()
    %add3A_3 = arith.constant 128 : i32
    %add3A_4 = arith.addi %mul3A_0, %add3A_3 : i32
    %run_scoped3A_5 = arith.constant 0 : i32
    "tpu.region"() ({
      %run_scoped3A_140 = tpu.sem_alloc : memref<!tpu.dma_semaphore, #tpu.memory_space<semaphore_mem>>
      %dma_start3A_141 = arith.constant 0 : i32
      %dma_start3A_142 = arith.constant 0 : i32
      %dma_start3A_143 = tpu.memref_slice %arg14[%run_scoped3A_5, %dma_start3A_141, %dma_start3A_142] : memref<2x128x128xf32, #tpu.memory_space<vmem>> -> memref<1x128x128xf32, #tpu.memory_space<vmem>>
      %dma_start3A_144 = tpu.memref_squeeze %dma_start3A_143 : memref<1x128x128xf32, #tpu.memory_space<vmem>> -> memref<128x128xf32, #tpu.memory_space<vmem>>
      %dma_start3A_145 = arith.constant 0 : i32
      %dma_start3A_146 = tpu.memref_slice %arg8[%add3A_4, %dma_start3A_145] : memref<10240x128xf32, #tpu.memory_space<vmem_shared>> -> memref<128x128xf32, #tpu.memory_space<vmem_shared>>
      %dma_start3A_147 = arith.constant 0 : i32
      %dma_start3A_148 = tpu.memref_slice %arg8[%add3A_4, %dma_start3A_147] : memref<10240x128xf32, #tpu.memory_space<vmem_shared>> -> memref<128x128xf32, #tpu.memory_space<vmem_shared>>
      %dma_start3A_149 = arith.constant 0 : i32
      %dma_start3A_150 = arith.constant 0 : i32
      %dma_start3A_151 = tpu.memref_slice %arg14[%run_scoped3A_5, %dma_start3A_149, %dma_start3A_150] : memref<2x128x128xf32, #tpu.memory_space<vmem>> -> memref<1x128x128xf32, #tpu.memory_space<vmem>>
      %dma_start3A_152 = tpu.memref_squeeze %dma_start3A_151 : memref<1x128x128xf32, #tpu.memory_space<vmem>> -> memref<128x128xf32, #tpu.memory_space<vmem>>
      tpu.enqueue_dma source(%dma_start3A_152 : memref<128x128xf32, #tpu.memory_space<vmem>>) target(%dma_start3A_148 : memref<128x128xf32, #tpu.memory_space<vmem_shared>>) target_semaphore(%run_scoped3A_140 : memref<!tpu.dma_semaphore, #tpu.memory_space<semaphore_mem>>)
      %dma_wait3A_153 = arith.constant 0 : i32
      %dma_wait3A_154 = arith.constant 0 : i32
      %dma_wait3A_155 = tpu.memref_slice %arg14[%run_scoped3A_5, %dma_wait3A_153, %dma_wait3A_154] : memref<2x128x128xf32, #tpu.memory_space<vmem>> -> memref<1x128x128xf32, #tpu.memory_space<vmem>>
      %dma_wait3A_156 = tpu.memref_squeeze %dma_wait3A_155 : memref<1x128x128xf32, #tpu.memory_space<vmem>> -> memref<128x128xf32, #tpu.memory_space<vmem>>
      %dma_wait3A_157 = arith.constant 0 : i32
      %dma_wait3A_158 = tpu.memref_slice %arg8[%add3A_4, %dma_wait3A_157] : memref<10240x128xf32, #tpu.memory_space<vmem_shared>> -> memref<128x128xf32, #tpu.memory_space<vmem_shared>>
      %dma_wait3A_159 = arith.constant 0 : i32
      %dma_wait3A_160 = tpu.memref_slice %arg8[%add3A_4, %dma_wait3A_159] : memref<10240x128xf32, #tpu.memory_space<vmem_shared>> -> memref<128x128xf32, #tpu.memory_space<vmem_shared>>
      %dma_wait3A_161 = arith.constant 0 : i32
      %dma_wait3A_162 = arith.constant 0 : i32
      %dma_wait3A_163 = tpu.memref_slice %arg14[%run_scoped3A_5, %dma_wait3A_161, %dma_wait3A_162] : memref<2x128x128xf32, #tpu.memory_space<vmem>> -> memref<1x128x128xf32, #tpu.memory_space<vmem>>
      %dma_wait3A_164 = tpu.memref_squeeze %dma_wait3A_163 : memref<1x128x128xf32, #tpu.memory_space<vmem>> -> memref<128x128xf32, #tpu.memory_space<vmem>>
      tpu.wait_dma2 semaphore(%run_scoped3A_140 : memref<!tpu.dma_semaphore, #tpu.memory_space<semaphore_mem>>) src(%dma_wait3A_164 : memref<128x128xf32, #tpu.memory_space<vmem>>) dst(%dma_wait3A_160 : memref<128x128xf32, #tpu.memory_space<vmem_shared>>)
      tpu.yield
    }) : () -> ()
    %add3A_6 = arith.constant 256 : i32
    %add3A_7 = arith.addi %mul3A_0, %add3A_6 : i32
    %run_scoped3A_8 = arith.constant 0 : i32
    "tpu.region"() ({
      %run_scoped3A_140 = tpu.sem_alloc : memref<!tpu.dma_semaphore, #tpu.memory_space<semaphore_mem>>
      %dma_start3A_141 = arith.constant 0 : i32
      %dma_start3A_142 = arith.constant 0 : i32
      %dma_start3A_143 = tpu.memref_slice %arg14[%run_scoped3A_8, %dma_start3A_141, %dma_start3A_142] : memref<2x128x128xf32, #tpu.memory_space<vmem>> -> memref<1x128x128xf32, #tpu.memory_space<vmem>>
      %dma_start3A_144 = tpu.memref_squeeze %dma_start3A_143 : memref<1x128x128xf32, #tpu.memory_space<vmem>> -> memref<128x128xf32, #tpu.memory_space<vmem>>
      %dma_start3A_145 = arith.constant 0 : i32
      %dma_start3A_146 = tpu.memref_slice %arg8[%add3A_7, %dma_start3A_145] : memref<10240x128xf32, #tpu.memory_space<vmem_shared>> -> memref<128x128xf32, #tpu.memory_space<vmem_shared>>
      %dma_start3A_147 = arith.constant 0 : i32
      %dma_start3A_148 = tpu.memref_slice %arg8[%add3A_7, %dma_start3A_147] : memref<10240x128xf32, #tpu.memory_space<vmem_shared>> -> memref<128x128xf32, #tpu.memory_space<vmem_shared>>
      %dma_start3A_149 = arith.constant 0 : i32
      %dma_start3A_150 = arith.constant 0 : i32
      %dma_start3A_151 = tpu.memref_slice %arg14[%run_scoped3A_8, %dma_start3A_149, %dma_start3A_150] : memref<2x128x128xf32, #tpu.memory_space<vmem>> -> memref<1x128x128xf32, #tpu.memory_space<vmem>>
      %dma_start3A_152 = tpu.memref_squeeze %dma_start3A_151 : memref<1x128x128xf32, #tpu.memory_space<vmem>> -> memref<128x128xf32, #tpu.memory_space<vmem>>
      tpu.enqueue_dma source(%dma_start3A_152 : memref<128x128xf32, #tpu.memory_space<vmem>>) target(%dma_start3A_148 : memref<128x128xf32, #tpu.memory_space<vmem_shared>>) target_semaphore(%run_scoped3A_140 : memref<!tpu.dma_semaphore, #tpu.memory_space<semaphore_mem>>)
      %dma_wait3A_153 = arith.constant 0 : i32
      %dma_wait3A_154 = arith.constant 0 : i32
      %dma_wait3A_155 = tpu.memref_slice %arg14[%run_scoped3A_8, %dma_wait3A_153, %dma_wait3A_154] : memref<2x128x128xf32, #tpu.memory_space<vmem>> -> memref<1x128x128xf32, #tpu.memory_space<vmem>>
      %dma_wait3A_156 = tpu.memref_squeeze %dma_wait3A_155 : memref<1x128x128xf32, #tpu.memory_space<vmem>> -> memref<128x128xf32, #tpu.memory_space<vmem>>
      %dma_wait3A_157 = arith.constant 0 : i32
      %dma_wait3A_158 = tpu.memref_slice %arg8[%add3A_7, %dma_wait3A_157] : memref<10240x128xf32, #tpu.memory_space<vmem_shared>> -> memref<128x128xf32, #tpu.memory_space<vmem_shared>>
      %dma_wait3A_159 = arith.constant 0 : i32
      %dma_wait3A_160 = tpu.memref_slice %arg8[%add3A_7, %dma_wait3A_159] : memref<10240x128xf32, #tpu.memory_space<vmem_shared>> -> memref<128x128xf32, #tpu.memory_space<vmem_shared>>
      %dma_wait3A_161 = arith.constant 0 : i32
      %dma_wait3A_162 = arith.constant 0 : i32
      %dma_wait3A_163 = tpu.memref_slice %arg14[%run_scoped3A_8, %dma_wait3A_161, %dma_wait3A_162] : memref<2x128x128xf32, #tpu.memory_space<vmem>> -> memref<1x128x128xf32, #tpu.memory_space<vmem>>
      %dma_wait3A_164 = tpu.memref_squeeze %dma_wait3A_163 : memref<1x128x128xf32, #tpu.memory_space<vmem>> -> memref<128x128xf32, #tpu.memory_space<vmem>>
      tpu.wait_dma2 semaphore(%run_scoped3A_140 : memref<!tpu.dma_semaphore, #tpu.memory_space<semaphore_mem>>) src(%dma_wait3A_164 : memref<128x128xf32, #tpu.memory_space<vmem>>) dst(%dma_wait3A_160 : memref<128x128xf32, #tpu.memory_space<vmem_shared>>)
      tpu.yield
    }) : () -> ()
    %add3A_9 = arith.constant 384 : i32
    %add3A_10 = arith.addi %mul3A_0, %add3A_9 : i32
    %run_scoped3A_11 = arith.constant 0 : i32
    "tpu.region"() ({
      %run_scoped3A_140 = tpu.sem_alloc : memref<!tpu.dma_semaphore, #tpu.memory_space<semaphore_mem>>
      %dma_start3A_141 = arith.constant 0 : i32
      %dma_start3A_142 = arith.constant 0 : i32
      %dma_start3A_143 = tpu.memref_slice %arg14[%run_scoped3A_11, %dma_start3A_141, %dma_start3A_142] : memref<2x128x128xf32, #tpu.memory_space<vmem>> -> memref<1x128x128xf32, #tpu.memory_space<vmem>>
      %dma_start3A_144 = tpu.memref_squeeze %dma_start3A_143 : memref<1x128x128xf32, #tpu.memory_space<vmem>> -> memref<128x128xf32, #tpu.memory_space<vmem>>
      %dma_start3A_145 = arith.constant 0 : i32
      %dma_start3A_146 = tpu.memref_slice %arg8[%add3A_10, %dma_start3A_145] : memref<10240x128xf32, #tpu.memory_space<vmem_shared>> -> memref<128x128xf32, #tpu.memory_space<vmem_shared>>
      %dma_start3A_147 = arith.constant 0 : i32
      %dma_start3A_148 = tpu.memref_slice %arg8[%add3A_10, %dma_start3A_147] : memref<10240x128xf32, #tpu.memory_space<vmem_shared>> -> memref<128x128xf32, #tpu.memory_space<vmem_shared>>
      %dma_start3A_149 = arith.constant 0 : i32
      %dma_start3A_150 = arith.constant 0 : i32
      %dma_start3A_151 = tpu.memref_slice %arg14[%run_scoped3A_11, %dma_start3A_149, %dma_start3A_150] : memref<2x128x128xf32, #tpu.memory_space<vmem>> -> memref<1x128x128xf32, #tpu.memory_space<vmem>>
      %dma_start3A_152 = tpu.memref_squeeze %dma_start3A_151 : memref<1x128x128xf32, #tpu.memory_space<vmem>> -> memref<128x128xf32, #tpu.memory_space<vmem>>
      tpu.enqueue_dma source(%dma_start3A_152 : memref<128x128xf32, #tpu.memory_space<vmem>>) target(%dma_start3A_148 : memref<128x128xf32, #tpu.memory_space<vmem_shared>>) target_semaphore(%run_scoped3A_140 : memref<!tpu.dma_semaphore, #tpu.memory_space<semaphore_mem>>)
      %dma_wait3A_153 = arith.constant 0 : i32
      %dma_wait3A_154 = arith.constant 0 : i32
      %dma_wait3A_155 = tpu.memref_slice %arg14[%run_scoped3A_11, %dma_wait3A_153, %dma_wait3A_154] : memref<2x128x128xf32, #tpu.memory_space<vmem>> -> memref<1x128x128xf32, #tpu.memory_space<vmem>>
      %dma_wait3A_156 = tpu.memref_squeeze %dma_wait3A_155 : memref<1x128x128xf32, #tpu.memory_space<vmem>> -> memref<128x128xf32, #tpu.memory_space<vmem>>
      %dma_wait3A_157 = arith.constant 0 : i32
      %dma_wait3A_158 = tpu.memref_slice %arg8[%add3A_10, %dma_wait3A_157] : memref<10240x128xf32, #tpu.memory_space<vmem_shared>> -> memref<128x128xf32, #tpu.memory_space<vmem_shared>>
      %dma_wait3A_159 = arith.constant 0 : i32
      %dma_wait3A_160 = tpu.memref_slice %arg8[%add3A_10, %dma_wait3A_159] : memref<10240x128xf32, #tpu.memory_space<vmem_shared>> -> memref<128x128xf32, #tpu.memory_space<vmem_shared>>
      %dma_wait3A_161 = arith.constant 0 : i32
      %dma_wait3A_162 = arith.constant 0 : i32
      %dma_wait3A_163 = tpu.memref_slice %arg14[%run_scoped3A_11, %dma_wait3A_161, %dma_wait3A_162] : memref<2x128x128xf32, #tpu.memory_space<vmem>> -> memref<1x128x128xf32, #tpu.memory_space<vmem>>
      %dma_wait3A_164 = tpu.memref_squeeze %dma_wait3A_163 : memref<1x128x128xf32, #tpu.memory_space<vmem>> -> memref<128x128xf32, #tpu.memory_space<vmem>>
      tpu.wait_dma2 semaphore(%run_scoped3A_140 : memref<!tpu.dma_semaphore, #tpu.memory_space<semaphore_mem>>) src(%dma_wait3A_164 : memref<128x128xf32, #tpu.memory_space<vmem>>) dst(%dma_wait3A_160 : memref<128x128xf32, #tpu.memory_space<vmem_shared>>)
      tpu.yield
    }) : () -> ()
    %add3A_12 = arith.constant 512 : i32
    %add3A_13 = arith.addi %mul3A_0, %add3A_12 : i32
    %run_scoped3A_14 = arith.constant 0 : i32
    "tpu.region"() ({
      %run_scoped3A_140 = tpu.sem_alloc : memref<!tpu.dma_semaphore, #tpu.memory_space<semaphore_mem>>
      %dma_start3A_141 = arith.constant 0 : i32
      %dma_start3A_142 = arith.constant 0 : i32
      %dma_start3A_143 = tpu.memref_slice %arg14[%run_scoped3A_14, %dma_start3A_141, %dma_start3A_142] : memref<2x128x128xf32, #tpu.memory_space<vmem>> -> memref<1x128x128xf32, #tpu.memory_space<vmem>>
      %dma_start3A_144 = tpu.memref_squeeze %dma_start3A_143 : memref<1x128x128xf32, #tpu.memory_space<vmem>> -> memref<128x128xf32, #tpu.memory_space<vmem>>
      %dma_start3A_145 = arith.constant 0 : i32
      %dma_start3A_146 = tpu.memref_slice %arg8[%add3A_13, %dma_start3A_145] : memref<10240x128xf32, #tpu.memory_space<vmem_shared>> -> memref<128x128xf32, #tpu.memory_space<vmem_shared>>
      %dma_start3A_147 = arith.constant 0 : i32
      %dma_start3A_148 = tpu.memref_slice %arg8[%add3A_13, %dma_start3A_147] : memref<10240x128xf32, #tpu.memory_space<vmem_shared>> -> memref<128x128xf32, #tpu.memory_space<vmem_shared>>
      %dma_start3A_149 = arith.constant 0 : i32
      %dma_start3A_150 = arith.constant 0 : i32
      %dma_start3A_151 = tpu.memref_slice %arg14[%run_scoped3A_14, %dma_start3A_149, %dma_start3A_150] : memref<2x128x128xf32, #tpu.memory_space<vmem>> -> memref<1x128x128xf32, #tpu.memory_space<vmem>>
      %dma_start3A_152 = tpu.memref_squeeze %dma_start3A_151 : memref<1x128x128xf32, #tpu.memory_space<vmem>> -> memref<128x128xf32, #tpu.memory_space<vmem>>
      tpu.enqueue_dma source(%dma_start3A_152 : memref<128x128xf32, #tpu.memory_space<vmem>>) target(%dma_start3A_148 : memref<128x128xf32, #tpu.memory_space<vmem_shared>>) target_semaphore(%run_scoped3A_140 : memref<!tpu.dma_semaphore, #tpu.memory_space<semaphore_mem>>)
      %dma_wait3A_153 = arith.constant 0 : i32
      %dma_wait3A_154 = arith.constant 0 : i32
      %dma_wait3A_155 = tpu.memref_slice %arg14[%run_scoped3A_14, %dma_wait3A_153, %dma_wait3A_154] : memref<2x128x128xf32, #tpu.memory_space<vmem>> -> memref<1x128x128xf32, #tpu.memory_space<vmem>>
      %dma_wait3A_156 = tpu.memref_squeeze %dma_wait3A_155 : memref<1x128x128xf32, #tpu.memory_space<vmem>> -> memref<128x128xf32, #tpu.memory_space<vmem>>
      %dma_wait3A_157 = arith.constant 0 : i32
      %dma_wait3A_158 = tpu.memref_slice %arg8[%add3A_13, %dma_wait3A_157] : memref<10240x128xf32, #tpu.memory_space<vmem_shared>> -> memref<128x128xf32, #tpu.memory_space<vmem_shared>>
      %dma_wait3A_159 = arith.constant 0 : i32
      %dma_wait3A_160 = tpu.memref_slice %arg8[%add3A_13, %dma_wait3A_159] : memref<10240x128xf32, #tpu.memory_space<vmem_shared>> -> memref<128x128xf32, #tpu.memory_space<vmem_shared>>
      %dma_wait3A_161 = arith.constant 0 : i32
      %dma_wait3A_162 = arith.constant 0 : i32
      %dma_wait3A_163 = tpu.memref_slice %arg14[%run_scoped3A_14, %dma_wait3A_161, %dma_wait3A_162] : memref<2x128x128xf32, #tpu.memory_space<vmem>> -> memref<1x128x128xf32, #tpu.memory_space<vmem>>
      %dma_wait3A_164 = tpu.memref_squeeze %dma_wait3A_163 : memref<1x128x128xf32, #tpu.memory_space<vmem>> -> memref<128x128xf32, #tpu.memory_space<vmem>>
      tpu.wait_dma2 semaphore(%run_scoped3A_140 : memref<!tpu.dma_semaphore, #tpu.memory_space<semaphore_mem>>) src(%dma_wait3A_164 : memref<128x128xf32, #tpu.memory_space<vmem>>) dst(%dma_wait3A_160 : memref<128x128xf32, #tpu.memory_space<vmem_shared>>)
      tpu.yield
    }) : () -> ()
    %barrier3A = arith.constant 0 : index
    tpu.barrier barrier_id(%barrier3A)
    %mul3A_15 = arith.constant 20000 : i32
    %mul3A_16 = arith.muli %arg1, %mul3A_15 : i32
    %mul3A_17 = arith.constant 640000 : i32
    %mul3A_18 = arith.muli %arg0, %mul3A_17 : i32
    %add3A_19 = arith.addi %mul3A_18, %mul3A_16 : i32
    %add3A_20 = arith.constant 19968 : i32
    %add3A_21 = arith.addi %add3A_19, %add3A_20 : i32
    "tpu.region"() ({
      %run_scoped3A_140 = tpu.sem_alloc : memref<!tpu.dma_semaphore, #tpu.memory_space<semaphore_mem>>
      %dma_start3A_141 = tpu.memref_slice %arg3[%add3A_21] : memref<1280000xi32, #tpu.memory_space<hbm>> -> memref<32xi32, #tpu.memory_space<hbm>>
      %dma_start3A_142 = tpu.memref_slice %arg3[%add3A_21] : memref<1280000xi32, #tpu.memory_space<hbm>> -> memref<32xi32, #tpu.memory_space<hbm>>
      tpu.enqueue_dma source(%dma_start3A_142 : memref<32xi32, #tpu.memory_space<hbm>>) target(%arg12 : memref<32xi32, #tpu.memory_space<vmem>>) target_semaphore(%run_scoped3A_140 : memref<!tpu.dma_semaphore, #tpu.memory_space<semaphore_mem>>)
      %dma_wait3A_143 = tpu.memref_slice %arg3[%add3A_21] : memref<1280000xi32, #tpu.memory_space<hbm>> -> memref<32xi32, #tpu.memory_space<hbm>>
      %dma_wait3A_144 = tpu.memref_slice %arg3[%add3A_21] : memref<1280000xi32, #tpu.memory_space<hbm>> -> memref<32xi32, #tpu.memory_space<hbm>>
      tpu.wait_dma2 semaphore(%run_scoped3A_140 : memref<!tpu.dma_semaphore, #tpu.memory_space<semaphore_mem>>) src(%dma_wait3A_144 : memref<32xi32, #tpu.memory_space<hbm>>) dst(%arg12 : memref<32xi32, #tpu.memory_space<vmem>>)
      tpu.yield
    }) : () -> ()
    %add3A_22 = arith.constant 320000 : i32
    %add3A_23 = arith.addi %mul3A_18, %add3A_22 : i32
    %add3A_24 = arith.addi %add3A_23, %mul3A_16 : i32
    %add3A_25 = arith.constant 19968 : i32
    %add3A_26 = arith.addi %add3A_24, %add3A_25 : i32
    "tpu.region"() ({
      %run_scoped3A_140 = tpu.sem_alloc : memref<!tpu.dma_semaphore, #tpu.memory_space<semaphore_mem>>
      %dma_start3A_141 = tpu.memref_slice %arg3[%add3A_26] : memref<1280000xi32, #tpu.memory_space<hbm>> -> memref<32xi32, #tpu.memory_space<hbm>>
      %dma_start3A_142 = tpu.memref_slice %arg3[%add3A_26] : memref<1280000xi32, #tpu.memory_space<hbm>> -> memref<32xi32, #tpu.memory_space<hbm>>
      tpu.enqueue_dma source(%dma_start3A_142 : memref<32xi32, #tpu.memory_space<hbm>>) target(%arg13 : memref<32xi32, #tpu.memory_space<vmem>>) target_semaphore(%run_scoped3A_140 : memref<!tpu.dma_semaphore, #tpu.memory_space<semaphore_mem>>)
      %dma_wait3A_143 = tpu.memref_slice %arg3[%add3A_26] : memref<1280000xi32, #tpu.memory_space<hbm>> -> memref<32xi32, #tpu.memory_space<hbm>>
      %dma_wait3A_144 = tpu.memref_slice %arg3[%add3A_26] : memref<1280000xi32, #tpu.memory_space<hbm>> -> memref<32xi32, #tpu.memory_space<hbm>>
      tpu.wait_dma2 semaphore(%run_scoped3A_140 : memref<!tpu.dma_semaphore, #tpu.memory_space<semaphore_mem>>) src(%dma_wait3A_144 : memref<32xi32, #tpu.memory_space<hbm>>) dst(%arg13 : memref<32xi32, #tpu.memory_space<vmem>>)
      tpu.yield
    }) : () -> ()
    %dma_start3A = arith.constant 0 : i32
    %dma_start3A_27 = arith.constant 0 : i32
    %dma_start3A_28 = arith.constant 0 : i32
    %dma_start3A_29 = tpu.memref_slice %arg14[%dma_start3A, %dma_start3A_27, %dma_start3A_28] : memref<2x128x128xf32, #tpu.memory_space<vmem>> -> memref<1x32x128xf32, #tpu.memory_space<vmem>>
    %dma_start3A_30 = tpu.memref_squeeze %dma_start3A_29 : memref<1x32x128xf32, #tpu.memory_space<vmem>> -> memref<32x128xf32, #tpu.memory_space<vmem>>
    %dma_start3A_31 = arith.constant 0 : i32
    %dma_start3A_32 = arith.constant 0 : i32
    %dma_start3A_33 = tpu.memref_slice %arg2[%dma_start3A_31, %dma_start3A_32] : memref<10240x128xf32, #tpu.memory_space<hbm>> -> memref<10240x128xf32, #tpu.memory_space<hbm>>
    tpu.enqueue_indirect_dma source(%dma_start3A_33 : memref<10240x128xf32, #tpu.memory_space<hbm>>) target(%dma_start3A_30 : memref<32x128xf32, #tpu.memory_space<vmem>>) offsets(%arg12 : memref<32xi32, #tpu.memory_space<vmem>>) semaphore(%arg16 : memref<!tpu.dma_semaphore, #tpu.memory_space<semaphore_mem>>)
    %dma_wait3A = arith.constant 0 : i32
    %dma_wait3A_34 = arith.constant 0 : i32
    %dma_wait3A_35 = arith.constant 0 : i32
    %dma_wait3A_36 = tpu.memref_slice %arg14[%dma_wait3A, %dma_wait3A_34, %dma_wait3A_35] : memref<2x128x128xf32, #tpu.memory_space<vmem>> -> memref<1x32x128xf32, #tpu.memory_space<vmem>>
    %dma_wait3A_37 = tpu.memref_squeeze %dma_wait3A_36 : memref<1x32x128xf32, #tpu.memory_space<vmem>> -> memref<32x128xf32, #tpu.memory_space<vmem>>
    %dma_wait3A_38 = arith.constant 0 : i32
    %dma_wait3A_39 = arith.constant 0 : i32
    %dma_wait3A_40 = tpu.memref_slice %arg2[%dma_wait3A_38, %dma_wait3A_39] : memref<10240x128xf32, #tpu.memory_space<hbm>> -> memref<10240x128xf32, #tpu.memory_space<hbm>>
    tpu.wait_indirect_dma semaphore(%arg16 : memref<!tpu.dma_semaphore, #tpu.memory_space<semaphore_mem>>) src(%dma_wait3A_40 : memref<10240x128xf32, #tpu.memory_space<hbm>>) dst(%dma_wait3A_37 : memref<32x128xf32, #tpu.memory_space<vmem>>)
    %get3A = arith.constant 0 : index
    %get3A_41 = tpu.vector_load %arg13[%get3A] {strides = array<i32>} : memref<32xi32, #tpu.memory_space<vmem>>, vector<16xi32>,
    %broadcast_in_dim3A = arith.constant 1.000000e+00 : f32
    %broadcast_in_dim3A_42 = vector.broadcast %broadcast_in_dim3A : f32 to vector<16xf32>
    tpu.vector_store_idx %arg15[%get3A_41], %broadcast_in_dim3A_42 {add = true} : memref<10240xf32, #tpu.memory_space<vmem>>[vector<16xi32>], vector<16xf32>,
    %get3A_43 = arith.constant 16 : index
    %get3A_44 = tpu.vector_load %arg13[%get3A_43] {strides = array<i32>} : memref<32xi32, #tpu.memory_space<vmem>>, vector<16xi32>,
    %broadcast_in_dim3A_45 = arith.constant 1.000000e+00 : f32
    %broadcast_in_dim3A_46 = vector.broadcast %broadcast_in_dim3A_45 : f32 to vector<16xf32>
    tpu.vector_store_idx %arg15[%get3A_44], %broadcast_in_dim3A_46 {add = true} : memref<10240xf32, #tpu.memory_space<vmem>>[vector<16xi32>], vector<16xf32>,
    %run_scoped3A_47 = arith.constant 0 : i32
    "tpu.region"() ({
      %run_scoped3A_140 = tpu.sem_alloc : memref<!tpu.dma_semaphore, #tpu.memory_space<semaphore_mem>>
      %dma_start3A_141 = arith.constant 0 : i32
      %dma_start3A_142 = arith.constant 0 : i32
      %dma_start3A_143 = tpu.memref_slice %arg14[%run_scoped3A_47, %dma_start3A_141, %dma_start3A_142] : memref<2x128x128xf32, #tpu.memory_space<vmem>> -> memref<1x32x128xf32, #tpu.memory_space<vmem>>
      %dma_start3A_144 = tpu.memref_squeeze %dma_start3A_143 : memref<1x32x128xf32, #tpu.memory_space<vmem>> -> memref<32x128xf32, #tpu.memory_space<vmem>>
      %dma_start3A_145 = arith.constant 0 : i32
      %dma_start3A_146 = arith.constant 0 : i32
      %dma_start3A_147 = tpu.memref_slice %arg8[%dma_start3A_145, %dma_start3A_146] : memref<10240x128xf32, #tpu.memory_space<vmem_shared>> -> memref<10240x128xf32, #tpu.memory_space<vmem_shared>>
      tpu.enqueue_indirect_dma source(%dma_start3A_144 : memref<32x128xf32, #tpu.memory_space<vmem>>) target(%dma_start3A_147 : memref<10240x128xf32, #tpu.memory_space<vmem_shared>>) offsets(%arg13 : memref<32xi32, #tpu.memory_space<vmem>>) semaphore(%run_scoped3A_140 : memref<!tpu.dma_semaphore, #tpu.memory_space<semaphore_mem>>) {add = true}
      %dma_wait3A_148 = arith.constant 0 : i32
      %dma_wait3A_149 = arith.constant 0 : i32
      %dma_wait3A_150 = tpu.memref_slice %arg14[%run_scoped3A_47, %dma_wait3A_148, %dma_wait3A_149] : memref<2x128x128xf32, #tpu.memory_space<vmem>> -> memref<1x32x128xf32, #tpu.memory_space<vmem>>
      %dma_wait3A_151 = tpu.memref_squeeze %dma_wait3A_150 : memref<1x32x128xf32, #tpu.memory_space<vmem>> -> memref<32x128xf32, #tpu.memory_space<vmem>>
      %dma_wait3A_152 = arith.constant 0 : i32
      %dma_wait3A_153 = arith.constant 0 : i32
      %dma_wait3A_154 = tpu.memref_slice %arg8[%dma_wait3A_152, %dma_wait3A_153] : memref<10240x128xf32, #tpu.memory_space<vmem_shared>> -> memref<10240x128xf32, #tpu.memory_space<vmem_shared>>
      tpu.wait_indirect_dma semaphore(%run_scoped3A_140 : memref<!tpu.dma_semaphore, #tpu.memory_space<semaphore_mem>>) src(%dma_wait3A_151 : memref<32x128xf32, #tpu.memory_space<vmem>>) dst(%dma_wait3A_154 : memref<10240x128xf32, #tpu.memory_space<vmem_shared>>)
      tpu.yield
    }) : () -> ()
    %add3A_48 = arith.addi %mul3A_18, %mul3A_16 : i32
    %add3A_49 = arith.constant 0 : i32
    %add3A_50 = arith.addi %add3A_48, %add3A_49 : i32
    %run_scoped3A_51 = arith.constant 0 : i32
    "tpu.region"() ({
      %run_scoped3A_140 = tpu.sem_alloc : memref<!tpu.dma_semaphore, #tpu.memory_space<semaphore_mem>>
      %dma_start3A_141 = arith.constant 0 : i32
      %dma_start3A_142 = tpu.memref_slice %arg9[%run_scoped3A_51, %dma_start3A_141] : memref<2x128xi32, #tpu.memory_space<vmem>> -> memref<1x128xi32, #tpu.memory_space<vmem>>
      %dma_start3A_143 = tpu.memref_squeeze %dma_start3A_142 : memref<1x128xi32, #tpu.memory_space<vmem>> -> memref<128xi32, #tpu.memory_space<vmem>>
      %dma_start3A_144 = tpu.memref_slice %arg3[%add3A_50] : memref<1280000xi32, #tpu.memory_space<hbm>> -> memref<128xi32, #tpu.memory_space<hbm>>
      %dma_start3A_145 = arith.constant 0 : i32
      %dma_start3A_146 = tpu.memref_slice %arg9[%run_scoped3A_51, %dma_start3A_145] : memref<2x128xi32, #tpu.memory_space<vmem>> -> memref<1x128xi32, #tpu.memory_space<vmem>>
      %dma_start3A_147 = tpu.memref_squeeze %dma_start3A_146 : memref<1x128xi32, #tpu.memory_space<vmem>> -> memref<128xi32, #tpu.memory_space<vmem>>
      %dma_start3A_148 = tpu.memref_slice %arg3[%add3A_50] : memref<1280000xi32, #tpu.memory_space<hbm>> -> memref<128xi32, #tpu.memory_space<hbm>>
      tpu.enqueue_dma source(%dma_start3A_148 : memref<128xi32, #tpu.memory_space<hbm>>) target(%dma_start3A_147 : memref<128xi32, #tpu.memory_space<vmem>>) target_semaphore(%run_scoped3A_140 : memref<!tpu.dma_semaphore, #tpu.memory_space<semaphore_mem>>)
      %dma_wait3A_149 = arith.constant 0 : i32
      %dma_wait3A_150 = tpu.memref_slice %arg9[%run_scoped3A_51, %dma_wait3A_149] : memref<2x128xi32, #tpu.memory_space<vmem>> -> memref<1x128xi32, #tpu.memory_space<vmem>>
      %dma_wait3A_151 = tpu.memref_squeeze %dma_wait3A_150 : memref<1x128xi32, #tpu.memory_space<vmem>> -> memref<128xi32, #tpu.memory_space<vmem>>
      %dma_wait3A_152 = tpu.memref_slice %arg3[%add3A_50] : memref<1280000xi32, #tpu.memory_space<hbm>> -> memref<128xi32, #tpu.memory_space<hbm>>
      %dma_wait3A_153 = arith.constant 0 : i32
      %dma_wait3A_154 = tpu.memref_slice %arg9[%run_scoped3A_51, %dma_wait3A_153] : memref<2x128xi32, #tpu.memory_space<vmem>> -> memref<1x128xi32, #tpu.memory_space<vmem>>
      %dma_wait3A_155 = tpu.memref_squeeze %dma_wait3A_154 : memref<1x128xi32, #tpu.memory_space<vmem>> -> memref<128xi32, #tpu.memory_space<vmem>>
      %dma_wait3A_156 = tpu.memref_slice %arg3[%add3A_50] : memref<1280000xi32, #tpu.memory_space<hbm>> -> memref<128xi32, #tpu.memory_space<hbm>>
      tpu.wait_dma2 semaphore(%run_scoped3A_140 : memref<!tpu.dma_semaphore, #tpu.memory_space<semaphore_mem>>) src(%dma_wait3A_156 : memref<128xi32, #tpu.memory_space<hbm>>) dst(%dma_wait3A_155 : memref<128xi32, #tpu.memory_space<vmem>>)
      tpu.yield
    }) : () -> ()
    %add3A_52 = arith.constant 320000 : i32
    %add3A_53 = arith.addi %mul3A_18, %add3A_52 : i32
    %add3A_54 = arith.addi %add3A_53, %mul3A_16 : i32
    %add3A_55 = arith.constant 0 : i32
    %add3A_56 = arith.addi %add3A_54, %add3A_55 : i32
    %run_scoped3A_57 = arith.constant 0 : i32
    "tpu.region"() ({
      %run_scoped3A_140 = tpu.sem_alloc : memref<!tpu.dma_semaphore, #tpu.memory_space<semaphore_mem>>
      %dma_start3A_141 = arith.constant 0 : i32
      %dma_start3A_142 = tpu.memref_slice %arg10[%run_scoped3A_57, %dma_start3A_141] : memref<2x128xi32, #tpu.memory_space<vmem>> -> memref<1x128xi32, #tpu.memory_space<vmem>>
      %dma_start3A_143 = tpu.memref_squeeze %dma_start3A_142 : memref<1x128xi32, #tpu.memory_space<vmem>> -> memref<128xi32, #tpu.memory_space<vmem>>
      %dma_start3A_144 = tpu.memref_slice %arg3[%add3A_56] : memref<1280000xi32, #tpu.memory_space<hbm>> -> memref<128xi32, #tpu.memory_space<hbm>>
      %dma_start3A_145 = arith.constant 0 : i32
      %dma_start3A_146 = tpu.memref_slice %arg10[%run_scoped3A_57, %dma_start3A_145] : memref<2x128xi32, #tpu.memory_space<vmem>> -> memref<1x128xi32, #tpu.memory_space<vmem>>
      %dma_start3A_147 = tpu.memref_squeeze %dma_start3A_146 : memref<1x128xi32, #tpu.memory_space<vmem>> -> memref<128xi32, #tpu.memory_space<vmem>>
      %dma_start3A_148 = tpu.memref_slice %arg3[%add3A_56] : memref<1280000xi32, #tpu.memory_space<hbm>> -> memref<128xi32, #tpu.memory_space<hbm>>
      tpu.enqueue_dma source(%dma_start3A_148 : memref<128xi32, #tpu.memory_space<hbm>>) target(%dma_start3A_147 : memref<128xi32, #tpu.memory_space<vmem>>) target_semaphore(%run_scoped3A_140 : memref<!tpu.dma_semaphore, #tpu.memory_space<semaphore_mem>>)
      %dma_wait3A_149 = arith.constant 0 : i32
      %dma_wait3A_150 = tpu.memref_slice %arg10[%run_scoped3A_57, %dma_wait3A_149] : memref<2x128xi32, #tpu.memory_space<vmem>> -> memref<1x128xi32, #tpu.memory_space<vmem>>
      %dma_wait3A_151 = tpu.memref_squeeze %dma_wait3A_150 : memref<1x128xi32, #tpu.memory_space<vmem>> -> memref<128xi32, #tpu.memory_space<vmem>>
      %dma_wait3A_152 = tpu.memref_slice %arg3[%add3A_56] : memref<1280000xi32, #tpu.memory_space<hbm>> -> memref<128xi32, #tpu.memory_space<hbm>>
      %dma_wait3A_153 = arith.constant 0 : i32
      %dma_wait3A_154 = tpu.memref_slice %arg10[%run_scoped3A_57, %dma_wait3A_153] : memref<2x128xi32, #tpu.memory_space<vmem>> -> memref<1x128xi32, #tpu.memory_space<vmem>>
      %dma_wait3A_155 = tpu.memref_squeeze %dma_wait3A_154 : memref<1x128xi32, #tpu.memory_space<vmem>> -> memref<128xi32, #tpu.memory_space<vmem>>
      %dma_wait3A_156 = tpu.memref_slice %arg3[%add3A_56] : memref<1280000xi32, #tpu.memory_space<hbm>> -> memref<128xi32, #tpu.memory_space<hbm>>
      tpu.wait_dma2 semaphore(%run_scoped3A_140 : memref<!tpu.dma_semaphore, #tpu.memory_space<semaphore_mem>>) src(%dma_wait3A_156 : memref<128xi32, #tpu.memory_space<hbm>>) dst(%dma_wait3A_155 : memref<128xi32, #tpu.memory_space<vmem>>)
      tpu.yield
    }) : () -> ()
    %dma_start3A_58 = arith.constant 0 : i32
    %dma_start3A_59 = arith.constant 0 : i32
    %dma_start3A_60 = arith.constant 0 : i32
    %dma_start3A_61 = arith.constant 0 : i32
    %dma_start3A_62 = tpu.memref_slice %arg14[%dma_start3A_59, %dma_start3A_60, %dma_start3A_61] : memref<2x128x128xf32, #tpu.memory_space<vmem>> -> memref<1x128x128xf32, #tpu.memory_space<vmem>>
    %dma_start3A_63 = tpu.memref_squeeze %dma_start3A_62 : memref<1x128x128xf32, #tpu.memory_space<vmem>> -> memref<128x128xf32, #tpu.memory_space<vmem>>
    %dma_start3A_64 = arith.constant 0 : i32
    %dma_start3A_65 = tpu.memref_slice %arg9[%dma_start3A_58, %dma_start3A_64] : memref<2x128xi32, #tpu.memory_space<vmem>> -> memref<1x128xi32, #tpu.memory_space<vmem>>
    %dma_start3A_66 = tpu.memref_squeeze %dma_start3A_65 : memref<1x128xi32, #tpu.memory_space<vmem>> -> memref<128xi32, #tpu.memory_space<vmem>>
    %dma_start3A_67 = arith.constant 0 : i32
    %dma_start3A_68 = arith.constant 0 : i32
    %dma_start3A_69 = tpu.memref_slice %arg2[%dma_start3A_67, %dma_start3A_68] : memref<10240x128xf32, #tpu.memory_space<hbm>> -> memref<10240x128xf32, #tpu.memory_space<hbm>>
    tpu.enqueue_indirect_dma source(%dma_start3A_69 : memref<10240x128xf32, #tpu.memory_space<hbm>>) target(%dma_start3A_63 : memref<128x128xf32, #tpu.memory_space<vmem>>) offsets(%dma_start3A_66 : memref<128xi32, #tpu.memory_space<vmem>>) semaphore(%arg16 : memref<!tpu.dma_semaphore, #tpu.memory_space<semaphore_mem>>)
    %add3A_70 = arith.addi %mul3A_18, %mul3A_16 : i32
    %add3A_71 = arith.constant 128 : i32
    %add3A_72 = arith.addi %add3A_70, %add3A_71 : i32
    %dma_start3A_73 = arith.constant 1 : i32
    %dma_start3A_74 = arith.constant 0 : i32
    %dma_start3A_75 = tpu.memref_slice %arg9[%dma_start3A_73, %dma_start3A_74] : memref<2x128xi32, #tpu.memory_space<vmem>> -> memref<1x128xi32, #tpu.memory_space<vmem>>
    %dma_start3A_76 = tpu.memref_squeeze %dma_start3A_75 : memref<1x128xi32, #tpu.memory_space<vmem>> -> memref<128xi32, #tpu.memory_space<vmem>>
    %dma_start3A_77 = tpu.memref_slice %arg3[%add3A_72] : memref<1280000xi32, #tpu.memory_space<hbm>> -> memref<128xi32, #tpu.memory_space<hbm>>
    %dma_start3A_78 = arith.constant 0 : i32
    %dma_start3A_79 = tpu.memref_slice %arg9[%dma_start3A_73, %dma_start3A_78] : memref<2x128xi32, #tpu.memory_space<vmem>> -> memref<1x128xi32, #tpu.memory_space<vmem>>
    %dma_start3A_80 = tpu.memref_squeeze %dma_start3A_79 : memref<1x128xi32, #tpu.memory_space<vmem>> -> memref<128xi32, #tpu.memory_space<vmem>>
    %dma_start3A_81 = tpu.memref_slice %arg3[%add3A_72] : memref<1280000xi32, #tpu.memory_space<hbm>> -> memref<128xi32, #tpu.memory_space<hbm>>
    tpu.enqueue_dma source(%dma_start3A_81 : memref<128xi32, #tpu.memory_space<hbm>>) target(%dma_start3A_80 : memref<128xi32, #tpu.memory_space<vmem>>) target_semaphore(%arg17 : memref<!tpu.dma_semaphore, #tpu.memory_space<semaphore_mem>>)
    %add3A_82 = arith.constant 320000 : i32
    %add3A_83 = arith.addi %mul3A_18, %add3A_82 : i32
    %add3A_84 = arith.addi %add3A_83, %mul3A_16 : i32
    %add3A_85 = arith.constant 128 : i32
    %add3A_86 = arith.addi %add3A_84, %add3A_85 : i32
    %dma_start3A_87 = arith.constant 1 : i32
    %dma_start3A_88 = arith.constant 0 : i32
    %dma_start3A_89 = tpu.memref_slice %arg10[%dma_start3A_87, %dma_start3A_88] : memref<2x128xi32, #tpu.memory_space<vmem>> -> memref<1x128xi32, #tpu.memory_space<vmem>>
    %dma_start3A_90 = tpu.memref_squeeze %dma_start3A_89 : memref<1x128xi32, #tpu.memory_space<vmem>> -> memref<128xi32, #tpu.memory_space<vmem>>
    %dma_start3A_91 = tpu.memref_slice %arg3[%add3A_86] : memref<1280000xi32, #tpu.memory_space<hbm>> -> memref<128xi32, #tpu.memory_space<hbm>>
    %dma_start3A_92 = arith.constant 0 : i32
    %dma_start3A_93 = tpu.memref_slice %arg10[%dma_start3A_87, %dma_start3A_92] : memref<2x128xi32, #tpu.memory_space<vmem>> -> memref<1x128xi32, #tpu.memory_space<vmem>>
    %dma_start3A_94 = tpu.memref_squeeze %dma_start3A_93 : memref<1x128xi32, #tpu.memory_space<vmem>> -> memref<128xi32, #tpu.memory_space<vmem>>
    %dma_start3A_95 = tpu.memref_slice %arg3[%add3A_86] : memref<1280000xi32, #tpu.memory_space<hbm>> -> memref<128xi32, #tpu.memory_space<hbm>>
    tpu.enqueue_dma source(%dma_start3A_95 : memref<128xi32, #tpu.memory_space<hbm>>) target(%dma_start3A_94 : memref<128xi32, #tpu.memory_space<vmem>>) target_semaphore(%arg18 : memref<!tpu.dma_semaphore, #tpu.memory_space<semaphore_mem>>)
    %scan3A = arith.constant 0 : i32
    %scan3A_96 = arith.constant 0 : i32
    %scan3A_97 = arith.constant 156 : i32
    %scan3A_98 = arith.addi %scan3A_96, %scan3A_97 : i32
    %scan3A_99 = arith.constant 1 : i32
    scf.for %scan3A_140 = %scan3A_96 to %scan3A_98 step %scan3A_99  : i32 {
      %rem3A = arith.constant 2 : i32
      %rem3A_141 = arith.remsi %scan3A_140, %rem3A : i32
      %sub3A = arith.constant 1 : i32
      %sub3A_142 = arith.subi %sub3A, %rem3A_141 : i32
      %dma_wait3A_143 = arith.constant 0 : i32
      %dma_wait3A_144 = arith.constant 0 : i32
      %dma_wait3A_145 = tpu.memref_slice %arg14[%rem3A_141, %dma_wait3A_143, %dma_wait3A_144] : memref<2x128x128xf32, #tpu.memory_space<vmem>> -> memref<1x128x128xf32, #tpu.memory_space<vmem>>
      %dma_wait3A_146 = tpu.memref_squeeze %dma_wait3A_145 : memref<1x128x128xf32, #tpu.memory_space<vmem>> -> memref<128x128xf32, #tpu.memory_space<vmem>>
      %dma_wait3A_147 = arith.constant 0 : i32
      %dma_wait3A_148 = tpu.memref_slice %arg9[%rem3A_141, %dma_wait3A_147] : memref<2x128xi32, #tpu.memory_space<vmem>> -> memref<1x128xi32, #tpu.memory_space<vmem>>
      %dma_wait3A_149 = tpu.memref_squeeze %dma_wait3A_148 : memref<1x128xi32, #tpu.memory_space<vmem>> -> memref<128xi32, #tpu.memory_space<vmem>>
      %dma_wait3A_150 = arith.constant 0 : i32
      %dma_wait3A_151 = arith.constant 0 : i32
      %dma_wait3A_152 = tpu.memref_slice %arg2[%dma_wait3A_150, %dma_wait3A_151] : memref<10240x128xf32, #tpu.memory_space<hbm>> -> memref<10240x128xf32, #tpu.memory_space<hbm>>
      tpu.wait_indirect_dma semaphore(%arg16 : memref<!tpu.dma_semaphore, #tpu.memory_space<semaphore_mem>>) src(%dma_wait3A_152 : memref<10240x128xf32, #tpu.memory_space<hbm>>) dst(%dma_wait3A_146 : memref<128x128xf32, #tpu.memory_space<vmem>>)
      %lt3A = arith.constant 155 : i32
      %lt3A_153 = arith.cmpi slt, %scan3A_140, %lt3A : i32
      %convert_element_type3A = arith.extui %lt3A_153 : i1 to i32
      %cond3A = arith.constant 0 : i32
      %cond3A_154 = arith.cmpi ne, %convert_element_type3A, %cond3A : i32
      scf.if %cond3A_154 {
        %add3A_224 = arith.constant 1 : i32
        %add3A_225 = arith.addi %scan3A_140, %add3A_224 : i32
        %add3A_226 = arith.addi %mul3A_18, %mul3A_16 : i32
        %mul3A_227 = arith.constant 128 : i32
        %mul3A_228 = arith.muli %add3A_225, %mul3A_227 : i32
        %add3A_229 = arith.addi %add3A_226, %mul3A_228 : i32
        %dma_wait3A_230 = arith.constant 0 : i32
        %dma_wait3A_231 = tpu.memref_slice %arg9[%sub3A_142, %dma_wait3A_230] : memref<2x128xi32, #tpu.memory_space<vmem>> -> memref<1x128xi32, #tpu.memory_space<vmem>>
        %dma_wait3A_232 = tpu.memref_squeeze %dma_wait3A_231 : memref<1x128xi32, #tpu.memory_space<vmem>> -> memref<128xi32, #tpu.memory_space<vmem>>
        %dma_wait3A_233 = tpu.memref_slice %arg3[%add3A_229] : memref<1280000xi32, #tpu.memory_space<hbm>> -> memref<128xi32, #tpu.memory_space<hbm>>
        %dma_wait3A_234 = arith.constant 0 : i32
        %dma_wait3A_235 = tpu.memref_slice %arg9[%sub3A_142, %dma_wait3A_234] : memref<2x128xi32, #tpu.memory_space<vmem>> -> memref<1x128xi32, #tpu.memory_space<vmem>>
        %dma_wait3A_236 = tpu.memref_squeeze %dma_wait3A_235 : memref<1x128xi32, #tpu.memory_space<vmem>> -> memref<128xi32, #tpu.memory_space<vmem>>
        %dma_wait3A_237 = tpu.memref_slice %arg3[%add3A_229] : memref<1280000xi32, #tpu.memory_space<hbm>> -> memref<128xi32, #tpu.memory_space<hbm>>
        tpu.wait_dma2 semaphore(%arg17 : memref<!tpu.dma_semaphore, #tpu.memory_space<semaphore_mem>>) src(%dma_wait3A_237 : memref<128xi32, #tpu.memory_space<hbm>>) dst(%dma_wait3A_236 : memref<128xi32, #tpu.memory_space<vmem>>)
        %dma_start3A_238 = arith.constant 0 : i32
        %dma_start3A_239 = arith.constant 0 : i32
        %dma_start3A_240 = tpu.memref_slice %arg14[%sub3A_142, %dma_start3A_238, %dma_start3A_239] : memref<2x128x128xf32, #tpu.memory_space<vmem>> -> memref<1x128x128xf32, #tpu.memory_space<vmem>>
        %dma_start3A_241 = tpu.memref_squeeze %dma_start3A_240 : memref<1x128x128xf32, #tpu.memory_space<vmem>> -> memref<128x128xf32, #tpu.memory_space<vmem>>
        %dma_start3A_242 = arith.constant 0 : i32
        %dma_start3A_243 = tpu.memref_slice %arg9[%sub3A_142, %dma_start3A_242] : memref<2x128xi32, #tpu.memory_space<vmem>> -> memref<1x128xi32, #tpu.memory_space<vmem>>
        %dma_start3A_244 = tpu.memref_squeeze %dma_start3A_243 : memref<1x128xi32, #tpu.memory_space<vmem>> -> memref<128xi32, #tpu.memory_space<vmem>>
        %dma_start3A_245 = arith.constant 0 : i32
        %dma_start3A_246 = arith.constant 0 : i32
        %dma_start3A_247 = tpu.memref_slice %arg2[%dma_start3A_245, %dma_start3A_246] : memref<10240x128xf32, #tpu.memory_space<hbm>> -> memref<10240x128xf32, #tpu.memory_space<hbm>>
        tpu.enqueue_indirect_dma source(%dma_start3A_247 : memref<10240x128xf32, #tpu.memory_space<hbm>>) target(%dma_start3A_241 : memref<128x128xf32, #tpu.memory_space<vmem>>) offsets(%dma_start3A_244 : memref<128xi32, #tpu.memory_space<vmem>>) semaphore(%arg16 : memref<!tpu.dma_semaphore, #tpu.memory_space<semaphore_mem>>)
      } else {
      }
      %lt3A_155 = arith.constant 154 : i32
      %lt3A_156 = arith.cmpi slt, %scan3A_140, %lt3A_155 : i32
      %convert_element_type3A_157 = arith.extui %lt3A_156 : i1 to i32
      %cond3A_158 = arith.constant 0 : i32
      %cond3A_159 = arith.cmpi ne, %convert_element_type3A_157, %cond3A_158 : i32
      scf.if %cond3A_159 {
        %add3A_224 = arith.constant 2 : i32
        %add3A_225 = arith.addi %scan3A_140, %add3A_224 : i32
        %add3A_226 = arith.addi %mul3A_18, %mul3A_16 : i32
        %mul3A_227 = arith.constant 128 : i32
        %mul3A_228 = arith.muli %add3A_225, %mul3A_227 : i32
        %add3A_229 = arith.addi %add3A_226, %mul3A_228 : i32
        %dma_start3A_230 = arith.constant 0 : i32
        %dma_start3A_231 = tpu.memref_slice %arg9[%rem3A_141, %dma_start3A_230] : memref<2x128xi32, #tpu.memory_space<vmem>> -> memref<1x128xi32, #tpu.memory_space<vmem>>
        %dma_start3A_232 = tpu.memref_squeeze %dma_start3A_231 : memref<1x128xi32, #tpu.memory_space<vmem>> -> memref<128xi32, #tpu.memory_space<vmem>>
        %dma_start3A_233 = tpu.memref_slice %arg3[%add3A_229] : memref<1280000xi32, #tpu.memory_space<hbm>> -> memref<128xi32, #tpu.memory_space<hbm>>
        %dma_start3A_234 = arith.constant 0 : i32
        %dma_start3A_235 = tpu.memref_slice %arg9[%rem3A_141, %dma_start3A_234] : memref<2x128xi32, #tpu.memory_space<vmem>> -> memref<1x128xi32, #tpu.memory_space<vmem>>
        %dma_start3A_236 = tpu.memref_squeeze %dma_start3A_235 : memref<1x128xi32, #tpu.memory_space<vmem>> -> memref<128xi32, #tpu.memory_space<vmem>>
        %dma_start3A_237 = tpu.memref_slice %arg3[%add3A_229] : memref<1280000xi32, #tpu.memory_space<hbm>> -> memref<128xi32, #tpu.memory_space<hbm>>
        tpu.enqueue_dma source(%dma_start3A_237 : memref<128xi32, #tpu.memory_space<hbm>>) target(%dma_start3A_236 : memref<128xi32, #tpu.memory_space<vmem>>) target_semaphore(%arg17 : memref<!tpu.dma_semaphore, #tpu.memory_space<semaphore_mem>>)
      } else {
      }
      %gt3A = arith.constant 0 : i32
      %gt3A_160 = arith.cmpi sgt, %scan3A_140, %gt3A : i32
      %convert_element_type3A_161 = arith.extui %gt3A_160 : i1 to i32
      %cond3A_162 = arith.constant 0 : i32
      %cond3A_163 = arith.cmpi ne, %convert_element_type3A_161, %cond3A_162 : i32
      scf.if %cond3A_163 {
        %add3A_224 = arith.constant 320000 : i32
        %add3A_225 = arith.addi %mul3A_18, %add3A_224 : i32
        %add3A_226 = arith.addi %add3A_225, %mul3A_16 : i32
        %mul3A_227 = arith.constant 128 : i32
        %mul3A_228 = arith.muli %scan3A_140, %mul3A_227 : i32
        %add3A_229 = arith.addi %add3A_226, %mul3A_228 : i32
        %dma_wait3A_230 = arith.constant 0 : i32
        %dma_wait3A_231 = tpu.memref_slice %arg10[%rem3A_141, %dma_wait3A_230] : memref<2x128xi32, #tpu.memory_space<vmem>> -> memref<1x128xi32, #tpu.memory_space<vmem>>
        %dma_wait3A_232 = tpu.memref_squeeze %dma_wait3A_231 : memref<1x128xi32, #tpu.memory_space<vmem>> -> memref<128xi32, #tpu.memory_space<vmem>>
        %dma_wait3A_233 = tpu.memref_slice %arg3[%add3A_229] : memref<1280000xi32, #tpu.memory_space<hbm>> -> memref<128xi32, #tpu.memory_space<hbm>>
        %dma_wait3A_234 = arith.constant 0 : i32
        %dma_wait3A_235 = tpu.memref_slice %arg10[%rem3A_141, %dma_wait3A_234] : memref<2x128xi32, #tpu.memory_space<vmem>> -> memref<1x128xi32, #tpu.memory_space<vmem>>
        %dma_wait3A_236 = tpu.memref_squeeze %dma_wait3A_235 : memref<1x128xi32, #tpu.memory_space<vmem>> -> memref<128xi32, #tpu.memory_space<vmem>>
        %dma_wait3A_237 = tpu.memref_slice %arg3[%add3A_229] : memref<1280000xi32, #tpu.memory_space<hbm>> -> memref<128xi32, #tpu.memory_space<hbm>>
        tpu.wait_dma2 semaphore(%arg18 : memref<!tpu.dma_semaphore, #tpu.memory_space<semaphore_mem>>) src(%dma_wait3A_237 : memref<128xi32, #tpu.memory_space<hbm>>) dst(%dma_wait3A_236 : memref<128xi32, #tpu.memory_space<vmem>>)
      } else {
      }
      %lt3A_164 = arith.constant 155 : i32
      %lt3A_165 = arith.cmpi slt, %scan3A_140, %lt3A_164 : i32
      %convert_element_type3A_166 = arith.extui %lt3A_165 : i1 to i32
      %cond3A_167 = arith.constant 0 : i32
      %cond3A_168 = arith.cmpi ne, %convert_element_type3A_166, %cond3A_167 : i32
      scf.if %cond3A_168 {
        %add3A_224 = arith.constant 1 : i32
        %add3A_225 = arith.addi %scan3A_140, %add3A_224 : i32
        %add3A_226 = arith.constant 320000 : i32
        %add3A_227 = arith.addi %mul3A_18, %add3A_226 : i32
        %add3A_228 = arith.addi %add3A_227, %mul3A_16 : i32
        %mul3A_229 = arith.constant 128 : i32
        %mul3A_230 = arith.muli %add3A_225, %mul3A_229 : i32
        %add3A_231 = arith.addi %add3A_228, %mul3A_230 : i32
        %dma_start3A_232 = arith.constant 0 : i32
        %dma_start3A_233 = tpu.memref_slice %arg10[%sub3A_142, %dma_start3A_232] : memref<2x128xi32, #tpu.memory_space<vmem>> -> memref<1x128xi32, #tpu.memory_space<vmem>>
        %dma_start3A_234 = tpu.memref_squeeze %dma_start3A_233 : memref<1x128xi32, #tpu.memory_space<vmem>> -> memref<128xi32, #tpu.memory_space<vmem>>
        %dma_start3A_235 = tpu.memref_slice %arg3[%add3A_231] : memref<1280000xi32, #tpu.memory_space<hbm>> -> memref<128xi32, #tpu.memory_space<hbm>>
        %dma_start3A_236 = arith.constant 0 : i32
        %dma_start3A_237 = tpu.memref_slice %arg10[%sub3A_142, %dma_start3A_236] : memref<2x128xi32, #tpu.memory_space<vmem>> -> memref<1x128xi32, #tpu.memory_space<vmem>>
        %dma_start3A_238 = tpu.memref_squeeze %dma_start3A_237 : memref<1x128xi32, #tpu.memory_space<vmem>> -> memref<128xi32, #tpu.memory_space<vmem>>
        %dma_start3A_239 = tpu.memref_slice %arg3[%add3A_231] : memref<1280000xi32, #tpu.memory_space<hbm>> -> memref<128xi32, #tpu.memory_space<hbm>>
        tpu.enqueue_dma source(%dma_start3A_239 : memref<128xi32, #tpu.memory_space<hbm>>) target(%dma_start3A_238 : memref<128xi32, #tpu.memory_space<vmem>>) target_semaphore(%arg18 : memref<!tpu.dma_semaphore, #tpu.memory_space<semaphore_mem>>)
      } else {
      }
      %get3A_169 = arith.index_cast %rem3A_141 : i32 to index
      %get3A_170 = arith.constant 0 : index
      %get3A_171 = tpu.vector_load %arg10[%get3A_169, %get3A_170] {strides = array<i32>} : memref<2x128xi32, #tpu.memory_space<vmem>>, vector<16xi32>,
      %swap3A = arith.constant 0 : index
      %swap3A_172 = tpu.vector_load %arg11[%swap3A] {strides = array<i32>} : memref<128xi32, #tpu.memory_space<vmem>>, vector<16xi32>,
      tpu.vector_store %arg11[%swap3A], %get3A_171 {strides = array<i32>} : memref<128xi32, #tpu.memory_space<vmem>>, vector<16xi32>,
      %broadcast_in_dim3A_173 = arith.constant 1.000000e+00 : f32
      %broadcast_in_dim3A_174 = vector.broadcast %broadcast_in_dim3A_173 : f32 to vector<16xf32>
      tpu.vector_store_idx %arg15[%get3A_171], %broadcast_in_dim3A_174 {add = true} : memref<10240xf32, #tpu.memory_space<vmem>>[vector<16xi32>], vector<16xf32>,
      %get3A_175 = arith.index_cast %rem3A_141 : i32 to index
      %get3A_176 = arith.constant 16 : index
      %get3A_177 = tpu.vector_load %arg10[%get3A_175, %get3A_176] {strides = array<i32>} : memref<2x128xi32, #tpu.memory_space<vmem>>, vector<16xi32>,
      %swap3A_178 = arith.constant 16 : index
      %swap3A_179 = tpu.vector_load %arg11[%swap3A_178] {strides = array<i32>} : memref<128xi32, #tpu.memory_space<vmem>>, vector<16xi32>,
      tpu.vector_store %arg11[%swap3A_178], %get3A_177 {strides = array<i32>} : memref<128xi32, #tpu.memory_space<vmem>>, vector<16xi32>,
      %broadcast_in_dim3A_180 = arith.constant 1.000000e+00 : f32
      %broadcast_in_dim3A_181 = vector.broadcast %broadcast_in_dim3A_180 : f32 to vector<16xf32>
      tpu.vector_store_idx %arg15[%get3A_177], %broadcast_in_dim3A_181 {add = true} : memref<10240xf32, #tpu.memory_space<vmem>>[vector<16xi32>], vector<16xf32>,
      %get3A_182 = arith.index_cast %rem3A_141 : i32 to index
      %get3A_183 = arith.constant 32 : index
      %get3A_184 = tpu.vector_load %arg10[%get3A_182, %get3A_183] {strides = array<i32>} : memref<2x128xi32, #tpu.memory_space<vmem>>, vector<16xi32>,
      %swap3A_185 = arith.constant 32 : index
      %swap3A_186 = tpu.vector_load %arg11[%swap3A_185] {strides = array<i32>} : memref<128xi32, #tpu.memory_space<vmem>>, vector<16xi32>,
      tpu.vector_store %arg11[%swap3A_185], %get3A_184 {strides = array<i32>} : memref<128xi32, #tpu.memory_space<vmem>>, vector<16xi32>,
      %broadcast_in_dim3A_187 = arith.constant 1.000000e+00 : f32
      %broadcast_in_dim3A_188 = vector.broadcast %broadcast_in_dim3A_187 : f32 to vector<16xf32>
      tpu.vector_store_idx %arg15[%get3A_184], %broadcast_in_dim3A_188 {add = true} : memref<10240xf32, #tpu.memory_space<vmem>>[vector<16xi32>], vector<16xf32>,
      %get3A_189 = arith.index_cast %rem3A_141 : i32 to index
      %get3A_190 = arith.constant 48 : index
      %get3A_191 = tpu.vector_load %arg10[%get3A_189, %get3A_190] {strides = array<i32>} : memref<2x128xi32, #tpu.memory_space<vmem>>, vector<16xi32>,
      %swap3A_192 = arith.constant 48 : index
      %swap3A_193 = tpu.vector_load %arg11[%swap3A_192] {strides = array<i32>} : memref<128xi32, #tpu.memory_space<vmem>>, vector<16xi32>,
      tpu.vector_store %arg11[%swap3A_192], %get3A_191 {strides = array<i32>} : memref<128xi32, #tpu.memory_space<vmem>>, vector<16xi32>,
      %broadcast_in_dim3A_194 = arith.constant 1.000000e+00 : f32
      %broadcast_in_dim3A_195 = vector.broadcast %broadcast_in_dim3A_194 : f32 to vector<16xf32>
      tpu.vector_store_idx %arg15[%get3A_191], %broadcast_in_dim3A_195 {add = true} : memref<10240xf32, #tpu.memory_space<vmem>>[vector<16xi32>], vector<16xf32>,
      %get3A_196 = arith.index_cast %rem3A_141 : i32 to index
      %get3A_197 = arith.constant 64 : index
      %get3A_198 = tpu.vector_load %arg10[%get3A_196, %get3A_197] {strides = array<i32>} : memref<2x128xi32, #tpu.memory_space<vmem>>, vector<16xi32>,
      %swap3A_199 = arith.constant 64 : index
      %swap3A_200 = tpu.vector_load %arg11[%swap3A_199] {strides = array<i32>} : memref<128xi32, #tpu.memory_space<vmem>>, vector<16xi32>,
      tpu.vector_store %arg11[%swap3A_199], %get3A_198 {strides = array<i32>} : memref<128xi32, #tpu.memory_space<vmem>>, vector<16xi32>,
      %broadcast_in_dim3A_201 = arith.constant 1.000000e+00 : f32
      %broadcast_in_dim3A_202 = vector.broadcast %broadcast_in_dim3A_201 : f32 to vector<16xf32>
      tpu.vector_store_idx %arg15[%get3A_198], %broadcast_in_dim3A_202 {add = true} : memref<10240xf32, #tpu.memory_space<vmem>>[vector<16xi32>], vector<16xf32>,
      %get3A_203 = arith.index_cast %rem3A_141 : i32 to index
      %get3A_204 = arith.constant 80 : index
      %get3A_205 = tpu.vector_load %arg10[%get3A_203, %get3A_204] {strides = array<i32>} : memref<2x128xi32, #tpu.memory_space<vmem>>, vector<16xi32>,
      %swap3A_206 = arith.constant 80 : index
      %swap3A_207 = tpu.vector_load %arg11[%swap3A_206] {strides = array<i32>} : memref<128xi32, #tpu.memory_space<vmem>>, vector<16xi32>,
      tpu.vector_store %arg11[%swap3A_206], %get3A_205 {strides = array<i32>} : memref<128xi32, #tpu.memory_space<vmem>>, vector<16xi32>,
      %broadcast_in_dim3A_208 = arith.constant 1.000000e+00 : f32
      %broadcast_in_dim3A_209 = vector.broadcast %broadcast_in_dim3A_208 : f32 to vector<16xf32>
      tpu.vector_store_idx %arg15[%get3A_205], %broadcast_in_dim3A_209 {add = true} : memref<10240xf32, #tpu.memory_space<vmem>>[vector<16xi32>], vector<16xf32>,
      %get3A_210 = arith.index_cast %rem3A_141 : i32 to index
      %get3A_211 = arith.constant 96 : index
      %get3A_212 = tpu.vector_load %arg10[%get3A_210, %get3A_211] {strides = array<i32>} : memref<2x128xi32, #tpu.memory_space<vmem>>, vector<16xi32>,
      %swap3A_213 = arith.constant 96 : index
      %swap3A_214 = tpu.vector_load %arg11[%swap3A_213] {strides = array<i32>} : memref<128xi32, #tpu.memory_space<vmem>>, vector<16xi32>,
      tpu.vector_store %arg11[%swap3A_213], %get3A_212 {strides = array<i32>} : memref<128xi32, #tpu.memory_space<vmem>>, vector<16xi32>,
      %broadcast_in_dim3A_215 = arith.constant 1.000000e+00 : f32
      %broadcast_in_dim3A_216 = vector.broadcast %broadcast_in_dim3A_215 : f32 to vector<16xf32>
      tpu.vector_store_idx %arg15[%get3A_212], %broadcast_in_dim3A_216 {add = true} : memref<10240xf32, #tpu.memory_space<vmem>>[vector<16xi32>], vector<16xf32>,
      %get3A_217 = arith.index_cast %rem3A_141 : i32 to index
      %get3A_218 = arith.constant 112 : index
      %get3A_219 = tpu.vector_load %arg10[%get3A_217, %get3A_218] {strides = array<i32>} : memref<2x128xi32, #tpu.memory_space<vmem>>, vector<16xi32>,
      %swap3A_220 = arith.constant 112 : index
      %swap3A_221 = tpu.vector_load %arg11[%swap3A_220] {strides = array<i32>} : memref<128xi32, #tpu.memory_space<vmem>>, vector<16xi32>,
      tpu.vector_store %arg11[%swap3A_220], %get3A_219 {strides = array<i32>} : memref<128xi32, #tpu.memory_space<vmem>>, vector<16xi32>,
      %broadcast_in_dim3A_222 = arith.constant 1.000000e+00 : f32
      %broadcast_in_dim3A_223 = vector.broadcast %broadcast_in_dim3A_222 : f32 to vector<16xf32>
      tpu.vector_store_idx %arg15[%get3A_219], %broadcast_in_dim3A_223 {add = true} : memref<10240xf32, #tpu.memory_space<vmem>>[vector<16xi32>], vector<16xf32>,
      "tpu.region"() ({
        %run_scoped3A_224 = tpu.sem_alloc : memref<!tpu.dma_semaphore, #tpu.memory_space<semaphore_mem>>
        %dma_start3A_225 = arith.constant 0 : i32
        %dma_start3A_226 = arith.constant 0 : i32
        %dma_start3A_227 = tpu.memref_slice %arg14[%rem3A_141, %dma_start3A_225, %dma_start3A_226] : memref<2x128x128xf32, #tpu.memory_space<vmem>> -> memref<1x128x128xf32, #tpu.memory_space<vmem>>
        %dma_start3A_228 = tpu.memref_squeeze %dma_start3A_227 : memref<1x128x128xf32, #tpu.memory_space<vmem>> -> memref<128x128xf32, #tpu.memory_space<vmem>>
        %dma_start3A_229 = arith.constant 0 : i32
        %dma_start3A_230 = arith.constant 0 : i32
        %dma_start3A_231 = tpu.memref_slice %arg8[%dma_start3A_229, %dma_start3A_230] : memref<10240x128xf32, #tpu.memory_space<vmem_shared>> -> memref<10240x128xf32, #tpu.memory_space<vmem_shared>>
        tpu.enqueue_indirect_dma source(%dma_start3A_228 : memref<128x128xf32, #tpu.memory_space<vmem>>) target(%dma_start3A_231 : memref<10240x128xf32, #tpu.memory_space<vmem_shared>>) offsets(%arg11 : memref<128xi32, #tpu.memory_space<vmem>>) semaphore(%run_scoped3A_224 : memref<!tpu.dma_semaphore, #tpu.memory_space<semaphore_mem>>) {add = true}
        %dma_wait3A_232 = arith.constant 0 : i32
        %dma_wait3A_233 = arith.constant 0 : i32
        %dma_wait3A_234 = tpu.memref_slice %arg14[%rem3A_141, %dma_wait3A_232, %dma_wait3A_233] : memref<2x128x128xf32, #tpu.memory_space<vmem>> -> memref<1x128x128xf32, #tpu.memory_space<vmem>>
        %dma_wait3A_235 = tpu.memref_squeeze %dma_wait3A_234 : memref<1x128x128xf32, #tpu.memory_space<vmem>> -> memref<128x128xf32, #tpu.memory_space<vmem>>
        %dma_wait3A_236 = arith.constant 0 : i32
        %dma_wait3A_237 = arith.constant 0 : i32
        %dma_wait3A_238 = tpu.memref_slice %arg8[%dma_wait3A_236, %dma_wait3A_237] : memref<10240x128xf32, #tpu.memory_space<vmem_shared>> -> memref<10240x128xf32, #tpu.memory_space<vmem_shared>>
        tpu.wait_indirect_dma semaphore(%run_scoped3A_224 : memref<!tpu.dma_semaphore, #tpu.memory_space<semaphore_mem>>) src(%dma_wait3A_235 : memref<128x128xf32, #tpu.memory_space<vmem>>) dst(%dma_wait3A_238 : memref<10240x128xf32, #tpu.memory_space<vmem_shared>>)
        tpu.yield
      }) : () -> ()
    }
    %scan3A_100 = arith.constant 156 : i32
    %mul3A_101 = arith.constant 16 : i32
    %mul3A_102 = arith.muli %arg0, %mul3A_101 : i32
    %add3A_103 = arith.addi %mul3A_102, %arg1 : i32
    %mul3A_104 = arith.constant 10240 : i32
    %mul3A_105 = arith.muli %add3A_103, %mul3A_104 : i32
    "tpu.region"() ({
      %run_scoped3A_140 = tpu.sem_alloc : memref<!tpu.dma_semaphore, #tpu.memory_space<semaphore_mem>>
      %dma_start3A_141 = tpu.memref_slice %arg7[%mul3A_105] : memref<327680xf32, #tpu.memory_space<hbm>> -> memref<10240xf32, #tpu.memory_space<hbm>>
      %dma_start3A_142 = tpu.memref_slice %arg7[%mul3A_105] : memref<327680xf32, #tpu.memory_space<hbm>> -> memref<10240xf32, #tpu.memory_space<hbm>>
      tpu.enqueue_dma source(%arg15 : memref<10240xf32, #tpu.memory_space<vmem>>) target(%dma_start3A_142 : memref<10240xf32, #tpu.memory_space<hbm>>) target_semaphore(%run_scoped3A_140 : memref<!tpu.dma_semaphore, #tpu.memory_space<semaphore_mem>>)
      %dma_wait3A_143 = tpu.memref_slice %arg7[%mul3A_105] : memref<327680xf32, #tpu.memory_space<hbm>> -> memref<10240xf32, #tpu.memory_space<hbm>>
      %dma_wait3A_144 = tpu.memref_slice %arg7[%mul3A_105] : memref<327680xf32, #tpu.memory_space<hbm>> -> memref<10240xf32, #tpu.memory_space<hbm>>
      tpu.wait_dma2 semaphore(%run_scoped3A_140 : memref<!tpu.dma_semaphore, #tpu.memory_space<semaphore_mem>>) src(%arg15 : memref<10240xf32, #tpu.memory_space<vmem>>) dst(%dma_wait3A_144 : memref<10240xf32, #tpu.memory_space<hbm>>)
      tpu.yield
    }) : () -> ()
    %barrier3A_106 = arith.constant 0 : index
    tpu.barrier barrier_id(%barrier3A_106)
    %mul3A_107 = arith.constant 10240 : i32
    %mul3A_108 = arith.muli %arg0, %mul3A_107 : i32
    %add3A_109 = arith.addi %mul3A_108, %mul3A_0 : i32
    %add3A_110 = arith.constant 0 : i32
    %add3A_111 = arith.addi %mul3A_0, %add3A_110 : i32
    %run_scoped3A_112 = arith.constant 0 : i32
    "tpu.region"() ({
      %run_scoped3A_140 = tpu.sem_alloc : memref<!tpu.dma_semaphore, #tpu.memory_space<semaphore_mem>>
      %dma_start3A_141 = arith.constant 0 : i32
      %dma_start3A_142 = arith.constant 0 : i32
      %dma_start3A_143 = tpu.memref_slice %arg14[%run_scoped3A_112, %dma_start3A_141, %dma_start3A_142] : memref<2x128x128xf32, #tpu.memory_space<vmem>> -> memref<1x128x128xf32, #tpu.memory_space<vmem>>
      %dma_start3A_144 = tpu.memref_squeeze %dma_start3A_143 : memref<1x128x128xf32, #tpu.memory_space<vmem>> -> memref<128x128xf32, #tpu.memory_space<vmem>>
      %dma_start3A_145 = arith.constant 0 : i32
      %dma_start3A_146 = tpu.memref_slice %arg8[%add3A_111, %dma_start3A_145] : memref<10240x128xf32, #tpu.memory_space<vmem_shared>> -> memref<128x128xf32, #tpu.memory_space<vmem_shared>>
      %dma_start3A_147 = arith.constant 0 : i32
      %dma_start3A_148 = arith.constant 0 : i32
      %dma_start3A_149 = tpu.memref_slice %arg14[%run_scoped3A_112, %dma_start3A_147, %dma_start3A_148] : memref<2x128x128xf32, #tpu.memory_space<vmem>> -> memref<1x128x128xf32, #tpu.memory_space<vmem>>
      %dma_start3A_150 = tpu.memref_squeeze %dma_start3A_149 : memref<1x128x128xf32, #tpu.memory_space<vmem>> -> memref<128x128xf32, #tpu.memory_space<vmem>>
      %dma_start3A_151 = arith.constant 0 : i32
      %dma_start3A_152 = tpu.memref_slice %arg8[%add3A_111, %dma_start3A_151] : memref<10240x128xf32, #tpu.memory_space<vmem_shared>> -> memref<128x128xf32, #tpu.memory_space<vmem_shared>>
      tpu.enqueue_dma source(%dma_start3A_152 : memref<128x128xf32, #tpu.memory_space<vmem_shared>>) target(%dma_start3A_150 : memref<128x128xf32, #tpu.memory_space<vmem>>) target_semaphore(%run_scoped3A_140 : memref<!tpu.dma_semaphore, #tpu.memory_space<semaphore_mem>>)
      %dma_wait3A_153 = arith.constant 0 : i32
      %dma_wait3A_154 = arith.constant 0 : i32
      %dma_wait3A_155 = tpu.memref_slice %arg14[%run_scoped3A_112, %dma_wait3A_153, %dma_wait3A_154] : memref<2x128x128xf32, #tpu.memory_space<vmem>> -> memref<1x128x128xf32, #tpu.memory_space<vmem>>
      %dma_wait3A_156 = tpu.memref_squeeze %dma_wait3A_155 : memref<1x128x128xf32, #tpu.memory_space<vmem>> -> memref<128x128xf32, #tpu.memory_space<vmem>>
      %dma_wait3A_157 = arith.constant 0 : i32
      %dma_wait3A_158 = tpu.memref_slice %arg8[%add3A_111, %dma_wait3A_157] : memref<10240x128xf32, #tpu.memory_space<vmem_shared>> -> memref<128x128xf32, #tpu.memory_space<vmem_shared>>
      %dma_wait3A_159 = arith.constant 0 : i32
      %dma_wait3A_160 = arith.constant 0 : i32
      %dma_wait3A_161 = tpu.memref_slice %arg14[%run_scoped3A_112, %dma_wait3A_159, %dma_wait3A_160] : memref<2x128x128xf32, #tpu.memory_space<vmem>> -> memref<1x128x128xf32, #tpu.memory_space<vmem>>
      %dma_wait3A_162 = tpu.memref_squeeze %dma_wait3A_161 : memref<1x128x128xf32, #tpu.memory_space<vmem>> -> memref<128x128xf32, #tpu.memory_space<vmem>>
      %dma_wait3A_163 = arith.constant 0 : i32
      %dma_wait3A_164 = tpu.memref_slice %arg8[%add3A_111, %dma_wait3A_163] : memref<10240x128xf32, #tpu.memory_space<vmem_shared>> -> memref<128x128xf32, #tpu.memory_space<vmem_shared>>
      tpu.wait_dma2 semaphore(%run_scoped3A_140 : memref<!tpu.dma_semaphore, #tpu.memory_space<semaphore_mem>>) src(%dma_wait3A_164 : memref<128x128xf32, #tpu.memory_space<vmem_shared>>) dst(%dma_wait3A_162 : memref<128x128xf32, #tpu.memory_space<vmem>>)
      tpu.yield
    }) : () -> ()
    %add3A_113 = arith.constant 0 : i32
    %add3A_114 = arith.addi %add3A_109, %add3A_113 : i32
    %run_scoped3A_115 = arith.constant 0 : i32
    "tpu.region"() ({
      %run_scoped3A_140 = tpu.sem_alloc : memref<!tpu.dma_semaphore, #tpu.memory_space<semaphore_mem>>
      %dma_start3A_141 = arith.constant 0 : i32
      %dma_start3A_142 = arith.constant 0 : i32
      %dma_start3A_143 = tpu.memref_slice %arg14[%run_scoped3A_115, %dma_start3A_141, %dma_start3A_142] : memref<2x128x128xf32, #tpu.memory_space<vmem>> -> memref<1x128x128xf32, #tpu.memory_space<vmem>>
      %dma_start3A_144 = tpu.memref_squeeze %dma_start3A_143 : memref<1x128x128xf32, #tpu.memory_space<vmem>> -> memref<128x128xf32, #tpu.memory_space<vmem>>
      %dma_start3A_145 = arith.constant 0 : i32
      %dma_start3A_146 = tpu.memref_slice %arg6[%add3A_114, %dma_start3A_145] : memref<20480x128xf32, #tpu.memory_space<hbm>> -> memref<128x128xf32, #tpu.memory_space<hbm>>
      %dma_start3A_147 = arith.constant 0 : i32
      %dma_start3A_148 = tpu.memref_slice %arg6[%add3A_114, %dma_start3A_147] : memref<20480x128xf32, #tpu.memory_space<hbm>> -> memref<128x128xf32, #tpu.memory_space<hbm>>
      %dma_start3A_149 = arith.constant 0 : i32
      %dma_start3A_150 = arith.constant 0 : i32
      %dma_start3A_151 = tpu.memref_slice %arg14[%run_scoped3A_115, %dma_start3A_149, %dma_start3A_150] : memref<2x128x128xf32, #tpu.memory_space<vmem>> -> memref<1x128x128xf32, #tpu.memory_space<vmem>>
      %dma_start3A_152 = tpu.memref_squeeze %dma_start3A_151 : memref<1x128x128xf32, #tpu.memory_space<vmem>> -> memref<128x128xf32, #tpu.memory_space<vmem>>
      tpu.enqueue_dma source(%dma_start3A_152 : memref<128x128xf32, #tpu.memory_space<vmem>>) target(%dma_start3A_148 : memref<128x128xf32, #tpu.memory_space<hbm>>) target_semaphore(%run_scoped3A_140 : memref<!tpu.dma_semaphore, #tpu.memory_space<semaphore_mem>>)
      %dma_wait3A_153 = arith.constant 0 : i32
      %dma_wait3A_154 = arith.constant 0 : i32
      %dma_wait3A_155 = tpu.memref_slice %arg14[%run_scoped3A_115, %dma_wait3A_153, %dma_wait3A_154] : memref<2x128x128xf32, #tpu.memory_space<vmem>> -> memref<1x128x128xf32, #tpu.memory_space<vmem>>
      %dma_wait3A_156 = tpu.memref_squeeze %dma_wait3A_155 : memref<1x128x128xf32, #tpu.memory_space<vmem>> -> memref<128x128xf32, #tpu.memory_space<vmem>>
      %dma_wait3A_157 = arith.constant 0 : i32
      %dma_wait3A_158 = tpu.memref_slice %arg6[%add3A_114, %dma_wait3A_157] : memref<20480x128xf32, #tpu.memory_space<hbm>> -> memref<128x128xf32, #tpu.memory_space<hbm>>
      %dma_wait3A_159 = arith.constant 0 : i32
      %dma_wait3A_160 = tpu.memref_slice %arg6[%add3A_114, %dma_wait3A_159] : memref<20480x128xf32, #tpu.memory_space<hbm>> -> memref<128x128xf32, #tpu.memory_space<hbm>>
      %dma_wait3A_161 = arith.constant 0 : i32
      %dma_wait3A_162 = arith.constant 0 : i32
      %dma_wait3A_163 = tpu.memref_slice %arg14[%run_scoped3A_115, %dma_wait3A_161, %dma_wait3A_162] : memref<2x128x128xf32, #tpu.memory_space<vmem>> -> memref<1x128x128xf32, #tpu.memory_space<vmem>>
      %dma_wait3A_164 = tpu.memref_squeeze %dma_wait3A_163 : memref<1x128x128xf32, #tpu.memory_space<vmem>> -> memref<128x128xf32, #tpu.memory_space<vmem>>
      tpu.wait_dma2 semaphore(%run_scoped3A_140 : memref<!tpu.dma_semaphore, #tpu.memory_space<semaphore_mem>>) src(%dma_wait3A_164 : memref<128x128xf32, #tpu.memory_space<vmem>>) dst(%dma_wait3A_160 : memref<128x128xf32, #tpu.memory_space<hbm>>)
      tpu.yield
    }) : () -> ()
    %add3A_116 = arith.constant 128 : i32
    %add3A_117 = arith.addi %mul3A_0, %add3A_116 : i32
    %run_scoped3A_118 = arith.constant 0 : i32
    "tpu.region"() ({
      %run_scoped3A_140 = tpu.sem_alloc : memref<!tpu.dma_semaphore, #tpu.memory_space<semaphore_mem>>
      %dma_start3A_141 = arith.constant 0 : i32
      %dma_start3A_142 = arith.constant 0 : i32
      %dma_start3A_143 = tpu.memref_slice %arg14[%run_scoped3A_118, %dma_start3A_141, %dma_start3A_142] : memref<2x128x128xf32, #tpu.memory_space<vmem>> -> memref<1x128x128xf32, #tpu.memory_space<vmem>>
      %dma_start3A_144 = tpu.memref_squeeze %dma_start3A_143 : memref<1x128x128xf32, #tpu.memory_space<vmem>> -> memref<128x128xf32, #tpu.memory_space<vmem>>
      %dma_start3A_145 = arith.constant 0 : i32
      %dma_start3A_146 = tpu.memref_slice %arg8[%add3A_117, %dma_start3A_145] : memref<10240x128xf32, #tpu.memory_space<vmem_shared>> -> memref<128x128xf32, #tpu.memory_space<vmem_shared>>
      %dma_start3A_147 = arith.constant 0 : i32
      %dma_start3A_148 = arith.constant 0 : i32
      %dma_start3A_149 = tpu.memref_slice %arg14[%run_scoped3A_118, %dma_start3A_147, %dma_start3A_148] : memref<2x128x128xf32, #tpu.memory_space<vmem>> -> memref<1x128x128xf32, #tpu.memory_space<vmem>>
      %dma_start3A_150 = tpu.memref_squeeze %dma_start3A_149 : memref<1x128x128xf32, #tpu.memory_space<vmem>> -> memref<128x128xf32, #tpu.memory_space<vmem>>
      %dma_start3A_151 = arith.constant 0 : i32
      %dma_start3A_152 = tpu.memref_slice %arg8[%add3A_117, %dma_start3A_151] : memref<10240x128xf32, #tpu.memory_space<vmem_shared>> -> memref<128x128xf32, #tpu.memory_space<vmem_shared>>
      tpu.enqueue_dma source(%dma_start3A_152 : memref<128x128xf32, #tpu.memory_space<vmem_shared>>) target(%dma_start3A_150 : memref<128x128xf32, #tpu.memory_space<vmem>>) target_semaphore(%run_scoped3A_140 : memref<!tpu.dma_semaphore, #tpu.memory_space<semaphore_mem>>)
      %dma_wait3A_153 = arith.constant 0 : i32
      %dma_wait3A_154 = arith.constant 0 : i32
      %dma_wait3A_155 = tpu.memref_slice %arg14[%run_scoped3A_118, %dma_wait3A_153, %dma_wait3A_154] : memref<2x128x128xf32, #tpu.memory_space<vmem>> -> memref<1x128x128xf32, #tpu.memory_space<vmem>>
      %dma_wait3A_156 = tpu.memref_squeeze %dma_wait3A_155 : memref<1x128x128xf32, #tpu.memory_space<vmem>> -> memref<128x128xf32, #tpu.memory_space<vmem>>
      %dma_wait3A_157 = arith.constant 0 : i32
      %dma_wait3A_158 = tpu.memref_slice %arg8[%add3A_117, %dma_wait3A_157] : memref<10240x128xf32, #tpu.memory_space<vmem_shared>> -> memref<128x128xf32, #tpu.memory_space<vmem_shared>>
      %dma_wait3A_159 = arith.constant 0 : i32
      %dma_wait3A_160 = arith.constant 0 : i32
      %dma_wait3A_161 = tpu.memref_slice %arg14[%run_scoped3A_118, %dma_wait3A_159, %dma_wait3A_160] : memref<2x128x128xf32, #tpu.memory_space<vmem>> -> memref<1x128x128xf32, #tpu.memory_space<vmem>>
      %dma_wait3A_162 = tpu.memref_squeeze %dma_wait3A_161 : memref<1x128x128xf32, #tpu.memory_space<vmem>> -> memref<128x128xf32, #tpu.memory_space<vmem>>
      %dma_wait3A_163 = arith.constant 0 : i32
      %dma_wait3A_164 = tpu.memref_slice %arg8[%add3A_117, %dma_wait3A_163] : memref<10240x128xf32, #tpu.memory_space<vmem_shared>> -> memref<128x128xf32, #tpu.memory_space<vmem_shared>>
      tpu.wait_dma2 semaphore(%run_scoped3A_140 : memref<!tpu.dma_semaphore, #tpu.memory_space<semaphore_mem>>) src(%dma_wait3A_164 : memref<128x128xf32, #tpu.memory_space<vmem_shared>>) dst(%dma_wait3A_162 : memref<128x128xf32, #tpu.memory_space<vmem>>)
      tpu.yield
    }) : () -> ()
    %add3A_119 = arith.constant 128 : i32
    %add3A_120 = arith.addi %add3A_109, %add3A_119 : i32
    %run_scoped3A_121 = arith.constant 0 : i32
    "tpu.region"() ({
      %run_scoped3A_140 = tpu.sem_alloc : memref<!tpu.dma_semaphore, #tpu.memory_space<semaphore_mem>>
      %dma_start3A_141 = arith.constant 0 : i32
      %dma_start3A_142 = arith.constant 0 : i32
      %dma_start3A_143 = tpu.memref_slice %arg14[%run_scoped3A_121, %dma_start3A_141, %dma_start3A_142] : memref<2x128x128xf32, #tpu.memory_space<vmem>> -> memref<1x128x128xf32, #tpu.memory_space<vmem>>
      %dma_start3A_144 = tpu.memref_squeeze %dma_start3A_143 : memref<1x128x128xf32, #tpu.memory_space<vmem>> -> memref<128x128xf32, #tpu.memory_space<vmem>>
      %dma_start3A_145 = arith.constant 0 : i32
      %dma_start3A_146 = tpu.memref_slice %arg6[%add3A_120, %dma_start3A_145] : memref<20480x128xf32, #tpu.memory_space<hbm>> -> memref<128x128xf32, #tpu.memory_space<hbm>>
      %dma_start3A_147 = arith.constant 0 : i32
      %dma_start3A_148 = tpu.memref_slice %arg6[%add3A_120, %dma_start3A_147] : memref<20480x128xf32, #tpu.memory_space<hbm>> -> memref<128x128xf32, #tpu.memory_space<hbm>>
      %dma_start3A_149 = arith.constant 0 : i32
      %dma_start3A_150 = arith.constant 0 : i32
      %dma_start3A_151 = tpu.memref_slice %arg14[%run_scoped3A_121, %dma_start3A_149, %dma_start3A_150] : memref<2x128x128xf32, #tpu.memory_space<vmem>> -> memref<1x128x128xf32, #tpu.memory_space<vmem>>
      %dma_start3A_152 = tpu.memref_squeeze %dma_start3A_151 : memref<1x128x128xf32, #tpu.memory_space<vmem>> -> memref<128x128xf32, #tpu.memory_space<vmem>>
      tpu.enqueue_dma source(%dma_start3A_152 : memref<128x128xf32, #tpu.memory_space<vmem>>) target(%dma_start3A_148 : memref<128x128xf32, #tpu.memory_space<hbm>>) target_semaphore(%run_scoped3A_140 : memref<!tpu.dma_semaphore, #tpu.memory_space<semaphore_mem>>)
      %dma_wait3A_153 = arith.constant 0 : i32
      %dma_wait3A_154 = arith.constant 0 : i32
      %dma_wait3A_155 = tpu.memref_slice %arg14[%run_scoped3A_121, %dma_wait3A_153, %dma_wait3A_154] : memref<2x128x128xf32, #tpu.memory_space<vmem>> -> memref<1x128x128xf32, #tpu.memory_space<vmem>>
      %dma_wait3A_156 = tpu.memref_squeeze %dma_wait3A_155 : memref<1x128x128xf32, #tpu.memory_space<vmem>> -> memref<128x128xf32, #tpu.memory_space<vmem>>
      %dma_wait3A_157 = arith.constant 0 : i32
      %dma_wait3A_158 = tpu.memref_slice %arg6[%add3A_120, %dma_wait3A_157] : memref<20480x128xf32, #tpu.memory_space<hbm>> -> memref<128x128xf32, #tpu.memory_space<hbm>>
      %dma_wait3A_159 = arith.constant 0 : i32
      %dma_wait3A_160 = tpu.memref_slice %arg6[%add3A_120, %dma_wait3A_159] : memref<20480x128xf32, #tpu.memory_space<hbm>> -> memref<128x128xf32, #tpu.memory_space<hbm>>
      %dma_wait3A_161 = arith.constant 0 : i32
      %dma_wait3A_162 = arith.constant 0 : i32
      %dma_wait3A_163 = tpu.memref_slice %arg14[%run_scoped3A_121, %dma_wait3A_161, %dma_wait3A_162] : memref<2x128x128xf32, #tpu.memory_space<vmem>> -> memref<1x128x128xf32, #tpu.memory_space<vmem>>
      %dma_wait3A_164 = tpu.memref_squeeze %dma_wait3A_163 : memref<1x128x128xf32, #tpu.memory_space<vmem>> -> memref<128x128xf32, #tpu.memory_space<vmem>>
      tpu.wait_dma2 semaphore(%run_scoped3A_140 : memref<!tpu.dma_semaphore, #tpu.memory_space<semaphore_mem>>) src(%dma_wait3A_164 : memref<128x128xf32, #tpu.memory_space<vmem>>) dst(%dma_wait3A_160 : memref<128x128xf32, #tpu.memory_space<hbm>>)
      tpu.yield
    }) : () -> ()
    %add3A_122 = arith.constant 256 : i32
    %add3A_123 = arith.addi %mul3A_0, %add3A_122 : i32
    %run_scoped3A_124 = arith.constant 0 : i32
    "tpu.region"() ({
      %run_scoped3A_140 = tpu.sem_alloc : memref<!tpu.dma_semaphore, #tpu.memory_space<semaphore_mem>>
      %dma_start3A_141 = arith.constant 0 : i32
      %dma_start3A_142 = arith.constant 0 : i32
      %dma_start3A_143 = tpu.memref_slice %arg14[%run_scoped3A_124, %dma_start3A_141, %dma_start3A_142] : memref<2x128x128xf32, #tpu.memory_space<vmem>> -> memref<1x128x128xf32, #tpu.memory_space<vmem>>
      %dma_start3A_144 = tpu.memref_squeeze %dma_start3A_143 : memref<1x128x128xf32, #tpu.memory_space<vmem>> -> memref<128x128xf32, #tpu.memory_space<vmem>>
      %dma_start3A_145 = arith.constant 0 : i32
      %dma_start3A_146 = tpu.memref_slice %arg8[%add3A_123, %dma_start3A_145] : memref<10240x128xf32, #tpu.memory_space<vmem_shared>> -> memref<128x128xf32, #tpu.memory_space<vmem_shared>>
      %dma_start3A_147 = arith.constant 0 : i32
      %dma_start3A_148 = arith.constant 0 : i32
      %dma_start3A_149 = tpu.memref_slice %arg14[%run_scoped3A_124, %dma_start3A_147, %dma_start3A_148] : memref<2x128x128xf32, #tpu.memory_space<vmem>> -> memref<1x128x128xf32, #tpu.memory_space<vmem>>
      %dma_start3A_150 = tpu.memref_squeeze %dma_start3A_149 : memref<1x128x128xf32, #tpu.memory_space<vmem>> -> memref<128x128xf32, #tpu.memory_space<vmem>>
      %dma_start3A_151 = arith.constant 0 : i32
      %dma_start3A_152 = tpu.memref_slice %arg8[%add3A_123, %dma_start3A_151] : memref<10240x128xf32, #tpu.memory_space<vmem_shared>> -> memref<128x128xf32, #tpu.memory_space<vmem_shared>>
      tpu.enqueue_dma source(%dma_start3A_152 : memref<128x128xf32, #tpu.memory_space<vmem_shared>>) target(%dma_start3A_150 : memref<128x128xf32, #tpu.memory_space<vmem>>) target_semaphore(%run_scoped3A_140 : memref<!tpu.dma_semaphore, #tpu.memory_space<semaphore_mem>>)
      %dma_wait3A_153 = arith.constant 0 : i32
      %dma_wait3A_154 = arith.constant 0 : i32
      %dma_wait3A_155 = tpu.memref_slice %arg14[%run_scoped3A_124, %dma_wait3A_153, %dma_wait3A_154] : memref<2x128x128xf32, #tpu.memory_space<vmem>> -> memref<1x128x128xf32, #tpu.memory_space<vmem>>
      %dma_wait3A_156 = tpu.memref_squeeze %dma_wait3A_155 : memref<1x128x128xf32, #tpu.memory_space<vmem>> -> memref<128x128xf32, #tpu.memory_space<vmem>>
      %dma_wait3A_157 = arith.constant 0 : i32
      %dma_wait3A_158 = tpu.memref_slice %arg8[%add3A_123, %dma_wait3A_157] : memref<10240x128xf32, #tpu.memory_space<vmem_shared>> -> memref<128x128xf32, #tpu.memory_space<vmem_shared>>
      %dma_wait3A_159 = arith.constant 0 : i32
      %dma_wait3A_160 = arith.constant 0 : i32
      %dma_wait3A_161 = tpu.memref_slice %arg14[%run_scoped3A_124, %dma_wait3A_159, %dma_wait3A_160] : memref<2x128x128xf32, #tpu.memory_space<vmem>> -> memref<1x128x128xf32, #tpu.memory_space<vmem>>
      %dma_wait3A_162 = tpu.memref_squeeze %dma_wait3A_161 : memref<1x128x128xf32, #tpu.memory_space<vmem>> -> memref<128x128xf32, #tpu.memory_space<vmem>>
      %dma_wait3A_163 = arith.constant 0 : i32
      %dma_wait3A_164 = tpu.memref_slice %arg8[%add3A_123, %dma_wait3A_163] : memref<10240x128xf32, #tpu.memory_space<vmem_shared>> -> memref<128x128xf32, #tpu.memory_space<vmem_shared>>
      tpu.wait_dma2 semaphore(%run_scoped3A_140 : memref<!tpu.dma_semaphore, #tpu.memory_space<semaphore_mem>>) src(%dma_wait3A_164 : memref<128x128xf32, #tpu.memory_space<vmem_shared>>) dst(%dma_wait3A_162 : memref<128x128xf32, #tpu.memory_space<vmem>>)
      tpu.yield
    }) : () -> ()
    %add3A_125 = arith.constant 256 : i32
    %add3A_126 = arith.addi %add3A_109, %add3A_125 : i32
    %run_scoped3A_127 = arith.constant 0 : i32
    "tpu.region"() ({
      %run_scoped3A_140 = tpu.sem_alloc : memref<!tpu.dma_semaphore, #tpu.memory_space<semaphore_mem>>
      %dma_start3A_141 = arith.constant 0 : i32
      %dma_start3A_142 = arith.constant 0 : i32
      %dma_start3A_143 = tpu.memref_slice %arg14[%run_scoped3A_127, %dma_start3A_141, %dma_start3A_142] : memref<2x128x128xf32, #tpu.memory_space<vmem>> -> memref<1x128x128xf32, #tpu.memory_space<vmem>>
      %dma_start3A_144 = tpu.memref_squeeze %dma_start3A_143 : memref<1x128x128xf32, #tpu.memory_space<vmem>> -> memref<128x128xf32, #tpu.memory_space<vmem>>
      %dma_start3A_145 = arith.constant 0 : i32
      %dma_start3A_146 = tpu.memref_slice %arg6[%add3A_126, %dma_start3A_145] : memref<20480x128xf32, #tpu.memory_space<hbm>> -> memref<128x128xf32, #tpu.memory_space<hbm>>
      %dma_start3A_147 = arith.constant 0 : i32
      %dma_start3A_148 = tpu.memref_slice %arg6[%add3A_126, %dma_start3A_147] : memref<20480x128xf32, #tpu.memory_space<hbm>> -> memref<128x128xf32, #tpu.memory_space<hbm>>
      %dma_start3A_149 = arith.constant 0 : i32
      %dma_start3A_150 = arith.constant 0 : i32
      %dma_start3A_151 = tpu.memref_slice %arg14[%run_scoped3A_127, %dma_start3A_149, %dma_start3A_150] : memref<2x128x128xf32, #tpu.memory_space<vmem>> -> memref<1x128x128xf32, #tpu.memory_space<vmem>>
      %dma_start3A_152 = tpu.memref_squeeze %dma_start3A_151 : memref<1x128x128xf32, #tpu.memory_space<vmem>> -> memref<128x128xf32, #tpu.memory_space<vmem>>
      tpu.enqueue_dma source(%dma_start3A_152 : memref<128x128xf32, #tpu.memory_space<vmem>>) target(%dma_start3A_148 : memref<128x128xf32, #tpu.memory_space<hbm>>) target_semaphore(%run_scoped3A_140 : memref<!tpu.dma_semaphore, #tpu.memory_space<semaphore_mem>>)
      %dma_wait3A_153 = arith.constant 0 : i32
      %dma_wait3A_154 = arith.constant 0 : i32
      %dma_wait3A_155 = tpu.memref_slice %arg14[%run_scoped3A_127, %dma_wait3A_153, %dma_wait3A_154] : memref<2x128x128xf32, #tpu.memory_space<vmem>> -> memref<1x128x128xf32, #tpu.memory_space<vmem>>
      %dma_wait3A_156 = tpu.memref_squeeze %dma_wait3A_155 : memref<1x128x128xf32, #tpu.memory_space<vmem>> -> memref<128x128xf32, #tpu.memory_space<vmem>>
      %dma_wait3A_157 = arith.constant 0 : i32
      %dma_wait3A_158 = tpu.memref_slice %arg6[%add3A_126, %dma_wait3A_157] : memref<20480x128xf32, #tpu.memory_space<hbm>> -> memref<128x128xf32, #tpu.memory_space<hbm>>
      %dma_wait3A_159 = arith.constant 0 : i32
      %dma_wait3A_160 = tpu.memref_slice %arg6[%add3A_126, %dma_wait3A_159] : memref<20480x128xf32, #tpu.memory_space<hbm>> -> memref<128x128xf32, #tpu.memory_space<hbm>>
      %dma_wait3A_161 = arith.constant 0 : i32
      %dma_wait3A_162 = arith.constant 0 : i32
      %dma_wait3A_163 = tpu.memref_slice %arg14[%run_scoped3A_127, %dma_wait3A_161, %dma_wait3A_162] : memref<2x128x128xf32, #tpu.memory_space<vmem>> -> memref<1x128x128xf32, #tpu.memory_space<vmem>>
      %dma_wait3A_164 = tpu.memref_squeeze %dma_wait3A_163 : memref<1x128x128xf32, #tpu.memory_space<vmem>> -> memref<128x128xf32, #tpu.memory_space<vmem>>
      tpu.wait_dma2 semaphore(%run_scoped3A_140 : memref<!tpu.dma_semaphore, #tpu.memory_space<semaphore_mem>>) src(%dma_wait3A_164 : memref<128x128xf32, #tpu.memory_space<vmem>>) dst(%dma_wait3A_160 : memref<128x128xf32, #tpu.memory_space<hbm>>)
      tpu.yield
    }) : () -> ()
    %add3A_128 = arith.constant 384 : i32
    %add3A_129 = arith.addi %mul3A_0, %add3A_128 : i32
    %run_scoped3A_130 = arith.constant 0 : i32
    "tpu.region"() ({
      %run_scoped3A_140 = tpu.sem_alloc : memref<!tpu.dma_semaphore, #tpu.memory_space<semaphore_mem>>
      %dma_start3A_141 = arith.constant 0 : i32
      %dma_start3A_142 = arith.constant 0 : i32
      %dma_start3A_143 = tpu.memref_slice %arg14[%run_scoped3A_130, %dma_start3A_141, %dma_start3A_142] : memref<2x128x128xf32, #tpu.memory_space<vmem>> -> memref<1x128x128xf32, #tpu.memory_space<vmem>>
      %dma_start3A_144 = tpu.memref_squeeze %dma_start3A_143 : memref<1x128x128xf32, #tpu.memory_space<vmem>> -> memref<128x128xf32, #tpu.memory_space<vmem>>
      %dma_start3A_145 = arith.constant 0 : i32
      %dma_start3A_146 = tpu.memref_slice %arg8[%add3A_129, %dma_start3A_145] : memref<10240x128xf32, #tpu.memory_space<vmem_shared>> -> memref<128x128xf32, #tpu.memory_space<vmem_shared>>
      %dma_start3A_147 = arith.constant 0 : i32
      %dma_start3A_148 = arith.constant 0 : i32
      %dma_start3A_149 = tpu.memref_slice %arg14[%run_scoped3A_130, %dma_start3A_147, %dma_start3A_148] : memref<2x128x128xf32, #tpu.memory_space<vmem>> -> memref<1x128x128xf32, #tpu.memory_space<vmem>>
      %dma_start3A_150 = tpu.memref_squeeze %dma_start3A_149 : memref<1x128x128xf32, #tpu.memory_space<vmem>> -> memref<128x128xf32, #tpu.memory_space<vmem>>
      %dma_start3A_151 = arith.constant 0 : i32
      %dma_start3A_152 = tpu.memref_slice %arg8[%add3A_129, %dma_start3A_151] : memref<10240x128xf32, #tpu.memory_space<vmem_shared>> -> memref<128x128xf32, #tpu.memory_space<vmem_shared>>
      tpu.enqueue_dma source(%dma_start3A_152 : memref<128x128xf32, #tpu.memory_space<vmem_shared>>) target(%dma_start3A_150 : memref<128x128xf32, #tpu.memory_space<vmem>>) target_semaphore(%run_scoped3A_140 : memref<!tpu.dma_semaphore, #tpu.memory_space<semaphore_mem>>)
      %dma_wait3A_153 = arith.constant 0 : i32
      %dma_wait3A_154 = arith.constant 0 : i32
      %dma_wait3A_155 = tpu.memref_slice %arg14[%run_scoped3A_130, %dma_wait3A_153, %dma_wait3A_154] : memref<2x128x128xf32, #tpu.memory_space<vmem>> -> memref<1x128x128xf32, #tpu.memory_space<vmem>>
      %dma_wait3A_156 = tpu.memref_squeeze %dma_wait3A_155 : memref<1x128x128xf32, #tpu.memory_space<vmem>> -> memref<128x128xf32, #tpu.memory_space<vmem>>
      %dma_wait3A_157 = arith.constant 0 : i32
      %dma_wait3A_158 = tpu.memref_slice %arg8[%add3A_129, %dma_wait3A_157] : memref<10240x128xf32, #tpu.memory_space<vmem_shared>> -> memref<128x128xf32, #tpu.memory_space<vmem_shared>>
      %dma_wait3A_159 = arith.constant 0 : i32
      %dma_wait3A_160 = arith.constant 0 : i32
      %dma_wait3A_161 = tpu.memref_slice %arg14[%run_scoped3A_130, %dma_wait3A_159, %dma_wait3A_160] : memref<2x128x128xf32, #tpu.memory_space<vmem>> -> memref<1x128x128xf32, #tpu.memory_space<vmem>>
      %dma_wait3A_162 = tpu.memref_squeeze %dma_wait3A_161 : memref<1x128x128xf32, #tpu.memory_space<vmem>> -> memref<128x128xf32, #tpu.memory_space<vmem>>
      %dma_wait3A_163 = arith.constant 0 : i32
      %dma_wait3A_164 = tpu.memref_slice %arg8[%add3A_129, %dma_wait3A_163] : memref<10240x128xf32, #tpu.memory_space<vmem_shared>> -> memref<128x128xf32, #tpu.memory_space<vmem_shared>>
      tpu.wait_dma2 semaphore(%run_scoped3A_140 : memref<!tpu.dma_semaphore, #tpu.memory_space<semaphore_mem>>) src(%dma_wait3A_164 : memref<128x128xf32, #tpu.memory_space<vmem_shared>>) dst(%dma_wait3A_162 : memref<128x128xf32, #tpu.memory_space<vmem>>)
      tpu.yield
    }) : () -> ()
    %add3A_131 = arith.constant 384 : i32
    %add3A_132 = arith.addi %add3A_109, %add3A_131 : i32
    %run_scoped3A_133 = arith.constant 0 : i32
    "tpu.region"() ({
      %run_scoped3A_140 = tpu.sem_alloc : memref<!tpu.dma_semaphore, #tpu.memory_space<semaphore_mem>>
      %dma_start3A_141 = arith.constant 0 : i32
      %dma_start3A_142 = arith.constant 0 : i32
      %dma_start3A_143 = tpu.memref_slice %arg14[%run_scoped3A_133, %dma_start3A_141, %dma_start3A_142] : memref<2x128x128xf32, #tpu.memory_space<vmem>> -> memref<1x128x128xf32, #tpu.memory_space<vmem>>
      %dma_start3A_144 = tpu.memref_squeeze %dma_start3A_143 : memref<1x128x128xf32, #tpu.memory_space<vmem>> -> memref<128x128xf32, #tpu.memory_space<vmem>>
      %dma_start3A_145 = arith.constant 0 : i32
      %dma_start3A_146 = tpu.memref_slice %arg6[%add3A_132, %dma_start3A_145] : memref<20480x128xf32, #tpu.memory_space<hbm>> -> memref<128x128xf32, #tpu.memory_space<hbm>>
      %dma_start3A_147 = arith.constant 0 : i32
      %dma_start3A_148 = tpu.memref_slice %arg6[%add3A_132, %dma_start3A_147] : memref<20480x128xf32, #tpu.memory_space<hbm>> -> memref<128x128xf32, #tpu.memory_space<hbm>>
      %dma_start3A_149 = arith.constant 0 : i32
      %dma_start3A_150 = arith.constant 0 : i32
      %dma_start3A_151 = tpu.memref_slice %arg14[%run_scoped3A_133, %dma_start3A_149, %dma_start3A_150] : memref<2x128x128xf32, #tpu.memory_space<vmem>> -> memref<1x128x128xf32, #tpu.memory_space<vmem>>
      %dma_start3A_152 = tpu.memref_squeeze %dma_start3A_151 : memref<1x128x128xf32, #tpu.memory_space<vmem>> -> memref<128x128xf32, #tpu.memory_space<vmem>>
      tpu.enqueue_dma source(%dma_start3A_152 : memref<128x128xf32, #tpu.memory_space<vmem>>) target(%dma_start3A_148 : memref<128x128xf32, #tpu.memory_space<hbm>>) target_semaphore(%run_scoped3A_140 : memref<!tpu.dma_semaphore, #tpu.memory_space<semaphore_mem>>)
      %dma_wait3A_153 = arith.constant 0 : i32
      %dma_wait3A_154 = arith.constant 0 : i32
      %dma_wait3A_155 = tpu.memref_slice %arg14[%run_scoped3A_133, %dma_wait3A_153, %dma_wait3A_154] : memref<2x128x128xf32, #tpu.memory_space<vmem>> -> memref<1x128x128xf32, #tpu.memory_space<vmem>>
      %dma_wait3A_156 = tpu.memref_squeeze %dma_wait3A_155 : memref<1x128x128xf32, #tpu.memory_space<vmem>> -> memref<128x128xf32, #tpu.memory_space<vmem>>
      %dma_wait3A_157 = arith.constant 0 : i32
      %dma_wait3A_158 = tpu.memref_slice %arg6[%add3A_132, %dma_wait3A_157] : memref<20480x128xf32, #tpu.memory_space<hbm>> -> memref<128x128xf32, #tpu.memory_space<hbm>>
      %dma_wait3A_159 = arith.constant 0 : i32
      %dma_wait3A_160 = tpu.memref_slice %arg6[%add3A_132, %dma_wait3A_159] : memref<20480x128xf32, #tpu.memory_space<hbm>> -> memref<128x128xf32, #tpu.memory_space<hbm>>
      %dma_wait3A_161 = arith.constant 0 : i32
      %dma_wait3A_162 = arith.constant 0 : i32
      %dma_wait3A_163 = tpu.memref_slice %arg14[%run_scoped3A_133, %dma_wait3A_161, %dma_wait3A_162] : memref<2x128x128xf32, #tpu.memory_space<vmem>> -> memref<1x128x128xf32, #tpu.memory_space<vmem>>
      %dma_wait3A_164 = tpu.memref_squeeze %dma_wait3A_163 : memref<1x128x128xf32, #tpu.memory_space<vmem>> -> memref<128x128xf32, #tpu.memory_space<vmem>>
      tpu.wait_dma2 semaphore(%run_scoped3A_140 : memref<!tpu.dma_semaphore, #tpu.memory_space<semaphore_mem>>) src(%dma_wait3A_164 : memref<128x128xf32, #tpu.memory_space<vmem>>) dst(%dma_wait3A_160 : memref<128x128xf32, #tpu.memory_space<hbm>>)
      tpu.yield
    }) : () -> ()
    %add3A_134 = arith.constant 512 : i32
    %add3A_135 = arith.addi %mul3A_0, %add3A_134 : i32
    %run_scoped3A_136 = arith.constant 0 : i32
    "tpu.region"() ({
      %run_scoped3A_140 = tpu.sem_alloc : memref<!tpu.dma_semaphore, #tpu.memory_space<semaphore_mem>>
      %dma_start3A_141 = arith.constant 0 : i32
      %dma_start3A_142 = arith.constant 0 : i32
      %dma_start3A_143 = tpu.memref_slice %arg14[%run_scoped3A_136, %dma_start3A_141, %dma_start3A_142] : memref<2x128x128xf32, #tpu.memory_space<vmem>> -> memref<1x128x128xf32, #tpu.memory_space<vmem>>
      %dma_start3A_144 = tpu.memref_squeeze %dma_start3A_143 : memref<1x128x128xf32, #tpu.memory_space<vmem>> -> memref<128x128xf32, #tpu.memory_space<vmem>>
      %dma_start3A_145 = arith.constant 0 : i32
      %dma_start3A_146 = tpu.memref_slice %arg8[%add3A_135, %dma_start3A_145] : memref<10240x128xf32, #tpu.memory_space<vmem_shared>> -> memref<128x128xf32, #tpu.memory_space<vmem_shared>>
      %dma_start3A_147 = arith.constant 0 : i32
      %dma_start3A_148 = arith.constant 0 : i32
      %dma_start3A_149 = tpu.memref_slice %arg14[%run_scoped3A_136, %dma_start3A_147, %dma_start3A_148] : memref<2x128x128xf32, #tpu.memory_space<vmem>> -> memref<1x128x128xf32, #tpu.memory_space<vmem>>
      %dma_start3A_150 = tpu.memref_squeeze %dma_start3A_149 : memref<1x128x128xf32, #tpu.memory_space<vmem>> -> memref<128x128xf32, #tpu.memory_space<vmem>>
      %dma_start3A_151 = arith.constant 0 : i32
      %dma_start3A_152 = tpu.memref_slice %arg8[%add3A_135, %dma_start3A_151] : memref<10240x128xf32, #tpu.memory_space<vmem_shared>> -> memref<128x128xf32, #tpu.memory_space<vmem_shared>>
      tpu.enqueue_dma source(%dma_start3A_152 : memref<128x128xf32, #tpu.memory_space<vmem_shared>>) target(%dma_start3A_150 : memref<128x128xf32, #tpu.memory_space<vmem>>) target_semaphore(%run_scoped3A_140 : memref<!tpu.dma_semaphore, #tpu.memory_space<semaphore_mem>>)
      %dma_wait3A_153 = arith.constant 0 : i32
      %dma_wait3A_154 = arith.constant 0 : i32
      %dma_wait3A_155 = tpu.memref_slice %arg14[%run_scoped3A_136, %dma_wait3A_153, %dma_wait3A_154] : memref<2x128x128xf32, #tpu.memory_space<vmem>> -> memref<1x128x128xf32, #tpu.memory_space<vmem>>
      %dma_wait3A_156 = tpu.memref_squeeze %dma_wait3A_155 : memref<1x128x128xf32, #tpu.memory_space<vmem>> -> memref<128x128xf32, #tpu.memory_space<vmem>>
      %dma_wait3A_157 = arith.constant 0 : i32
      %dma_wait3A_158 = tpu.memref_slice %arg8[%add3A_135, %dma_wait3A_157] : memref<10240x128xf32, #tpu.memory_space<vmem_shared>> -> memref<128x128xf32, #tpu.memory_space<vmem_shared>>
      %dma_wait3A_159 = arith.constant 0 : i32
      %dma_wait3A_160 = arith.constant 0 : i32
      %dma_wait3A_161 = tpu.memref_slice %arg14[%run_scoped3A_136, %dma_wait3A_159, %dma_wait3A_160] : memref<2x128x128xf32, #tpu.memory_space<vmem>> -> memref<1x128x128xf32, #tpu.memory_space<vmem>>
      %dma_wait3A_162 = tpu.memref_squeeze %dma_wait3A_161 : memref<1x128x128xf32, #tpu.memory_space<vmem>> -> memref<128x128xf32, #tpu.memory_space<vmem>>
      %dma_wait3A_163 = arith.constant 0 : i32
      %dma_wait3A_164 = tpu.memref_slice %arg8[%add3A_135, %dma_wait3A_163] : memref<10240x128xf32, #tpu.memory_space<vmem_shared>> -> memref<128x128xf32, #tpu.memory_space<vmem_shared>>
      tpu.wait_dma2 semaphore(%run_scoped3A_140 : memref<!tpu.dma_semaphore, #tpu.memory_space<semaphore_mem>>) src(%dma_wait3A_164 : memref<128x128xf32, #tpu.memory_space<vmem_shared>>) dst(%dma_wait3A_162 : memref<128x128xf32, #tpu.memory_space<vmem>>)
      tpu.yield
    }) : () -> ()
    %add3A_137 = arith.constant 512 : i32
    %add3A_138 = arith.addi %add3A_109, %add3A_137 : i32
    %run_scoped3A_139 = arith.constant 0 : i32
    "tpu.region"() ({
      %run_scoped3A_140 = tpu.sem_alloc : memref<!tpu.dma_semaphore, #tpu.memory_space<semaphore_mem>>
      %dma_start3A_141 = arith.constant 0 : i32
      %dma_start3A_142 = arith.constant 0 : i32
      %dma_start3A_143 = tpu.memref_slice %arg14[%run_scoped3A_139, %dma_start3A_141, %dma_start3A_142] : memref<2x128x128xf32, #tpu.memory_space<vmem>> -> memref<1x128x128xf32, #tpu.memory_space<vmem>>
      %dma_start3A_144 = tpu.memref_squeeze %dma_start3A_143 : memref<1x128x128xf32, #tpu.memory_space<vmem>> -> memref<128x128xf32, #tpu.memory_space<vmem>>
      %dma_start3A_145 = arith.constant 0 : i32
      %dma_start3A_146 = tpu.memref_slice %arg6[%add3A_138, %dma_start3A_145] : memref<20480x128xf32, #tpu.memory_space<hbm>> -> memref<128x128xf32, #tpu.memory_space<hbm>>
      %dma_start3A_147 = arith.constant 0 : i32
      %dma_start3A_148 = tpu.memref_slice %arg6[%add3A_138, %dma_start3A_147] : memref<20480x128xf32, #tpu.memory_space<hbm>> -> memref<128x128xf32, #tpu.memory_space<hbm>>
      %dma_start3A_149 = arith.constant 0 : i32
      %dma_start3A_150 = arith.constant 0 : i32
      %dma_start3A_151 = tpu.memref_slice %arg14[%run_scoped3A_139, %dma_start3A_149, %dma_start3A_150] : memref<2x128x128xf32, #tpu.memory_space<vmem>> -> memref<1x128x128xf32, #tpu.memory_space<vmem>>
      %dma_start3A_152 = tpu.memref_squeeze %dma_start3A_151 : memref<1x128x128xf32, #tpu.memory_space<vmem>> -> memref<128x128xf32, #tpu.memory_space<vmem>>
      tpu.enqueue_dma source(%dma_start3A_152 : memref<128x128xf32, #tpu.memory_space<vmem>>) target(%dma_start3A_148 : memref<128x128xf32, #tpu.memory_space<hbm>>) target_semaphore(%run_scoped3A_140 : memref<!tpu.dma_semaphore, #tpu.memory_space<semaphore_mem>>)
      %dma_wait3A_153 = arith.constant 0 : i32
      %dma_wait3A_154 = arith.constant 0 : i32
      %dma_wait3A_155 = tpu.memref_slice %arg14[%run_scoped3A_139, %dma_wait3A_153, %dma_wait3A_154] : memref<2x128x128xf32, #tpu.memory_space<vmem>> -> memref<1x128x128xf32, #tpu.memory_space<vmem>>
      %dma_wait3A_156 = tpu.memref_squeeze %dma_wait3A_155 : memref<1x128x128xf32, #tpu.memory_space<vmem>> -> memref<128x128xf32, #tpu.memory_space<vmem>>
      %dma_wait3A_157 = arith.constant 0 : i32
      %dma_wait3A_158 = tpu.memref_slice %arg6[%add3A_138, %dma_wait3A_157] : memref<20480x128xf32, #tpu.memory_space<hbm>> -> memref<128x128xf32, #tpu.memory_space<hbm>>
      %dma_wait3A_159 = arith.constant 0 : i32
      %dma_wait3A_160 = tpu.memref_slice %arg6[%add3A_138, %dma_wait3A_159] : memref<20480x128xf32, #tpu.memory_space<hbm>> -> memref<128x128xf32, #tpu.memory_space<hbm>>
      %dma_wait3A_161 = arith.constant 0 : i32
      %dma_wait3A_162 = arith.constant 0 : i32
      %dma_wait3A_163 = tpu.memref_slice %arg14[%run_scoped3A_139, %dma_wait3A_161, %dma_wait3A_162] : memref<2x128x128xf32, #tpu.memory_space<vmem>> -> memref<1x128x128xf32, #tpu.memory_space<vmem>>
      %dma_wait3A_164 = tpu.memref_squeeze %dma_wait3A_163 : memref<1x128x128xf32, #tpu.memory_space<vmem>> -> memref<128x128xf32, #tpu.memory_space<vmem>>
      tpu.wait_dma2 semaphore(%run_scoped3A_140 : memref<!tpu.dma_semaphore, #tpu.memory_space<semaphore_mem>>) src(%dma_wait3A_164 : memref<128x128xf32, #tpu.memory_space<vmem>>) dst(%dma_wait3A_160 : memref<128x128xf32, #tpu.memory_space<hbm>>)
      tpu.yield
    }) : () -> ()
    return
  }
}

module attributes {stable_mosaic.version = 14 : i64} {
  func.func @_tc_layer_body(%arg0: i32, %arg1: memref<1024x128xf32, #tpu.memory_space<vmem>>, %arg2: memref<1024x128xf32, #tpu.memory_space<vmem>>, %arg3: memref<1024x128xf32, #tpu.memory_space<vmem>>, %arg4: memref<16x1024xf32, #tpu.memory_space<vmem>>, %arg5: memref<16x1024xf32, #tpu.memory_space<vmem>>, %arg6: memref<128x128xf32, #tpu.memory_space<vmem>>, %arg7: memref<128x128xf32, #tpu.memory_space<vmem>>, %arg8: memref<128x128xf32, #tpu.memory_space<vmem>>, %arg9: memref<128x128xf32, #tpu.memory_space<vmem>>, %arg10: memref<1x128xf32, #tpu.memory_space<vmem>>, %arg11: memref<1x128xf32, #tpu.memory_space<vmem>>, %arg12: memref<1024x128xf32, #tpu.memory_space<vmem>>) attributes {dimension_semantics = [#tpu.dimension_semantics<arbitrary>], iteration_bounds = array<i64: 10>, scalar_prefetch = 0 : i64, scratch_operands = 0 : i64, tpu.core_type = #tpu.core_type<tc>, window_params = [{transform_indices = @transform_0, window_bounds = array<i64: 1024, 128>}, {transform_indices = @transform_1, window_bounds = array<i64: 1024, 128>}, {transform_indices = @transform_2, window_bounds = array<i64: 1024, 128>}, {transform_indices = @transform_3, window_bounds = array<i64: 16, 1024>}, {transform_indices = @transform_4, window_bounds = array<i64: 16, 1024>}, {pipeline_mode = #tpu.pipeline_mode<synchronous>, transform_indices = @transform_5, window_bounds = array<i64: 128, 128>}, {pipeline_mode = #tpu.pipeline_mode<synchronous>, transform_indices = @transform_6, window_bounds = array<i64: 128, 128>}, {pipeline_mode = #tpu.pipeline_mode<synchronous>, transform_indices = @transform_7, window_bounds = array<i64: 128, 128>}, {pipeline_mode = #tpu.pipeline_mode<synchronous>, transform_indices = @transform_8, window_bounds = array<i64: 128, 128>}, {pipeline_mode = #tpu.pipeline_mode<synchronous>, transform_indices = @transform_9, window_bounds = array<i64: 1, 128>}, {pipeline_mode = #tpu.pipeline_mode<synchronous>, transform_indices = @transform_10, window_bounds = array<i64: 1, 128>}, {transform_indices = @transform_11, window_bounds = array<i64: 1024, 128>}]} {
    %broadcast_in_dim3A = arith.constant 1.000000e+00 : f32
    %broadcast_in_dim3A_0 = vector.broadcast %broadcast_in_dim3A : f32 to vector<16x1xf32>
    %get3A = arith.constant 0 : index
    %get3A_1 = arith.constant 0 : index
    %get3A_2 = vector.load %arg4[%get3A, %get3A_1] : memref<16x1024xf32, #tpu.memory_space<vmem>>, vector<16x1024xf32>
    %dot_general3A = arith.constant dense<0.000000e+00> : vector<1024x1xf32>
    %dot_general3A_3 = tpu.matmul %get3A_2, %broadcast_in_dim3A_0, %dot_general3A {dimension_numbers = #tpu.dot_dimension_numbers<[0], [0], [1], [1], [0, 1, 1, 1], [], []>, transpose_lhs_hint = false} : vector<16x1024xf32>, vector<16x1xf32>, vector<1024x1xf32> -> vector<1024x1xf32>
    %get3A_4 = arith.constant 0 : index
    %get3A_5 = arith.constant 0 : index
    %get3A_6 = vector.load %arg5[%get3A_4, %get3A_5] : memref<16x1024xf32, #tpu.memory_space<vmem>>, vector<16x1024xf32>
    %dot_general3A_7 = arith.constant dense<0.000000e+00> : vector<1024x1xf32>
    %dot_general3A_8 = tpu.matmul %get3A_6, %broadcast_in_dim3A_0, %dot_general3A_7 {dimension_numbers = #tpu.dot_dimension_numbers<[0], [0], [1], [1], [0, 1, 1, 1], [], []>, transpose_lhs_hint = false} : vector<16x1024xf32>, vector<16x1xf32>, vector<1024x1xf32> -> vector<1024x1xf32>
    %max3A = arith.constant 1.000000e+00 : f32
    %max3A_9 = vector.broadcast %max3A : f32 to vector<1024x1xf32>
    %max3A_10 = arith.maximumf %dot_general3A_3, %max3A_9 : vector<1024x1xf32>
    %div3A = arith.constant 1.000000e+00 : f32
    %div3A_11 = vector.broadcast %div3A : f32 to vector<1024x1xf32>
    %div3A_12 = arith.divf %div3A_11, %max3A_10 : vector<1024x1xf32>
    %max3A_13 = arith.constant 1.000000e+00 : f32
    %max3A_14 = vector.broadcast %max3A_13 : f32 to vector<1024x1xf32>
    %max3A_15 = arith.maximumf %dot_general3A_8, %max3A_14 : vector<1024x1xf32>
    %div3A_16 = arith.constant 1.000000e+00 : f32
    %div3A_17 = vector.broadcast %div3A_16 : f32 to vector<1024x1xf32>
    %div3A_18 = arith.divf %div3A_17, %max3A_15 : vector<1024x1xf32>
    %get3A_19 = arith.constant 0 : index
    %get3A_20 = arith.constant 0 : index
    %get3A_21 = vector.load %arg6[%get3A_19, %get3A_20] : memref<128x128xf32, #tpu.memory_space<vmem>>, vector<128x128xf32>
    %get3A_22 = arith.constant 0 : index
    %get3A_23 = arith.constant 0 : index
    %get3A_24 = vector.load %arg7[%get3A_22, %get3A_23] : memref<128x128xf32, #tpu.memory_space<vmem>>, vector<128x128xf32>
    %add3A = arith.addf %get3A_21, %get3A_24 : vector<128x128xf32>
    %get3A_25 = arith.constant 0 : index
    %get3A_26 = arith.constant 0 : index
    %get3A_27 = vector.load %arg1[%get3A_25, %get3A_26] : memref<1024x128xf32, #tpu.memory_space<vmem>>, vector<1024x128xf32>
    %dot_general3A_28 = arith.constant dense<0.000000e+00> : vector<1024x128xf32>
    %dot_general3A_29 = tpu.matmul %get3A_27, %add3A, %dot_general3A_28 {dimension_numbers = #tpu.dot_dimension_numbers<[1], [0], [0], [1], [0, 0, 1, 1], [], []>, transpose_lhs_hint = false} : vector<1024x128xf32>, vector<128x128xf32>, vector<1024x128xf32> -> vector<1024x128xf32>
    %get3A_30 = arith.constant 0 : index
    %get3A_31 = arith.constant 0 : index
    %get3A_32 = vector.load %arg2[%get3A_30, %get3A_31] : memref<1024x128xf32, #tpu.memory_space<vmem>>, vector<1024x128xf32>
    %mul3A = vector.broadcast %div3A_12 : vector<1024x1xf32> to vector<1024x128xf32>
    %mul3A_33 = arith.mulf %get3A_32, %mul3A : vector<1024x128xf32>
    %get3A_34 = arith.constant 0 : index
    %get3A_35 = arith.constant 0 : index
    %get3A_36 = vector.load %arg8[%get3A_34, %get3A_35] : memref<128x128xf32, #tpu.memory_space<vmem>>, vector<128x128xf32>
    %dot_general3A_37 = arith.constant dense<0.000000e+00> : vector<1024x128xf32>
    %dot_general3A_38 = tpu.matmul %mul3A_33, %get3A_36, %dot_general3A_37 {dimension_numbers = #tpu.dot_dimension_numbers<[1], [0], [0], [1], [0, 0, 1, 1], [], []>, transpose_lhs_hint = false} : vector<1024x128xf32>, vector<128x128xf32>, vector<1024x128xf32> -> vector<1024x128xf32>
    %add3A_39 = arith.addf %dot_general3A_29, %dot_general3A_38 : vector<1024x128xf32>
    %get3A_40 = arith.constant 0 : index
    %get3A_41 = arith.constant 0 : index
    %get3A_42 = vector.load %arg3[%get3A_40, %get3A_41] : memref<1024x128xf32, #tpu.memory_space<vmem>>, vector<1024x128xf32>
    %mul3A_43 = vector.broadcast %div3A_18 : vector<1024x1xf32> to vector<1024x128xf32>
    %mul3A_44 = arith.mulf %get3A_42, %mul3A_43 : vector<1024x128xf32>
    %get3A_45 = arith.constant 0 : index
    %get3A_46 = arith.constant 0 : index
    %get3A_47 = vector.load %arg9[%get3A_45, %get3A_46] : memref<128x128xf32, #tpu.memory_space<vmem>>, vector<128x128xf32>
    %dot_general3A_48 = arith.constant dense<0.000000e+00> : vector<1024x128xf32>
    %dot_general3A_49 = tpu.matmul %mul3A_44, %get3A_47, %dot_general3A_48 {dimension_numbers = #tpu.dot_dimension_numbers<[1], [0], [0], [1], [0, 0, 1, 1], [], []>, transpose_lhs_hint = false} : vector<1024x128xf32>, vector<128x128xf32>, vector<1024x128xf32> -> vector<1024x128xf32>
    %add3A_50 = arith.addf %add3A_39, %dot_general3A_49 : vector<1024x128xf32>
    %get3A_51 = arith.constant 0 : index
    %get3A_52 = arith.constant 0 : index
    %get3A_53 = vector.load %arg10[%get3A_51, %get3A_52] : memref<1x128xf32, #tpu.memory_space<vmem>>, vector<1x128xf32>
    %get3A_54 = arith.constant 0 : index
    %get3A_55 = arith.constant 0 : index
    %get3A_56 = vector.load %arg11[%get3A_54, %get3A_55] : memref<1x128xf32, #tpu.memory_space<vmem>>, vector<1x128xf32>
    %add3A_57 = arith.addf %get3A_53, %get3A_56 : vector<1x128xf32>
    %add3A_58 = vector.broadcast %add3A_57 : vector<1x128xf32> to vector<1024x128xf32>
    %add3A_59 = arith.addf %add3A_50, %add3A_58 : vector<1024x128xf32>
    %max3A_60 = arith.constant 0.000000e+00 : f32
    %max3A_61 = vector.broadcast %max3A_60 : f32 to vector<1024x128xf32>
    %max3A_62 = arith.maximumf %add3A_59, %max3A_61 : vector<1024x128xf32>
    %swap3A = arith.constant 0 : index
    %swap3A_63 = arith.constant 0 : index
    %swap3A_64 = vector.load %arg12[%swap3A, %swap3A_63] : memref<1024x128xf32, #tpu.memory_space<vmem>>, vector<1024x128xf32>
    tpu.vector_store %arg12[%swap3A, %swap3A_63], %max3A_62 {strides = array<i32>} : memref<1024x128xf32, #tpu.memory_space<vmem>>, vector<1024x128xf32>,
    return
  }
  func.func @transform_0(%arg0: i32) -> (i32, i32) {
    %c0_i32 = arith.constant 0 : i32
    %c0_i32_0 = arith.constant 0 : i32
    return %arg0, %c0_i32 : i32, i32
  }
  func.func @transform_1(%arg0: i32) -> (i32, i32) {
    %c0_i32 = arith.constant 0 : i32
    %c0_i32_0 = arith.constant 0 : i32
    return %arg0, %c0_i32 : i32, i32
  }
  func.func @transform_2(%arg0: i32) -> (i32, i32) {
    %c0_i32 = arith.constant 0 : i32
    %c0_i32_0 = arith.constant 0 : i32
    return %arg0, %c0_i32 : i32, i32
  }
  func.func @transform_3(%arg0: i32) -> (i32, i32) {
    %c0_i32 = arith.constant 0 : i32
    %c0_i32_0 = arith.constant 0 : i32
    return %c0_i32, %arg0 : i32, i32
  }
  func.func @transform_4(%arg0: i32) -> (i32, i32) {
    %c0_i32 = arith.constant 0 : i32
    %c0_i32_0 = arith.constant 0 : i32
    return %c0_i32, %arg0 : i32, i32
  }
  func.func @transform_5(%arg0: i32) -> (i32, i32) {
    %c0_i32 = arith.constant 0 : i32
    %c0_i32_0 = arith.constant 0 : i32
    %c0_i32_1 = arith.constant 0 : i32
    return %c0_i32, %c0_i32_0 : i32, i32
  }
  func.func @transform_6(%arg0: i32) -> (i32, i32) {
    %c0_i32 = arith.constant 0 : i32
    %c0_i32_0 = arith.constant 0 : i32
    %c0_i32_1 = arith.constant 0 : i32
    return %c0_i32, %c0_i32_0 : i32, i32
  }
  func.func @transform_7(%arg0: i32) -> (i32, i32) {
    %c0_i32 = arith.constant 0 : i32
    %c0_i32_0 = arith.constant 0 : i32
    %c0_i32_1 = arith.constant 0 : i32
    return %c0_i32, %c0_i32_0 : i32, i32
  }
  func.func @transform_8(%arg0: i32) -> (i32, i32) {
    %c0_i32 = arith.constant 0 : i32
    %c0_i32_0 = arith.constant 0 : i32
    %c0_i32_1 = arith.constant 0 : i32
    return %c0_i32, %c0_i32_0 : i32, i32
  }
  func.func @transform_9(%arg0: i32) -> (i32, i32) {
    %c0_i32 = arith.constant 0 : i32
    %c0_i32_0 = arith.constant 0 : i32
    %c0_i32_1 = arith.constant 0 : i32
    return %c0_i32, %c0_i32_0 : i32, i32
  }
  func.func @transform_10(%arg0: i32) -> (i32, i32) {
    %c0_i32 = arith.constant 0 : i32
    %c0_i32_0 = arith.constant 0 : i32
    %c0_i32_1 = arith.constant 0 : i32
    return %c0_i32, %c0_i32_0 : i32, i32
  }
  func.func @transform_11(%arg0: i32) -> (i32, i32) {
    %c0_i32 = arith.constant 0 : i32
    %c0_i32_0 = arith.constant 0 : i32
    return %arg0, %c0_i32 : i32, i32
  }
}

module attributes {stable_mosaic.version = 14 : i64} {
  func.func @_tc_layer_body(%arg0: i32, %arg1: memref<1024x128xf32, #tpu.memory_space<vmem>>, %arg2: memref<1024x128xf32, #tpu.memory_space<vmem>>, %arg3: memref<1024x128xf32, #tpu.memory_space<vmem>>, %arg4: memref<16x1024xf32, #tpu.memory_space<vmem>>, %arg5: memref<16x1024xf32, #tpu.memory_space<vmem>>, %arg6: memref<128x128xf32, #tpu.memory_space<vmem>>, %arg7: memref<128x128xf32, #tpu.memory_space<vmem>>, %arg8: memref<128x128xf32, #tpu.memory_space<vmem>>, %arg9: memref<128x128xf32, #tpu.memory_space<vmem>>, %arg10: memref<1x128xf32, #tpu.memory_space<vmem>>, %arg11: memref<1x128xf32, #tpu.memory_space<vmem>>, %arg12: memref<1024x128xf32, #tpu.memory_space<vmem>>) attributes {dimension_semantics = [#tpu.dimension_semantics<arbitrary>], iteration_bounds = array<i64: 10>, scalar_prefetch = 0 : i64, scratch_operands = 0 : i64, tpu.core_type = #tpu.core_type<tc>, window_params = [{transform_indices = @transform_0, window_bounds = array<i64: 1024, 128>}, {transform_indices = @transform_1, window_bounds = array<i64: 1024, 128>}, {transform_indices = @transform_2, window_bounds = array<i64: 1024, 128>}, {transform_indices = @transform_3, window_bounds = array<i64: 16, 1024>}, {transform_indices = @transform_4, window_bounds = array<i64: 16, 1024>}, {pipeline_mode = #tpu.pipeline_mode<synchronous>, transform_indices = @transform_5, window_bounds = array<i64: 128, 128>}, {pipeline_mode = #tpu.pipeline_mode<synchronous>, transform_indices = @transform_6, window_bounds = array<i64: 128, 128>}, {pipeline_mode = #tpu.pipeline_mode<synchronous>, transform_indices = @transform_7, window_bounds = array<i64: 128, 128>}, {pipeline_mode = #tpu.pipeline_mode<synchronous>, transform_indices = @transform_8, window_bounds = array<i64: 128, 128>}, {pipeline_mode = #tpu.pipeline_mode<synchronous>, transform_indices = @transform_9, window_bounds = array<i64: 1, 128>}, {pipeline_mode = #tpu.pipeline_mode<synchronous>, transform_indices = @transform_10, window_bounds = array<i64: 1, 128>}, {transform_indices = @transform_11, window_bounds = array<i64: 1024, 128>}]} {
    %broadcast_in_dim3A = arith.constant 1.000000e+00 : f32
    %broadcast_in_dim3A_0 = vector.broadcast %broadcast_in_dim3A : f32 to vector<16x1xf32>
    %get3A = arith.constant 0 : index
    %get3A_1 = arith.constant 0 : index
    %get3A_2 = vector.load %arg4[%get3A, %get3A_1] : memref<16x1024xf32, #tpu.memory_space<vmem>>, vector<16x1024xf32>
    %dot_general3A = arith.constant dense<0.000000e+00> : vector<1024x1xf32>
    %dot_general3A_3 = tpu.matmul %get3A_2, %broadcast_in_dim3A_0, %dot_general3A {dimension_numbers = #tpu.dot_dimension_numbers<[0], [0], [1], [1], [0, 1, 1, 1], [], []>, transpose_lhs_hint = false} : vector<16x1024xf32>, vector<16x1xf32>, vector<1024x1xf32> -> vector<1024x1xf32>
    %get3A_4 = arith.constant 0 : index
    %get3A_5 = arith.constant 0 : index
    %get3A_6 = vector.load %arg5[%get3A_4, %get3A_5] : memref<16x1024xf32, #tpu.memory_space<vmem>>, vector<16x1024xf32>
    %dot_general3A_7 = arith.constant dense<0.000000e+00> : vector<1024x1xf32>
    %dot_general3A_8 = tpu.matmul %get3A_6, %broadcast_in_dim3A_0, %dot_general3A_7 {dimension_numbers = #tpu.dot_dimension_numbers<[0], [0], [1], [1], [0, 1, 1, 1], [], []>, transpose_lhs_hint = false} : vector<16x1024xf32>, vector<16x1xf32>, vector<1024x1xf32> -> vector<1024x1xf32>
    %max3A = arith.constant 1.000000e+00 : f32
    %max3A_9 = vector.broadcast %max3A : f32 to vector<1024x1xf32>
    %max3A_10 = arith.maximumf %dot_general3A_3, %max3A_9 : vector<1024x1xf32>
    %div3A = arith.constant 1.000000e+00 : f32
    %div3A_11 = vector.broadcast %div3A : f32 to vector<1024x1xf32>
    %div3A_12 = arith.divf %div3A_11, %max3A_10 : vector<1024x1xf32>
    %max3A_13 = arith.constant 1.000000e+00 : f32
    %max3A_14 = vector.broadcast %max3A_13 : f32 to vector<1024x1xf32>
    %max3A_15 = arith.maximumf %dot_general3A_8, %max3A_14 : vector<1024x1xf32>
    %div3A_16 = arith.constant 1.000000e+00 : f32
    %div3A_17 = vector.broadcast %div3A_16 : f32 to vector<1024x1xf32>
    %div3A_18 = arith.divf %div3A_17, %max3A_15 : vector<1024x1xf32>
    %get3A_19 = arith.constant 0 : index
    %get3A_20 = arith.constant 0 : index
    %get3A_21 = vector.load %arg6[%get3A_19, %get3A_20] : memref<128x128xf32, #tpu.memory_space<vmem>>, vector<128x128xf32>
    %get3A_22 = arith.constant 0 : index
    %get3A_23 = arith.constant 0 : index
    %get3A_24 = vector.load %arg7[%get3A_22, %get3A_23] : memref<128x128xf32, #tpu.memory_space<vmem>>, vector<128x128xf32>
    %add3A = arith.addf %get3A_21, %get3A_24 : vector<128x128xf32>
    %get3A_25 = arith.constant 0 : index
    %get3A_26 = arith.constant 0 : index
    %get3A_27 = vector.load %arg1[%get3A_25, %get3A_26] : memref<1024x128xf32, #tpu.memory_space<vmem>>, vector<1024x128xf32>
    %dot_general3A_28 = arith.constant dense<0.000000e+00> : vector<1024x128xf32>
    %dot_general3A_29 = tpu.matmul %get3A_27, %add3A, %dot_general3A_28 {dimension_numbers = #tpu.dot_dimension_numbers<[1], [0], [0], [1], [0, 0, 1, 1], [], []>, transpose_lhs_hint = false} : vector<1024x128xf32>, vector<128x128xf32>, vector<1024x128xf32> -> vector<1024x128xf32>
    %get3A_30 = arith.constant 0 : index
    %get3A_31 = arith.constant 0 : index
    %get3A_32 = vector.load %arg2[%get3A_30, %get3A_31] : memref<1024x128xf32, #tpu.memory_space<vmem>>, vector<1024x128xf32>
    %mul3A = vector.broadcast %div3A_12 : vector<1024x1xf32> to vector<1024x128xf32>
    %mul3A_33 = arith.mulf %get3A_32, %mul3A : vector<1024x128xf32>
    %get3A_34 = arith.constant 0 : index
    %get3A_35 = arith.constant 0 : index
    %get3A_36 = vector.load %arg8[%get3A_34, %get3A_35] : memref<128x128xf32, #tpu.memory_space<vmem>>, vector<128x128xf32>
    %dot_general3A_37 = arith.constant dense<0.000000e+00> : vector<1024x128xf32>
    %dot_general3A_38 = tpu.matmul %mul3A_33, %get3A_36, %dot_general3A_37 {dimension_numbers = #tpu.dot_dimension_numbers<[1], [0], [0], [1], [0, 0, 1, 1], [], []>, transpose_lhs_hint = false} : vector<1024x128xf32>, vector<128x128xf32>, vector<1024x128xf32> -> vector<1024x128xf32>
    %add3A_39 = arith.addf %dot_general3A_29, %dot_general3A_38 : vector<1024x128xf32>
    %get3A_40 = arith.constant 0 : index
    %get3A_41 = arith.constant 0 : index
    %get3A_42 = vector.load %arg3[%get3A_40, %get3A_41] : memref<1024x128xf32, #tpu.memory_space<vmem>>, vector<1024x128xf32>
    %mul3A_43 = vector.broadcast %div3A_18 : vector<1024x1xf32> to vector<1024x128xf32>
    %mul3A_44 = arith.mulf %get3A_42, %mul3A_43 : vector<1024x128xf32>
    %get3A_45 = arith.constant 0 : index
    %get3A_46 = arith.constant 0 : index
    %get3A_47 = vector.load %arg9[%get3A_45, %get3A_46] : memref<128x128xf32, #tpu.memory_space<vmem>>, vector<128x128xf32>
    %dot_general3A_48 = arith.constant dense<0.000000e+00> : vector<1024x128xf32>
    %dot_general3A_49 = tpu.matmul %mul3A_44, %get3A_47, %dot_general3A_48 {dimension_numbers = #tpu.dot_dimension_numbers<[1], [0], [0], [1], [0, 0, 1, 1], [], []>, transpose_lhs_hint = false} : vector<1024x128xf32>, vector<128x128xf32>, vector<1024x128xf32> -> vector<1024x128xf32>
    %add3A_50 = arith.addf %add3A_39, %dot_general3A_49 : vector<1024x128xf32>
    %get3A_51 = arith.constant 0 : index
    %get3A_52 = arith.constant 0 : index
    %get3A_53 = vector.load %arg10[%get3A_51, %get3A_52] : memref<1x128xf32, #tpu.memory_space<vmem>>, vector<1x128xf32>
    %get3A_54 = arith.constant 0 : index
    %get3A_55 = arith.constant 0 : index
    %get3A_56 = vector.load %arg11[%get3A_54, %get3A_55] : memref<1x128xf32, #tpu.memory_space<vmem>>, vector<1x128xf32>
    %add3A_57 = arith.addf %get3A_53, %get3A_56 : vector<1x128xf32>
    %add3A_58 = vector.broadcast %add3A_57 : vector<1x128xf32> to vector<1024x128xf32>
    %add3A_59 = arith.addf %add3A_50, %add3A_58 : vector<1024x128xf32>
    %swap3A = arith.constant 0 : index
    %swap3A_60 = arith.constant 0 : index
    %swap3A_61 = vector.load %arg12[%swap3A, %swap3A_60] : memref<1024x128xf32, #tpu.memory_space<vmem>>, vector<1024x128xf32>
    tpu.vector_store %arg12[%swap3A, %swap3A_60], %add3A_59 {strides = array<i32>} : memref<1024x128xf32, #tpu.memory_space<vmem>>, vector<1024x128xf32>,
    return
  }
  func.func @transform_0(%arg0: i32) -> (i32, i32) {
    %c0_i32 = arith.constant 0 : i32
    %c0_i32_0 = arith.constant 0 : i32
    return %arg0, %c0_i32 : i32, i32
  }
  func.func @transform_1(%arg0: i32) -> (i32, i32) {
    %c0_i32 = arith.constant 0 : i32
    %c0_i32_0 = arith.constant 0 : i32
    return %arg0, %c0_i32 : i32, i32
  }
  func.func @transform_2(%arg0: i32) -> (i32, i32) {
    %c0_i32 = arith.constant 0 : i32
    %c0_i32_0 = arith.constant 0 : i32
    return %arg0, %c0_i32 : i32, i32
  }
  func.func @transform_3(%arg0: i32) -> (i32, i32) {
    %c0_i32 = arith.constant 0 : i32
    %c0_i32_0 = arith.constant 0 : i32
    return %c0_i32, %arg0 : i32, i32
  }
  func.func @transform_4(%arg0: i32) -> (i32, i32) {
    %c0_i32 = arith.constant 0 : i32
    %c0_i32_0 = arith.constant 0 : i32
    return %c0_i32, %arg0 : i32, i32
  }
  func.func @transform_5(%arg0: i32) -> (i32, i32) {
    %c0_i32 = arith.constant 0 : i32
    %c0_i32_0 = arith.constant 0 : i32
    %c0_i32_1 = arith.constant 0 : i32
    return %c0_i32, %c0_i32_0 : i32, i32
  }
  func.func @transform_6(%arg0: i32) -> (i32, i32) {
    %c0_i32 = arith.constant 0 : i32
    %c0_i32_0 = arith.constant 0 : i32
    %c0_i32_1 = arith.constant 0 : i32
    return %c0_i32, %c0_i32_0 : i32, i32
  }
  func.func @transform_7(%arg0: i32) -> (i32, i32) {
    %c0_i32 = arith.constant 0 : i32
    %c0_i32_0 = arith.constant 0 : i32
    %c0_i32_1 = arith.constant 0 : i32
    return %c0_i32, %c0_i32_0 : i32, i32
  }
  func.func @transform_8(%arg0: i32) -> (i32, i32) {
    %c0_i32 = arith.constant 0 : i32
    %c0_i32_0 = arith.constant 0 : i32
    %c0_i32_1 = arith.constant 0 : i32
    return %c0_i32, %c0_i32_0 : i32, i32
  }
  func.func @transform_9(%arg0: i32) -> (i32, i32) {
    %c0_i32 = arith.constant 0 : i32
    %c0_i32_0 = arith.constant 0 : i32
    %c0_i32_1 = arith.constant 0 : i32
    return %c0_i32, %c0_i32_0 : i32, i32
  }
  func.func @transform_10(%arg0: i32) -> (i32, i32) {
    %c0_i32 = arith.constant 0 : i32
    %c0_i32_0 = arith.constant 0 : i32
    %c0_i32_1 = arith.constant 0 : i32
    return %c0_i32, %c0_i32_0 : i32, i32
  }
  func.func @transform_11(%arg0: i32) -> (i32, i32) {
    %c0_i32 = arith.constant 0 : i32
    %c0_i32_0 = arith.constant 0 : i32
    return %arg0, %c0_i32 : i32, i32
  }
}

</mosaic_0001>

<sc_bundles>
// kernel: kernel.6.cloned.1.call-start
scs
__scs_entry_jumppad:
0x0: {  	(pc) =	sbr.rel $0x88, $3  }
0x1: {  	(tag) =	ssettag $0x0;
	lr =	simm.s32 $0x1  }
0x2: {  	[smem:$0x3F92] =	sst lr;
	_ =	strace $0xD0000000  }
0x3: {  	_ = 	snop  }
0x4: {  	_ = 	snop  }
0x5: {  	_ = 	snop  }
0x6: {  	_ = 	snop  }
0x7: {  	_ = 	snop  }
__scs_overlays_trampoline_lowered:
0x8: {  	[smem:$0x3FA1] =	sst s0  }
0x9: {  	[smem:$0x3FA2] =	sst s1  }
0xa: {  	[smem:$0x3FA3] =	sst s2  }
0xb: {  	[smem:$0x3FA4] =	sst s3  }
0xc: {  	[smem:$0x3FA5] =	sst s4  }
0xd: {  	[smem:$0x3FA6] =	sst s5  }
0xe: {  	[smem:$0x3FA7] =	sst s6  }
0xf: {  	[smem:$0x3FA8] =	sst s7  }
0x10: {  	[smem:$0x3FA9] =	sst s8  }
0x11: {  	[smem:$0x3FAA] =	sst s9;
	s0 =	simm.s32 @!p0 $0x0  }
0x12: {  	s1 =	sld [smem:$0x3F90];
	s0 =	simm.s32 @p0 $0x1  }
0x13: {  	[smem:$0x3FAB] =	sst s0;
	s0 =	simm.s32 @!p1 $0x0  }
0x14: {  	s2 =	sld [smem:$0x3F8F];
	s0 =	simm.s32 @p1 $0x1  }
0x15: {  	[smem:$0x3FAC] =	sst s0;
	s0 =	simm.s32 @!p2 $0x0  }
0x16: {  	s3 =	sld [smem:$0x3FDB];
	s0 =	simm.s32 @p2 $0x1  }
0x17: {  	s4 =	simm.s32 $0x1BF5;
	[smem:$0x3FAE] =	sst s0  }
0x18: {  	s0 =	sld [smem:$0x3F91];
	_ =	swait.ge [sflag:s4], $0x0  }
0x19: {  	s7 =	sld [smem:$0x3F92]  }
0x1a: {  	s8 =	sadd.s32 $0xFFFFE003, lr  }
0x1b: {  	s9 =	sadd.s32 $0xFFFFFEF7, lr;
	s5 =	simm.s32 $0xFFFFFFFF;
	p2 =	slt.u32 s8, $0xFFFFF086  }
0x1c: {  	p1 =	slt.u32 s9, $0xF7A;
	s5 =	simm.s32 @!p2 $0x0  }
0x1d: {  	s5 =	simm.s32 @p1 $0x1;
	p0 =	seq.s32 s7, s2  }
0x1e: {  	s7 =	smul.u32 @!p0 $0xF7A, s2;
	p2 =	seq.s32 @!p0 s5, $0x0  }
0x1f: {  	s9 =	smul.u32 $0xF7A, s1;
	s8 =	simm.s32 @!p0 $0x1BF5;
	p2 =	por !p2, p0  }
0x20: {  	[sflag:s8] =	ssyncset.s32 @!p0 $0xFFFFF086;
	s6 =	sadd.s32 @!p0 s3, s7;
	s7 =	simm.s32 @!p0 $0x108  }
0x21: {  	s3 =	sadd.s32 s3, s9;
	s6 =	sadd.s32 @!p0 $0x88, s6;
	s7 =	simm.s32 @p2 $0x1082  }
0x22: {  	[simem:s7], [sflag:s8] =	dma.local @!p0 [hbm:s6], $0xF7A  }
0x23: {  	s9 =	sor.u32 $0xD0000000, s2;
	s6 =	simm.s32 $0x108;
	_ =	swait.ge @!p0 [sflag:s8], $0x0  }
0x24: {  	s3 =	sadd.s32 $0x88, s3;
	s6 =	simm.s32 @!p1 $0x1082;
	[sflag:s4] =	ssyncset.s32 $0xFFFFF086  }
0x25: {  	[simem:s6], [sflag:s4] =	dma.local [hbm:s3], $0xF7A  }
0x26: {  	[smem:$0x3F92] =	sst s1;
	(tag) =	ssettag s2;
	_ =	strace s9  }
0x27: {  	s1 =	sld [smem:$0x3FA2]  }
0x28: {  	s2 =	sld [smem:$0x3FA3]  }
0x29: {  	s4 =	sld [smem:$0x3FA5]  }
0x2a: {  	p0 =	seq.s32 s5, $0x0;
	s5 =	sld [smem:$0x3FA6]  }
0x2b: {  	s6 =	sld [smem:$0x3FA7]  }
0x2c: {  	s7 =	sld [smem:$0x3FA8]  }
0x2d: {  	s3 =	simm.s32 $0x108;
	s8 =	sld [smem:$0x3FA9]  }
0x2e: {  	s3 =	simm.s32 @!p0 $0x1082;
	s9 =	sld [smem:$0x3FAA]  }
0x2f: {  	lr =	sadd.s32 s0, s3;
	s0 =	sld [smem:$0x3FA1]  }
0x30: {  	s3 =	sld [smem:$0x3FA4]  }
0x31: {  	[smem:$0x3FAD] =	sst s10  }
0x32: {  	s10 =	sld [smem:$0x3FAB];
	_ =	sdelay $0x3  }
0x33: {  	p0 =	seq.s32 s10, $0x1;
	s10 =	sld [smem:$0x3FAD];
	_ =	sdelay $0x3  }
0x34: {  	[smem:$0x3FAD] =	sst s10  }
0x35: {  	s10 =	sld [smem:$0x3FAC];
	_ =	sdelay $0x3  }
0x36: {  	p1 =	seq.s32 s10, $0x1;
	s10 =	sld [smem:$0x3FAD];
	_ =	sdelay $0x3  }
0x37: {  	[smem:$0x3FAD] =	sst s10  }
0x38: {  	s10 =	sld [smem:$0x3FAE]  }
0x39: {  	_ = 	snop;
	(pc) =	sbr.ind lr, $3  }
0x3a: {  	_ = 	snop  }
0x3b: {  	_ = 	snop  }
0x3c: {  	p2 =	seq.s32 s10, $0x1;
	s10 =	sld [smem:$0x3FAD]  }
0x3d: {  	_ =	shalt  }
0x3e: {  	_ =	shalt  }
0x3f: {  	_ =	shalt  }
0x40: {  	_ =	shalt  }
0x41: {  	_ =	shalt  }
0x42: {  	_ =	shalt  }
0x43: {  	_ =	shalt  }
0x44: {  	_ =	shalt  }
0x45: {  	_ =	shalt  }
0x46: {  	_ =	shalt  }
0x47: {  	_ =	shalt  }
0x48: {  	_ =	shalt  }
0x49: {  	_ =	shalt  }
0x4a: {  	_ =	shalt  }
0x4b: {  	_ =	shalt  }
0x4c: {  	_ =	shalt  }
0x4d: {  	_ =	shalt  }
0x4e: {  	_ =	shalt  }
0x4f: {  	_ =	shalt  }
0x50: {  	_ =	shalt  }
0x51: {  	_ =	shalt  }
0x52: {  	_ =	shalt  }
0x53: {  	_ =	shalt  }
0x54: {  	_ =	shalt  }
0x55: {  	_ =	shalt  }
0x56: {  	_ =	shalt  }
0x57: {  	_ =	shalt  }
0x58: {  	_ =	shalt  }
0x59: {  	_ =	shalt  }
0x5a: {  	_ =	shalt  }
0x5b: {  	_ =	shalt  }
0x5c: {  	_ =	shalt  }
0x5d: {  	_ =	shalt  }
0x5e: {  	_ =	shalt  }
0x5f: {  	_ =	shalt  }
0x60: {  	_ =	shalt  }
0x61: {  	_ =	shalt  }
0x62: {  	_ =	shalt  }
0x63: {  	_ =	shalt  }
0x64: {  	_ =	shalt  }
0x65: {  	_ =	shalt  }
0x66: {  	_ =	shalt  }
0x67: {  	_ =	shalt  }
0x68: {  	_ =	shalt  }
0x69: {  	_ =	shalt  }
0x6a: {  	_ =	shalt  }
0x6b: {  	_ =	shalt  }
0x6c: {  	_ =	shalt  }
0x6d: {  	_ =	shalt  }
0x6e: {  	_ =	shalt  }
0x6f: {  	_ =	shalt  }
0x70: {  	_ =	shalt  }
0x71: {  	_ =	shalt  }
0x72: {  	_ =	shalt  }
0x73: {  	_ =	shalt  }
0x74: {  	_ =	shalt  }
0x75: {  	_ =	shalt  }
0x76: {  	_ =	shalt  }
0x77: {  	_ =	shalt  }
0x78: {  	_ =	shalt  }
0x79: {  	_ =	shalt  }
0x7a: {  	_ =	shalt  }
0x7b: {  	_ =	shalt  }
0x7c: {  	_ =	shalt  }
0x7d: {  	_ =	shalt  }
0x7e: {  	_ =	shalt  }
0x7f: {  	_ =	shalt  }
0x80: {  	_ =	shalt  }
0x81: {  	_ =	shalt  }
0x82: {  	_ =	shalt  }
0x83: {  	_ =	shalt  }
0x84: {  	_ =	shalt  }
0x85: {  	_ =	shalt  }
0x86: {  	_ =	shalt  }
0x87: {  	_ =	shalt  }
.Lfunc_end0:
.L_simem_size_0:
called_computation_lowered:
.L_overlay_start_0:
0x88: {  	s2 =	sld [smem:$0x3FD9]  }
0x89: {  	s3 =	sld [smem:$0x3FFE];
	_ =	sdelay $0x1  }
0x8a: {  	s1 =	srdreg.scid  }
0x8b: {  	s0 =	sand.u32 $0x1, s1  }
0x8c: {  	s17 =	sshll.u32 s0, $0xA;
	s2 =	sadd.s32 s3, s2  }
0x8d: {  	s2 =	sadd.s32 s2, s17  }
0x8e: {  	[smem:$0x3FB9] =	sst s2  }
0x8f: {  	_ = 	snop  }
0x90: {  	s2 =	sld [smem:$0x3FD0];
	(tm) =	ssettm $0x1  }
0x91: {  	s18 =	sld [smem:$0x3FFB];
	_ =	sdelay $0x3  }
0x92: {  	_ =	strace s18  }
0x93: {  	s3 =	sld [smem:$0x3FFC];
	_ =	sdelay $0x3  }
0x94: {  	_ =	strace s3  }
0x95: {  	s3 =	sld [smem:$0x3FFD];
	_ =	sdelay $0x3  }
0x96: {  	_ =	strace s3  }
0x97: {  	_ =	strace $0x8FFFFFFF  }
0x98: {  	s19 =	sld [smem:$0x3FDB];
	_ =	sdelay $0x1  }
0x99: {  	s4 =	simm.s32 $_scs_section_size  }
0x9a: {  	s5 =	simm.s32 $_size__tile_overlayer_lowered;
	s6 =	simm.s32 $_tile_overlayer_lowered  }
0x9b: {  	s22 =	simm.s32 $0x1BFF;
	s21 =	sshll.u32 s6, $0x1;
	s3 =	sadd.s32 s4, s19  }
0x9c: {  	s7 =	simm.s32 $0x0;
	s20 =	sshll.u32 s5, $0x1;
	s5 =	sadd.s32 s21, s3  }
0x9d: {  	[timem:s7], [sflag:s22] =	dma.local [hbm:s5], s20  }
0x9e: {  	_ =	swait.ge [sflag:s22], s20  }
0x9f: {  	s4 =	ssub.s32 $0x0, s20;
	[sflag:s22] =	ssyncset.done $0x0  }
0xa0: {  	[sflag:s22] =	ssyncadd.s32 s4;
	_ =	sdelay $0x1  }
0xa1: {  	s23 =	simm.s32 $0x1B8B  }
0xa2: {  	_ =	swait.ge [sflag:s23], $0x1  }
0xa3: {  	[sflag:s23] =	ssyncset.done $0x0  }
0xa4: {  	s25 =	simm.s32 $0x1B8E;
	s24 =	sld [smem:$0x3FFE];
	[sflag:s23] =	ssyncadd.s32 $0xFFFFFFFF  }
0xa5: {  	s26 =	simm.s32 $execute0_lowered;
	[smem:$0x3FD2] =	sst s25  }
0xa6: {  	s5 =	sshll.u32 s26, $0x1;
	_ =	strace $0x80000046;
	[dreg:$0x1] =	wrdreg $0xFFFFFFFF  }
0xa7: {  	s28 =	simm.s32 $_size_execute0_lowered;
	s3 =	sadd.s32 s3, s5;
	[dreg:$0x0] =	wrdreg $0x0  }
0xa8: {  	s5 =	sshll.u32 s28, $0x1;
	[dreg:$0x2] =	wrdreg s3  }
0xa9: {  	[dreg:$0x3] =	wrdreg s5  }
0xaa: {  	[dreg:$0x4] =	wrdreg $0xC0  }
0xab: {  	_ =	task [dreg:s7], $0x5FFFF  }
0xac: {  	[dreg:$0x1] =	wrdreg $0xFFFFFFFF  }
0xad: {  	[dreg:$0x0] =	wrdreg $0x60  }
0xae: {  	[dreg:$0x2] =	wrdreg s24  }
0xaf: {  	[dreg:$0x3] =	wrdreg s2  }
0xb0: {  	[dreg:$0x4] =	wrdreg $0x0  }
0xb1: {  	[dreg:$0x5] =	wrdreg $0x9  }
0xb2: {  	_ =	task.clear_ibuf [dreg:s7], $0x6FFFF;
	_ =	strace $0x90000046  }
0xb3: {  	s29 =	simm.s32 $0x9;
	_ =	strace $0x80000048  }
0xb4: {  	_ =	swait.ge [sflag:s29], $0x1  }
0xb5: {  	[sflag:s29] =	ssyncadd.s32 $0xFFFFFFFF  }
0xb6: {  	_ =	strace $0x90000048  }
0xb7: {  	_ =	sfence  }
0xb8: {  	s30 =	sld [smem:$0x0];
	_ =	sdelay $0x2  }
0xb9: {  	s31 =	sshll.u32 s1, $0xD;
	s1 =	sshrl.u32 s1, $0x2  }
0xba: {  	s3 =	sand.u32 $0x4000, s31;
	s1 =	sadd.s32 s1, s30  }
0xbb: {  	s0 =	sor.u32 s3, s0;
	s1 =	sshll.u32 s1, $0x11  }
0xbc: {  	s0 =	sor.u32 s1, s0  }
0xbd: {  	s0 =	sadd.s32 $0x8F2B, s0  }
0xbe: {  	[sflag:s0] =	ssyncadd.remote.s32 $0x1  }
0xbf: {  	_ =	sfence.sel $0xFFFF  }
0xc0: {  	[dreg:$0x0] =	wrdreg $0xFFFFFFFF;
	(pc) =	sbr.abs _section_cstart, $3  }
0xc1: {  	[dreg:$0x1] =	wrdreg $0xFFFFFFFF  }
0xc2: {  	_ =	task.clear_ibuf [dreg:s7], $0x2FFFF;
	_ =	strace $0x9FFFFFFF  }
0xc3: {  	(tm) =	ssettm $0x7FFFFFFF  }
tec
execute0_lowered:
.L_overlay_start_1:
0x0: {  	(tag) =	ssettag $0x1  }
0x1: {  	s0 =	rddreg [dreg:$0x0]  }
0x2: {  	s2 =	rddreg [dreg:$0x1]  }
0x3: {  	s3 =	rddreg [dreg:$0x2]  }
0x4: {  	s1 =	srdreg.scid;
	s10 =	stileid.u32;
	s4 =	simm.s32 $0x0  }
0x5: {  	s29 =	simm.s32 $0x14380;
	s30 =	simm.s32 $0x4;
	s6 =	smul.u32 $0x280, s10  }
0x6: {  	s31 =	simm.s32 $0x1C380;
	s1 =	sand.u32 $0x1, s1;
	s23 =	smul.u32 $0x50000, s10  }
0x7: {  	[smem:$0x7FF] =	sst s4;
	s5 =	sadd.s32 $0x4800, s0;
	s11 =	smul.u32 $0x4E20, s10  }
0x8: {  	s9 =	sadd.s32 $0x2CE00, s0;
	s22 =	sadd.s32 $0x2C800, s0;
	s7 =	smul.u32 $0x2800, s1  }
0x9: {  	s8 =	sshll.u32 s1, $0x4;
	_ =	strace $0x80000047;
	[dreg:$0x5] =	wrdreg s9  }
0xa: {  	[dreg:$0x6] =	wrdreg s22;
	s24 =	ssub.s32 $0x2, s1;
	s1 =	smul.u32 $0x9C400, s1  }
0xb: {  	s22 =	simm.s32 $0x14200;
	s8 =	sor.u32 s10, s8;
	s25 =	sshrl.u32 s24, $0x1  }
0xc: {  	[dreg:$0x4] =	wrdreg s22;
	s6 =	sadd.s32 s6, s7;
	s21 =	smul.u32 $0x500, s8  }
0xd: {  	s8 =	sshrl.u32 s23, $0x2;
	s26 =	ssub.s32 s24, s25;
	s1 =	sadd.s32 s11, s1  }
0xe: {  	s7 =	simm.s32 $0x1;
	s6 =	sshll.u32 s6, $0x4;
	s8 =	sadd.s32 s8, s3  }
0xf: {  	s14 =	sshrl.u32 s1, $0x3;
	s12 =	sadd.s32 $0x4E280, s1;
	s25 =	smax.u32 s26, $0x1  }
0x10: {  	s6 =	sadd.s32 s6, s0;
	s0 =	sadd.s32 s21, s0;
	s14 =	sadd.s32 s2, s14  }
0x11: {  	s9 =	sadd.s32 $0x4000, s8;
	[dreg:$0x10] =	wrdreg s25;
	s16 =	sadd.s32 $0x9C0, s14  }
0x12: {  	s15 =	sshrl.u32 s12, $0x3;
	s17 =	sadd.s32 $0xA600, s14;
	[dreg:$0x7] =	wrdreg s16  }
0x13: {  	s10 =	sadd.s32 $0x8000, s8;
	s15 =	sadd.s32 s2, s15;
	[dreg:$0x8] =	wrdreg s17  }
0x14: {  	s11 =	sadd.s32 $0xC000, s8;
	s0 =	sadd.s32 $0x2D600, s0;
	[dreg:$0x9] =	wrdreg s15  }
0x15: {  	s13 =	sadd.s32 $0x10000, s8;
	s18 =	sadd.s32 $0x37600, s6;
	[dreg:$0xa] =	wrdreg s0  }
0x16: {  	s21 =	sadd.s32 $0x100, s1;
	s19 =	sadd.s32 $0x37E00, s6;
	[dreg:$0xb] =	wrdreg s18  }
0x17: {  	s1 =	simm.s32 $0x14300;
	s20 =	sadd.s32 $0x38600, s6;
	[dreg:$0xc] =	wrdreg s19  }
0x18: {  	s23 =	sadd.s32 $0x38E00, s6;
	s24 =	sadd.s32 $0x39600, s6;
	[dreg:$0xd] =	wrdreg s20  }
0x19: {  	s26 =	sadd.s32 $0x9C40, s14;
	s28 =	sadd.s32 $0x10, s14;
	[dreg:$0xe] =	wrdreg s23  }
0x1a: {  	s6 =	simm.s32 $0x20;
	s0 =	sshrl.u32 s21, $0x3;
	[dreg:$0xf] =	wrdreg s24  }
0x1b: {  	[dreg:$0x11] =	wrdreg s26;
	s15 =	simm.s32 $0x14000;
	s16 =	simm.s32 $0x80  }
0x1c: {  	v0 =	vimm.f32 $1.000000000e+00;
	s17 =	simm.s32 $0x0;
	s18 =	sadd.s32 s0, s2;
	s0 =	simm.s32 $0x14280  }
.LBB2_1:
0x1d: {  	s19 =	rddreg [dreg:$0x5]  }
0x1e: {  	[tilespmem:s29], [sflag:$0x4] =	stream.linear.gather [hbm4b:s19+s4], $0x4000, $0x38;
	[tilespmem:$0x1EB80] =	vst v63  }
0x1f: {  	_ =	swait.ge [sflag:s30], $0x4000  }
0x20: {  	[sflag:s30] =	ssyncset.done $0x0  }
0x21: {  	s20 =	rddreg [dreg:$0x6];
	[sflag:s30] =	ssyncadd.s32 $0xFFFFC000  }
0x22: {  	[tilespmem:s31], [sflag:$0x4] =	stream.linear.gather [hbm4b:s20+s4], $0x2800, $0x38;
	[tilespmem:$0x1EB80] =	vst v63  }
0x23: {  	_ =	swait.ge [sflag:s30], $0x2800  }
0x24: {  	[sflag:s30] =	ssyncset.done $0x0  }
0x25: {  	[sflag:s30] =	ssyncadd.s32 $0xFFFFD800  }
0x26: {  	[spmem:s8] =	stream.linear.scatter [tilespmem:s29], [sflag:$0x4], $0x4000, $0x38;
	[tilespmem:$0x1EB80] =	vst v63  }
0x27: {  	_ =	swait.ge [sflag:s30], $0x4000  }
0x28: {  	[sflag:s30] =	ssyncset.done $0x0  }
0x29: {  	[sflag:s30] =	ssyncadd.s32 $0xFFFFC000  }
0x2a: {  	[spmem:s9] =	stream.linear.scatter [tilespmem:s29], [sflag:$0x4], $0x4000, $0x38;
	[tilespmem:$0x1EB80] =	vst v63  }
0x2b: {  	_ =	swait.ge [sflag:s30], $0x4000  }
0x2c: {  	[sflag:s30] =	ssyncset.done $0x0  }
0x2d: {  	[sflag:s30] =	ssyncadd.s32 $0xFFFFC000  }
0x2e: {  	[spmem:s10] =	stream.linear.scatter [tilespmem:s29], [sflag:$0x4], $0x4000, $0x38;
	[tilespmem:$0x1EB80] =	vst v63  }
0x2f: {  	_ =	swait.ge [sflag:s30], $0x4000  }
0x30: {  	[sflag:s30] =	ssyncset.done $0x0  }
0x31: {  	[sflag:s30] =	ssyncadd.s32 $0xFFFFC000  }
0x32: {  	[spmem:s11] =	stream.linear.scatter [tilespmem:s29], [sflag:$0x4], $0x4000, $0x38;
	[tilespmem:$0x1EB80] =	vst v63  }
0x33: {  	_ =	swait.ge [sflag:s30], $0x4000  }
0x34: {  	[sflag:s30] =	ssyncset.done $0x0  }
0x35: {  	[sflag:s30] =	ssyncadd.s32 $0xFFFFC000  }
0x36: {  	[spmem:s13] =	stream.linear.scatter [tilespmem:s29], [sflag:$0x4], $0x4000, $0x38;
	[tilespmem:$0x1EB80] =	vst v63  }
0x37: {  	_ =	swait.ge [sflag:s30], $0x4000  }
0x38: {  	[sflag:s30] =	ssyncset.done $0x0  }
0x39: {  	[sflag:s30] =	ssyncadd.s32 $0xFFFFC000  }
0x3a: {  	[bflag:$0x0] =	sbarrier.arrive $0xFFFF  }
0x3b: {  	s21 =	rddreg [dreg:$0x7]  }
0x3c: {  	[tilespmem:s0], [sflag:$0x4] =	stream.linear.gather [hbm4b:s21+s4], $0x20, $0x38;
	[tilespmem:$0x1EB80] =	vst v63  }
0x3d: {  	_ =	swait.ge [sflag:s30], $0x20  }
0x3e: {  	[sflag:s30] =	ssyncset.done $0x0  }
0x3f: {  	s22 =	rddreg [dreg:$0x8];
	[sflag:s30] =	ssyncadd.s32 $0xFFFFFFE0  }
0x40: {  	[tilespmem:s1], [sflag:$0x4] =	stream.linear.gather [hbm4b:s22+s4], $0x20, $0x38;
	[tilespmem:$0x1EB80] =	vst v63  }
0x41: {  	_ =	swait.ge [sflag:s30], $0x20  }
0x42: {  	[sflag:s30] =	ssyncset.done $0x0  }
0x43: {  	[sflag:s30] =	ssyncadd.s32 $0xFFFFFFE0  }
0x44: {  	[tilespmem:s29], [sflag:$0x1] =	stream.indirect.gather [hbm4b:s5+s6], $0x80, s0, s6, $0xb8;
	[tilespmem:$0x1EB80] =	vst v63  }
0x45: {  	_ =	swait.ge [sflag:s7], $0x1000  }
0x46: {  	[sflag:s7] =	ssyncset.done $0x0  }
0x47: {  	[sflag:s7] =	ssyncadd.s32 $0xFFFFF000  }
0x48: {  	v1 =	vld [tilespmem:$0x14300];
	_ =	sdelay $0x7  }
0x49: {  	[tilespmem:v1+s31+$0x0] =	vst.idx.add.f32.msk $0xffff, v0  }
0x4a: {  	v1 =	vld [tilespmem:$0x14310];
	_ =	sdelay $0x7  }
0x4b: {  	[tilespmem:v1+s31+$0x0] =	vst.idx.add.f32.msk $0xffff, v0  }
0x4c: {  	[spmem:s3] =	stream.indirect.scatter.add.f32 [tilespmem:s29], [sflag:$0x4], $0x80, s1, s6, $0xb8;
	[tilespmem:$0x1EB80] =	vst v63  }
0x4d: {  	_ =	swait.ge [sflag:s30], $0x1000  }
0x4e: {  	[sflag:s30] =	ssyncset.done $0x0  }
0x4f: {  	[sflag:s30] =	ssyncadd.s32 $0xFFFFF000  }
0x50: {  	[tilespmem:s15], [sflag:$0x4] =	stream.linear.gather [hbm4b:s14+s4], $0x80, $0x38;
	[tilespmem:$0x1EB80] =	vst v63  }
0x51: {  	_ =	swait.ge [sflag:s30], $0x80  }
0x52: {  	[sflag:s30] =	ssyncset.done $0x0  }
0x53: {  	s20 =	simm.s32 $0x14100;
	s23 =	rddreg [dreg:$0x11];
	[sflag:s30] =	ssyncadd.s32 $0xFFFFFF80  }
0x54: {  	[tilespmem:s20], [sflag:$0x4] =	stream.linear.gather [hbm4b:s23+s4], $0x80, $0x38;
	[tilespmem:$0x1EB80] =	vst v63  }
0x55: {  	_ =	swait.ge [sflag:s30], $0x80  }
0x56: {  	[sflag:s30] =	ssyncset.done $0x0  }
0x57: {  	[sflag:s30] =	ssyncadd.s32 $0xFFFFFF80  }
0x58: {  	[tilespmem:s29], [sflag:$0x1] =	stream.indirect.gather [hbm4b:s5+s16], $0x80, s15, s16, $0xb8;
	[tilespmem:$0x1EB80] =	vst v63  }
0x59: {  	s24 =	simm.s32 $0x14080  }
0x5a: {  	[tilespmem:s24], [sflag:$0x2] =	stream.linear.gather [hbm4b:s28+s4], $0x80, $0x38;
	[tilespmem:$0x1EB80] =	vst v63  }
0x5b: {  	s26 =	simm.s32 $0x14180;
	s25 =	rddreg [dreg:$0x9]  }
0x5c: {  	[tilespmem:s26], [sflag:$0x3] =	stream.linear.gather [hbm4b:s25+s4], $0x80, $0x38;
	[tilespmem:$0x1EB80] =	vst v63  }
0x5d: {  	s19 =	simm.s32 $0x0;
	s20 =	simm.s32 $0x0;
	s25 =	smov.u32 s18  }
.LBB2_2:
0x5e: {  	_ =	swait.ge [sflag:s7], $0x4000  }
0x5f: {  	s21 =	sand.u32 $0x1, s20;
	p0 =	sne.s32 s19, $0x4D80;
	[sflag:s7] =	ssyncset.done $0x0  }
0x60: {  	s22 =	sxor.u32 @p0 $0x1, s21;
	s24 =	simm.s32 @p0 $0x2;
	p2 =	sgt.u32 @p0 s20, $0x99  }
0x61: {  	[sflag:s7] =	ssyncadd.s32 $0xFFFFC000;
	s23 =	sshll.u32 @p0 s22, $0x9;
	s22 =	sshll.u32 @p0 s22, $0xE  }
0x62: {  	p1 =	por !p2, !p0;
	p3 =	por p2, !p0;
	_ =	swait.ge @p0 [sflag:s24], $0x80  }
0x63: {  	s23 =	sshrl.u32 @p0 s23, $0x2;
	s22 =	sadd.s32 @p0 $0x14380, s22;
	[sflag:s24] =	ssyncset.done @p0 $0x0  }
0x64: {  	s26 =	sor.u32 @p0 $0x14000, s23;
	[sflag:s24] =	ssyncadd.s32 @p0 $0xFFFFFF80;
	s24 =	simm.s32 @p0 $0x80  }
0x65: {  	[tilespmem:s22], [sflag:$0x1] =	stream.indirect.gather @p0 [hbm4b:s5+s24], $0x80, s26, s24, $0xb8;
	[tilespmem:$0x1EB80] =	vst v63  }
0x66: {  	p4 =	seq.s32 @!p3 s19, $0x0;
	s22 =	simm.s32 @!p1 $0x3  }
0x67: {  	p5 =	por @p0 p4, p2;
	_ =	swait.ge @!p1 [sflag:s22], $0x80  }
0x68: {  	p2 =	por @p0 !p4, p2;
	s24 =	sshll.u32 @!p3 s21, $0x7;
	[sflag:s22] =	ssyncset.done @!p1 $0x0  }
0x69: {  	[sflag:s22] =	ssyncadd.s32 @!p1 $0xFFFFFF80;
	s22 =	sor.u32 @!p3 $0x14000, s24;
	s24 =	simm.s32 @!p3 $0x0  }
0x6a: {  	[tilespmem:s22], [sflag:$0x2] =	stream.linear.gather @!p3 [hbm4b:s25+s24], $0x80, $0x38;
	[tilespmem:$0x1EB80] =	vst v63  }
0x6b: {  	p2 =	por !p2, !p0;
	s22 =	sshll.u32 @!p3 s20, $0x7  }
0x6c: {  	s26 =	smov.u32 s19;
	p3 =	por p5, !p0;
	s22 =	simm.s32 @p2 $0x0  }
0x6d: {  	s24 =	simm.s32 @!p3 $0x3;
	s26 =	smov.u32 @p1 s22  }
0x6e: {  	_ =	swait.ge @!p3 [sflag:s24], $0x80;
	s22 =	sadd.s32 @p0 s26, s12  }
0x6f: {  	s23 =	sor.u32 @p0 $0x14100, s23;
	[sflag:s24] =	ssyncset.done @!p3 $0x0;
	s22 =	sshrl.u32 @p0 s22, $0x3  }
0x70: {  	[sflag:s24] =	ssyncadd.s32 @!p3 $0xFFFFFF80;
	s24 =	simm.s32 @p0 $0x0;
	s22 =	sadd.s32 @p0 s2, s22  }
0x71: {  	[tilespmem:s23], [sflag:$0x3] =	stream.linear.gather @p0 [hbm4b:s22+s24], $0x80, $0x38;
	[tilespmem:$0x1EB80] =	vst v63  }
0x72: {  	s22 =	simm.s32 @!p0 $0x3  }
0x73: {  	_ =	swait.ge @!p0 [sflag:s22], $0x80  }
0x74: {  	[sflag:s22] =	ssyncset.done @!p0 $0x0  }
0x75: {  	s24 =	sshll.u32 s21, $0x7;
	[sflag:s22] =	ssyncadd.s32 @!p0 $0xFFFFFF80  }
0x76: {  	v1 =	vld [tilespmem:s24+$0x14100];
	_ =	sdelay $0x6  }
0x77: {  	[tilespmem:$0x14200] =	vst v1  }
0x78: {  	[tilespmem:v1+s31+$0x0] =	vst.idx.add.f32.msk $0xffff, v0  }
0x79: {  	v1 =	vld [tilespmem:s24+$0x14110];
	_ =	sdelay $0x6  }
0x7a: {  	[tilespmem:$0x14210] =	vst v1  }
0x7b: {  	[tilespmem:v1+s31+$0x0] =	vst.idx.add.f32.msk $0xffff, v0  }
0x7c: {  	v1 =	vld [tilespmem:s24+$0x14120];
	_ =	sdelay $0x6  }
0x7d: {  	[tilespmem:$0x14220] =	vst v1  }
0x7e: {  	[tilespmem:v1+s31+$0x0] =	vst.idx.add.f32.msk $0xffff, v0  }
0x7f: {  	v1 =	vld [tilespmem:s24+$0x14130];
	_ =	sdelay $0x6  }
0x80: {  	[tilespmem:$0x14230] =	vst v1  }
0x81: {  	[tilespmem:v1+s31+$0x0] =	vst.idx.add.f32.msk $0xffff, v0  }
0x82: {  	v1 =	vld [tilespmem:s24+$0x14140];
	_ =	sdelay $0x6  }
0x83: {  	[tilespmem:$0x14240] =	vst v1  }
0x84: {  	[tilespmem:v1+s31+$0x0] =	vst.idx.add.f32.msk $0xffff, v0  }
0x85: {  	v1 =	vld [tilespmem:s24+$0x14150];
	_ =	sdelay $0x6  }
0x86: {  	[tilespmem:$0x14250] =	vst v1  }
0x87: {  	[tilespmem:v1+s31+$0x0] =	vst.idx.add.f32.msk $0xffff, v0  }
0x88: {  	v1 =	vld [tilespmem:s24+$0x14160];
	_ =	sdelay $0x6  }
0x89: {  	[tilespmem:$0x14260] =	vst v1  }
0x8a: {  	[tilespmem:v1+s31+$0x0] =	vst.idx.add.f32.msk $0xffff, v0  }
0x8b: {  	v1 =	vld [tilespmem:s24+$0x14170];
	_ =	sdelay $0x5  }
0x8c: {  	s19 =	sadd.s32 $0x80, s19  }
0x8d: {  	s21 =	sshll.u32 s21, $0xE;
	p0 =	sne.s32 s19, $0x4E00;
	[tilespmem:$0x14270] =	vst v1  }
.Ltmp0:
0x8e: {  	s21 =	sadd.s32 $0x14380, s21;
	s26 =	rddreg [dreg:$0x4];
	[tilespmem:v1+s31+$0x0] =	vst.idx.add.f32.msk $0xffff, v0;
	(pc) =	sbr.rel @p0 .LBB2_2-.Ltmp0, $4  }
0x8f: {  	[spmem:s3] =	stream.indirect.scatter.add.f32 [tilespmem:s21], [sflag:$0x4], $0x80, s26, s16, $0xb8;
	[tilespmem:$0x1EB80] =	vst v63  }
0x90: {  	_ =	swait.ge [sflag:s30], $0x4000  }
0x91: {  	[sflag:s30] =	ssyncset.done $0x0  }
0x92: {  	s20 =	sadd.s32 $0x1, s20;
	s25 =	sadd.s32 $0x10, s25;
	[sflag:s30] =	ssyncadd.s32 $0xFFFFC000  }
0x93: {  	s19 =	rddreg [dreg:$0xa]  }
0x94: {  	[hbm4b:s19+s4] =	stream.linear.scatter [tilespmem:s31], [sflag:$0x4], $0x2800, $0x38;
	[tilespmem:$0x1EB80] =	vst v63  }
0x95: {  	_ =	swait.ge [sflag:s30], $0x2800  }
0x96: {  	[sflag:s30] =	ssyncset.done $0x0  }
0x97: {  	[sflag:s30] =	ssyncadd.s32 $0xFFFFD800  }
0x98: {  	[bflag:$0x0] =	sbarrier.arrive $0xFFFF  }
0x99: {  	[tilespmem:s29], [sflag:$0x4] =	stream.linear.gather [spmem:s8], $0x4000, $0x38;
	[tilespmem:$0x1EB80] =	vst v63  }
0x9a: {  	_ =	swait.ge [sflag:s30], $0x4000  }
0x9b: {  	[sflag:s30] =	ssyncset.done $0x0  }
0x9c: {  	s21 =	rddreg [dreg:$0xb];
	[sflag:s30] =	ssyncadd.s32 $0xFFFFC000  }
0x9d: {  	[hbm4b:s21+s4] =	stream.linear.scatter [tilespmem:s29], [sflag:$0x4], $0x4000, $0x38;
	[tilespmem:$0x1EB80] =	vst v63  }
0x9e: {  	_ =	swait.ge [sflag:s30], $0x4000  }
0x9f: {  	[sflag:s30] =	ssyncset.done $0x0  }
0xa0: {  	[sflag:s30] =	ssyncadd.s32 $0xFFFFC000  }
0xa1: {  	[tilespmem:s29], [sflag:$0x4] =	stream.linear.gather [spmem:s9], $0x4000, $0x38;
	[tilespmem:$0x1EB80] =	vst v63  }
0xa2: {  	_ =	swait.ge [sflag:s30], $0x4000  }
0xa3: {  	[sflag:s30] =	ssyncset.done $0x0  }
0xa4: {  	s22 =	rddreg [dreg:$0xc];
	[sflag:s30] =	ssyncadd.s32 $0xFFFFC000  }
0xa5: {  	[hbm4b:s22+s4] =	stream.linear.scatter [tilespmem:s29], [sflag:$0x4], $0x4000, $0x38;
	[tilespmem:$0x1EB80] =	vst v63  }
0xa6: {  	_ =	swait.ge [sflag:s30], $0x4000  }
0xa7: {  	[sflag:s30] =	ssyncset.done $0x0  }
0xa8: {  	[sflag:s30] =	ssyncadd.s32 $0xFFFFC000  }
0xa9: {  	[tilespmem:s29], [sflag:$0x4] =	stream.linear.gather [spmem:s10], $0x4000, $0x38;
	[tilespmem:$0x1EB80] =	vst v63  }
0xaa: {  	_ =	swait.ge [sflag:s30], $0x4000  }
0xab: {  	[sflag:s30] =	ssyncset.done $0x0  }
0xac: {  	s23 =	rddreg [dreg:$0xd];
	[sflag:s30] =	ssyncadd.s32 $0xFFFFC000  }
0xad: {  	[hbm4b:s23+s4] =	stream.linear.scatter [tilespmem:s29], [sflag:$0x4], $0x4000, $0x38;
	[tilespmem:$0x1EB80] =	vst v63  }
0xae: {  	_ =	swait.ge [sflag:s30], $0x4000  }
0xaf: {  	[sflag:s30] =	ssyncset.done $0x0  }
0xb0: {  	[sflag:s30] =	ssyncadd.s32 $0xFFFFC000  }
0xb1: {  	[tilespmem:s29], [sflag:$0x4] =	stream.linear.gather [spmem:s11], $0x4000, $0x38;
	[tilespmem:$0x1EB80] =	vst v63  }
0xb2: {  	_ =	swait.ge [sflag:s30], $0x4000  }
0xb3: {  	[sflag:s30] =	ssyncset.done $0x0  }
0xb4: {  	s24 =	rddreg [dreg:$0xe];
	[sflag:s30] =	ssyncadd.s32 $0xFFFFC000  }
0xb5: {  	[hbm4b:s24+s4] =	stream.linear.scatter [tilespmem:s29], [sflag:$0x4], $0x4000, $0x38;
	[tilespmem:$0x1EB80] =	vst v63  }
0xb6: {  	_ =	swait.ge [sflag:s30], $0x4000  }
0xb7: {  	[sflag:s30] =	ssyncset.done $0x0  }
0xb8: {  	[sflag:s30] =	ssyncadd.s32 $0xFFFFC000  }
0xb9: {  	[tilespmem:s29], [sflag:$0x4] =	stream.linear.gather [spmem:s13], $0x4000, $0x38;
	[tilespmem:$0x1EB80] =	vst v63  }
0xba: {  	_ =	swait.ge [sflag:s30], $0x4000  }
0xbb: {  	[sflag:s30] =	ssyncset.done $0x0  }
0xbc: {  	s25 =	rddreg [dreg:$0xf];
	[sflag:s30] =	ssyncadd.s32 $0xFFFFC000  }
0xbd: {  	[hbm4b:s25+s4] =	stream.linear.scatter [tilespmem:s29], [sflag:$0x4], $0x4000, $0x38;
	[tilespmem:$0x1EB80] =	vst v63  }
0xbe: {  	_ =	swait.ge [sflag:s30], $0x4000  }
0xbf: {  	s17 =	sadd.s32 $0x1, s17;
	s26 =	rddreg [dreg:$0x10]  }
0xc0: {  	p0 =	sne.s32 s17, s26  }
.Ltmp1:
0xc1: {  	_ = 	snop;
	(pc) =	sbr.rel @p0 .LBB2_1-.Ltmp1, $3  }
0xc2: {  	_ =	sdelay $0x1  }
0xc3: {  	[sflag:s30] =	ssyncset.done $0x0  }
0xc4: {  	[sflag:s30] =	ssyncadd.s32 $0xFFFFC000  }
0xc5: {  	_ =	sfence.sel $0x180000  }
0xc6: {  	[bflag:$0x0] =	sbarrier.arrive $0xFFFF  }
0xc7: {  	_ =	strace $0x90000047  }
0xc8: {  	s0 =	stileid.u32;
	[bflag:$0x2] =	sbarrier.arrive $0xFFFF  }
0xc9: {  	p0 =	sne.s32 s0, $0x0;
	s0 =	rddreg [dreg:$0x3]  }
0xca: {  	s0 =	sadd.s32 @!p0 $0x100000, s0  }
0xcb: {  	[sflag:s0] =	ssyncadd.tile.s32 @!p0 $0x1;
	_ =	shalt  }
.Lfunc_end2:
_tile_overlayer_lowered:
.L_overlay_start_2:
0xcc: {  	(tag) =	ssettag $0x2  }
0xcd: {  	s0 =	rddreg [dreg:$0x0];
	s2 =	stileid.u32  }
0xce: {  	s1 =	rddreg [dreg:$0x1];
	p0 =	sne.s32 s2, $0x0  }
0xcf: {  	s3 =	rddreg [dreg:$0x2];
	[bflag:$0x3] =	sbarrier.arrive $0xFFFF;
	s2 =	simm.s32 @!p0 $0x1C04  }
0xd0: {  	[timem:s3], [sflag:s2] =	dma.local @!p0 [hbm:s0], s1  }
0xd1: {  	s0 =	simm.s32 @!p0 $0x4  }
0xd2: {  	_ =	swait.ge @!p0 [sflag:s0], s1  }
0xd3: {  	s1 =	ssub.s32 @!p0 $0x0, s1;
	[sflag:s0] =	ssyncset.done @!p0 $0x0  }
0xd4: {  	[sflag:s0] =	ssyncadd.s32 @!p0 s1  }
0xd5: {  	[bflag:$0x3] =	sbarrier.arrive $0xFFFF  }
0xd6: {  	_ =	shalt  }

// kernel: kernel.9.cloned.1.call-start
scs
__scs_entry_jumppad:
0x0: {  	(pc) =	sbr.rel $0x88, $3  }
0x1: {  	(tag) =	ssettag $0x0;
	lr =	simm.s32 $0x1  }
0x2: {  	[smem:$0x3F92] =	sst lr;
	_ =	strace $0xD0000000  }
0x3: {  	_ = 	snop  }
0x4: {  	_ = 	snop  }
0x5: {  	_ = 	snop  }
0x6: {  	_ = 	snop  }
0x7: {  	_ = 	snop  }
__scs_overlays_trampoline_lowered:
0x8: {  	[smem:$0x3FA1] =	sst s0  }
0x9: {  	[smem:$0x3FA2] =	sst s1  }
0xa: {  	[smem:$0x3FA3] =	sst s2  }
0xb: {  	[smem:$0x3FA4] =	sst s3  }
0xc: {  	[smem:$0x3FA5] =	sst s4  }
0xd: {  	[smem:$0x3FA6] =	sst s5  }
0xe: {  	[smem:$0x3FA7] =	sst s6  }
0xf: {  	[smem:$0x3FA8] =	sst s7  }
0x10: {  	[smem:$0x3FA9] =	sst s8  }
0x11: {  	[smem:$0x3FAA] =	sst s9;
	s0 =	simm.s32 @!p0 $0x0  }
0x12: {  	s1 =	sld [smem:$0x3F90];
	s0 =	simm.s32 @p0 $0x1  }
0x13: {  	[smem:$0x3FAB] =	sst s0;
	s0 =	simm.s32 @!p1 $0x0  }
0x14: {  	s2 =	sld [smem:$0x3F8F];
	s0 =	simm.s32 @p1 $0x1  }
0x15: {  	[smem:$0x3FAC] =	sst s0;
	s0 =	simm.s32 @!p2 $0x0  }
0x16: {  	s3 =	sld [smem:$0x3FDB];
	s0 =	simm.s32 @p2 $0x1  }
0x17: {  	s4 =	simm.s32 $0x1BF5;
	[smem:$0x3FAE] =	sst s0  }
0x18: {  	s0 =	sld [smem:$0x3F91];
	_ =	swait.ge [sflag:s4], $0x0  }
0x19: {  	s7 =	sld [smem:$0x3F92]  }
0x1a: {  	s8 =	sadd.s32 $0xFFFFE003, lr  }
0x1b: {  	s9 =	sadd.s32 $0xFFFFFEF7, lr;
	s5 =	simm.s32 $0xFFFFFFFF;
	p2 =	slt.u32 s8, $0xFFFFF086  }
0x1c: {  	p1 =	slt.u32 s9, $0xF7A;
	s5 =	simm.s32 @!p2 $0x0  }
0x1d: {  	s5 =	simm.s32 @p1 $0x1;
	p0 =	seq.s32 s7, s2  }
0x1e: {  	s7 =	smul.u32 @!p0 $0xF7A, s2;
	p2 =	seq.s32 @!p0 s5, $0x0  }
0x1f: {  	s9 =	smul.u32 $0xF7A, s1;
	s8 =	simm.s32 @!p0 $0x1BF5;
	p2 =	por !p2, p0  }
0x20: {  	[sflag:s8] =	ssyncset.s32 @!p0 $0xFFFFF086;
	s6 =	sadd.s32 @!p0 s3, s7;
	s7 =	simm.s32 @!p0 $0x108  }
0x21: {  	s3 =	sadd.s32 s3, s9;
	s6 =	sadd.s32 @!p0 $0x88, s6;
	s7 =	simm.s32 @p2 $0x1082  }
0x22: {  	[simem:s7], [sflag:s8] =	dma.local @!p0 [hbm:s6], $0xF7A  }
0x23: {  	s9 =	sor.u32 $0xD0000000, s2;
	s6 =	simm.s32 $0x108;
	_ =	swait.ge @!p0 [sflag:s8], $0x0  }
0x24: {  	s3 =	sadd.s32 $0x88, s3;
	s6 =	simm.s32 @!p1 $0x1082;
	[sflag:s4] =	ssyncset.s32 $0xFFFFF086  }
0x25: {  	[simem:s6], [sflag:s4] =	dma.local [hbm:s3], $0xF7A  }
0x26: {  	[smem:$0x3F92] =	sst s1;
	(tag) =	ssettag s2;
	_ =	strace s9  }
0x27: {  	s1 =	sld [smem:$0x3FA2]  }
0x28: {  	s2 =	sld [smem:$0x3FA3]  }
0x29: {  	s4 =	sld [smem:$0x3FA5]  }
0x2a: {  	p0 =	seq.s32 s5, $0x0;
	s5 =	sld [smem:$0x3FA6]  }
0x2b: {  	s6 =	sld [smem:$0x3FA7]  }
0x2c: {  	s7 =	sld [smem:$0x3FA8]  }
0x2d: {  	s3 =	simm.s32 $0x108;
	s8 =	sld [smem:$0x3FA9]  }
0x2e: {  	s3 =	simm.s32 @!p0 $0x1082;
	s9 =	sld [smem:$0x3FAA]  }
0x2f: {  	lr =	sadd.s32 s0, s3;
	s0 =	sld [smem:$0x3FA1]  }
0x30: {  	s3 =	sld [smem:$0x3FA4]  }
0x31: {  	[smem:$0x3FAD] =	sst s10  }
0x32: {  	s10 =	sld [smem:$0x3FAB];
	_ =	sdelay $0x3  }
0x33: {  	p0 =	seq.s32 s10, $0x1;
	s10 =	sld [smem:$0x3FAD];
	_ =	sdelay $0x3  }
0x34: {  	[smem:$0x3FAD] =	sst s10  }
0x35: {  	s10 =	sld [smem:$0x3FAC];
	_ =	sdelay $0x3  }
0x36: {  	p1 =	seq.s32 s10, $0x1;
	s10 =	sld [smem:$0x3FAD];
	_ =	sdelay $0x3  }
0x37: {  	[smem:$0x3FAD] =	sst s10  }
0x38: {  	s10 =	sld [smem:$0x3FAE]  }
0x39: {  	_ = 	snop;
	(pc) =	sbr.ind lr, $3  }
0x3a: {  	_ = 	snop  }
0x3b: {  	_ = 	snop  }
0x3c: {  	p2 =	seq.s32 s10, $0x1;
	s10 =	sld [smem:$0x3FAD]  }
0x3d: {  	_ =	shalt  }
0x3e: {  	_ =	shalt  }
0x3f: {  	_ =	shalt  }
0x40: {  	_ =	shalt  }
0x41: {  	_ =	shalt  }
0x42: {  	_ =	shalt  }
0x43: {  	_ =	shalt  }
0x44: {  	_ =	shalt  }
0x45: {  	_ =	shalt  }
0x46: {  	_ =	shalt  }
0x47: {  	_ =	shalt  }
0x48: {  	_ =	shalt  }
0x49: {  	_ =	shalt  }
0x4a: {  	_ =	shalt  }
0x4b: {  	_ =	shalt  }
0x4c: {  	_ =	shalt  }
0x4d: {  	_ =	shalt  }
0x4e: {  	_ =	shalt  }
0x4f: {  	_ =	shalt  }
0x50: {  	_ =	shalt  }
0x51: {  	_ =	shalt  }
0x52: {  	_ =	shalt  }
0x53: {  	_ =	shalt  }
0x54: {  	_ =	shalt  }
0x55: {  	_ =	shalt  }
0x56: {  	_ =	shalt  }
0x57: {  	_ =	shalt  }
0x58: {  	_ =	shalt  }
0x59: {  	_ =	shalt  }
0x5a: {  	_ =	shalt  }
0x5b: {  	_ =	shalt  }
0x5c: {  	_ =	shalt  }
0x5d: {  	_ =	shalt  }
0x5e: {  	_ =	shalt  }
0x5f: {  	_ =	shalt  }
0x60: {  	_ =	shalt  }
0x61: {  	_ =	shalt  }
0x62: {  	_ =	shalt  }
0x63: {  	_ =	shalt  }
0x64: {  	_ =	shalt  }
0x65: {  	_ =	shalt  }
0x66: {  	_ =	shalt  }
0x67: {  	_ =	shalt  }
0x68: {  	_ =	shalt  }
0x69: {  	_ =	shalt  }
0x6a: {  	_ =	shalt  }
0x6b: {  	_ =	shalt  }
0x6c: {  	_ =	shalt  }
0x6d: {  	_ =	shalt  }
0x6e: {  	_ =	shalt  }
0x6f: {  	_ =	shalt  }
0x70: {  	_ =	shalt  }
0x71: {  	_ =	shalt  }
0x72: {  	_ =	shalt  }
0x73: {  	_ =	shalt  }
0x74: {  	_ =	shalt  }
0x75: {  	_ =	shalt  }
0x76: {  	_ =	shalt  }
0x77: {  	_ =	shalt  }
0x78: {  	_ =	shalt  }
0x79: {  	_ =	shalt  }
0x7a: {  	_ =	shalt  }
0x7b: {  	_ =	shalt  }
0x7c: {  	_ =	shalt  }
0x7d: {  	_ =	shalt  }
0x7e: {  	_ =	shalt  }
0x7f: {  	_ =	shalt  }
0x80: {  	_ =	shalt  }
0x81: {  	_ =	shalt  }
0x82: {  	_ =	shalt  }
0x83: {  	_ =	shalt  }
0x84: {  	_ =	shalt  }
0x85: {  	_ =	shalt  }
0x86: {  	_ =	shalt  }
0x87: {  	_ =	shalt  }
.Lfunc_end0:
.L_simem_size_0:
called_computation.1_lowered:
.L_overlay_start_0:
0x88: {  	s2 =	sld [smem:$0x3FD9]  }
0x89: {  	s3 =	sld [smem:$0x3FFE];
	_ =	sdelay $0x1  }
0x8a: {  	s1 =	srdreg.scid  }
0x8b: {  	s0 =	sand.u32 $0x1, s1  }
0x8c: {  	s17 =	sshll.u32 s0, $0xA;
	s2 =	sadd.s32 s3, s2  }
0x8d: {  	s2 =	sadd.s32 s2, s17  }
0x8e: {  	[smem:$0x3FB9] =	sst s2  }
0x8f: {  	_ = 	snop  }
0x90: {  	s2 =	sld [smem:$0x3FD0];
	(tm) =	ssettm $0x1  }
0x91: {  	s18 =	sld [smem:$0x3FFB];
	_ =	sdelay $0x3  }
0x92: {  	_ =	strace s18  }
0x93: {  	s3 =	sld [smem:$0x3FFC];
	_ =	sdelay $0x3  }
0x94: {  	_ =	strace s3  }
0x95: {  	s3 =	sld [smem:$0x3FFD];
	_ =	sdelay $0x3  }
0x96: {  	_ =	strace s3  }
0x97: {  	_ =	strace $0x8FFFFFFF  }
0x98: {  	s19 =	sld [smem:$0x3FDB];
	_ =	sdelay $0x1  }
0x99: {  	s4 =	simm.s32 $_scs_section_size  }
0x9a: {  	s5 =	simm.s32 $_size__tile_overlayer_lowered;
	s6 =	simm.s32 $_tile_overlayer_lowered  }
0x9b: {  	s22 =	simm.s32 $0x1BFF;
	s21 =	sshll.u32 s6, $0x1;
	s3 =	sadd.s32 s4, s19  }
0x9c: {  	s7 =	simm.s32 $0x0;
	s20 =	sshll.u32 s5, $0x1;
	s5 =	sadd.s32 s21, s3  }
0x9d: {  	[timem:s7], [sflag:s22] =	dma.local [hbm:s5], s20  }
0x9e: {  	_ =	swait.ge [sflag:s22], s20  }
0x9f: {  	s4 =	ssub.s32 $0x0, s20;
	[sflag:s22] =	ssyncset.done $0x0  }
0xa0: {  	[sflag:s22] =	ssyncadd.s32 s4;
	_ =	sdelay $0x1  }
0xa1: {  	s23 =	simm.s32 $0x1B8B  }
0xa2: {  	_ =	swait.ge [sflag:s23], $0x1  }
0xa3: {  	[sflag:s23] =	ssyncset.done $0x0  }
0xa4: {  	s25 =	simm.s32 $0x1B8E;
	s24 =	sld [smem:$0x3FFE];
	[sflag:s23] =	ssyncadd.s32 $0xFFFFFFFF  }
0xa5: {  	s26 =	simm.s32 $execute0_lowered;
	[smem:$0x3FD2] =	sst s25  }
0xa6: {  	s5 =	sshll.u32 s26, $0x1;
	_ =	strace $0x80000049;
	[dreg:$0x1] =	wrdreg $0xFFFFFFFF  }
0xa7: {  	s28 =	simm.s32 $_size_execute0_lowered;
	s3 =	sadd.s32 s3, s5;
	[dreg:$0x0] =	wrdreg $0x0  }
0xa8: {  	s5 =	sshll.u32 s28, $0x1;
	[dreg:$0x2] =	wrdreg s3  }
0xa9: {  	[dreg:$0x3] =	wrdreg s5  }
0xaa: {  	[dreg:$0x4] =	wrdreg $0xC0  }
0xab: {  	_ =	task [dreg:s7], $0x5FFFF  }
0xac: {  	[dreg:$0x1] =	wrdreg $0xFFFFFFFF  }
0xad: {  	[dreg:$0x0] =	wrdreg $0x60  }
0xae: {  	[dreg:$0x2] =	wrdreg s24  }
0xaf: {  	[dreg:$0x3] =	wrdreg s2  }
0xb0: {  	[dreg:$0x4] =	wrdreg $0x0  }
0xb1: {  	[dreg:$0x5] =	wrdreg $0x9  }
0xb2: {  	_ =	task.clear_ibuf [dreg:s7], $0x6FFFF;
	_ =	strace $0x90000049  }
0xb3: {  	s29 =	simm.s32 $0x9;
	_ =	strace $0x8000004B  }
0xb4: {  	_ =	swait.ge [sflag:s29], $0x1  }
0xb5: {  	[sflag:s29] =	ssyncadd.s32 $0xFFFFFFFF  }
0xb6: {  	_ =	strace $0x9000004B  }
0xb7: {  	_ =	sfence  }
0xb8: {  	s30 =	sld [smem:$0x0];
	_ =	sdelay $0x2  }
0xb9: {  	s31 =	sshll.u32 s1, $0xD;
	s1 =	sshrl.u32 s1, $0x2  }
0xba: {  	s3 =	sand.u32 $0x4000, s31;
	s1 =	sadd.s32 s1, s30  }
0xbb: {  	s0 =	sor.u32 s3, s0;
	s1 =	sshll.u32 s1, $0x11  }
0xbc: {  	s0 =	sor.u32 s1, s0  }
0xbd: {  	s0 =	sadd.s32 $0x8F2B, s0  }
0xbe: {  	[sflag:s0] =	ssyncadd.remote.s32 $0x1  }
0xbf: {  	_ =	sfence.sel $0xFFFF  }
0xc0: {  	[dreg:$0x0] =	wrdreg $0xFFFFFFFF;
	(pc) =	sbr.abs _section_cstart, $3  }
0xc1: {  	[dreg:$0x1] =	wrdreg $0xFFFFFFFF  }
0xc2: {  	_ =	task.clear_ibuf [dreg:s7], $0x2FFFF;
	_ =	strace $0x9FFFFFFF  }
0xc3: {  	(tm) =	ssettm $0x7FFFFFFF  }
tec
execute0_lowered:
.L_overlay_start_1:
0x0: {  	(tag) =	ssettag $0x1  }
0x1: {  	s0 =	rddreg [dreg:$0x0]  }
0x2: {  	s2 =	rddreg [dreg:$0x1]  }
0x3: {  	s3 =	rddreg [dreg:$0x2]  }
0x4: {  	s1 =	srdreg.scid;
	s10 =	stileid.u32;
	s4 =	simm.s32 $0x0  }
0x5: {  	s29 =	simm.s32 $0x14380;
	s30 =	simm.s32 $0x4;
	s6 =	smul.u32 $0x280, s10  }
0x6: {  	s31 =	simm.s32 $0x1C380;
	s1 =	sand.u32 $0x1, s1;
	s23 =	smul.u32 $0x50000, s10  }
0x7: {  	[smem:$0x7FF] =	sst s4;
	s5 =	sadd.s32 $0x4800, s0;
	s11 =	smul.u32 $0x4E20, s10  }
0x8: {  	s9 =	sadd.s32 $0x2CE00, s0;
	s22 =	sadd.s32 $0x2C800, s0;
	s7 =	smul.u32 $0x2800, s1  }
0x9: {  	s8 =	sshll.u32 s1, $0x4;
	_ =	strace $0x8000004A;
	[dreg:$0x5] =	wrdreg s9  }
0xa: {  	[dreg:$0x6] =	wrdreg s22;
	s24 =	ssub.s32 $0x2, s1;
	s1 =	smul.u32 $0x9C400, s1  }
0xb: {  	s22 =	simm.s32 $0x14200;
	s8 =	sor.u32 s10, s8;
	s25 =	sshrl.u32 s24, $0x1  }
0xc: {  	[dreg:$0x4] =	wrdreg s22;
	s6 =	sadd.s32 s6, s7;
	s21 =	smul.u32 $0x500, s8  }
0xd: {  	s8 =	sshrl.u32 s23, $0x2;
	s26 =	ssub.s32 s24, s25;
	s1 =	sadd.s32 s11, s1  }
0xe: {  	s7 =	simm.s32 $0x1;
	s6 =	sshll.u32 s6, $0x4;
	s8 =	sadd.s32 s8, s3  }
0xf: {  	s14 =	sshrl.u32 s1, $0x3;
	s12 =	sadd.s32 $0x4E280, s1;
	s25 =	smax.u32 s26, $0x1  }
0x10: {  	s6 =	sadd.s32 s6, s0;
	s0 =	sadd.s32 s21, s0;
	s14 =	sadd.s32 s2, s14  }
0x11: {  	s9 =	sadd.s32 $0x4000, s8;
	[dreg:$0x10] =	wrdreg s25;
	s16 =	sadd.s32 $0x9C0, s14  }
0x12: {  	s15 =	sshrl.u32 s12, $0x3;
	s17 =	sadd.s32 $0xA600, s14;
	[dreg:$0x7] =	wrdreg s16  }
0x13: {  	s10 =	sadd.s32 $0x8000, s8;
	s15 =	sadd.s32 s2, s15;
	[dreg:$0x8] =	wrdreg s17  }
0x14: {  	s11 =	sadd.s32 $0xC000, s8;
	s0 =	sadd.s32 $0x2D600, s0;
	[dreg:$0x9] =	wrdreg s15  }
0x15: {  	s13 =	sadd.s32 $0x10000, s8;
	s18 =	sadd.s32 $0x37600, s6;
	[dreg:$0xa] =	wrdreg s0  }
0x16: {  	s21 =	sadd.s32 $0x100, s1;
	s19 =	sadd.s32 $0x37E00, s6;
	[dreg:$0xb] =	wrdreg s18  }
0x17: {  	s1 =	simm.s32 $0x14300;
	s20 =	sadd.s32 $0x38600, s6;
	[dreg:$0xc] =	wrdreg s19  }
0x18: {  	s23 =	sadd.s32 $0x38E00, s6;
	s24 =	sadd.s32 $0x39600, s6;
	[dreg:$0xd] =	wrdreg s20  }
0x19: {  	s26 =	sadd.s32 $0x9C40, s14;
	s28 =	sadd.s32 $0x10, s14;
	[dreg:$0xe] =	wrdreg s23  }
0x1a: {  	s6 =	simm.s32 $0x20;
	s0 =	sshrl.u32 s21, $0x3;
	[dreg:$0xf] =	wrdreg s24  }
0x1b: {  	[dreg:$0x11] =	wrdreg s26;
	s15 =	simm.s32 $0x14000;
	s16 =	simm.s32 $0x80  }
0x1c: {  	v0 =	vimm.f32 $1.000000000e+00;
	s17 =	simm.s32 $0x0;
	s18 =	sadd.s32 s0, s2;
	s0 =	simm.s32 $0x14280  }
.LBB2_1:
0x1d: {  	s19 =	rddreg [dreg:$0x5]  }
0x1e: {  	[tilespmem:s29], [sflag:$0x4] =	stream.linear.gather [hbm4b:s19+s4], $0x4000, $0x38;
	[tilespmem:$0x1EB80] =	vst v63  }
0x1f: {  	_ =	swait.ge [sflag:s30], $0x4000  }
0x20: {  	[sflag:s30] =	ssyncset.done $0x0  }
0x21: {  	s20 =	rddreg [dreg:$0x6];
	[sflag:s30] =	ssyncadd.s32 $0xFFFFC000  }
0x22: {  	[tilespmem:s31], [sflag:$0x4] =	stream.linear.gather [hbm4b:s20+s4], $0x2800, $0x38;
	[tilespmem:$0x1EB80] =	vst v63  }
0x23: {  	_ =	swait.ge [sflag:s30], $0x2800  }
0x24: {  	[sflag:s30] =	ssyncset.done $0x0  }
0x25: {  	[sflag:s30] =	ssyncadd.s32 $0xFFFFD800  }
0x26: {  	[spmem:s8] =	stream.linear.scatter [tilespmem:s29], [sflag:$0x4], $0x4000, $0x38;
	[tilespmem:$0x1EB80] =	vst v63  }
0x27: {  	_ =	swait.ge [sflag:s30], $0x4000  }
0x28: {  	[sflag:s30] =	ssyncset.done $0x0  }
0x29: {  	[sflag:s30] =	ssyncadd.s32 $0xFFFFC000  }
0x2a: {  	[spmem:s9] =	stream.linear.scatter [tilespmem:s29], [sflag:$0x4], $0x4000, $0x38;
	[tilespmem:$0x1EB80] =	vst v63  }
0x2b: {  	_ =	swait.ge [sflag:s30], $0x4000  }
0x2c: {  	[sflag:s30] =	ssyncset.done $0x0  }
0x2d: {  	[sflag:s30] =	ssyncadd.s32 $0xFFFFC000  }
0x2e: {  	[spmem:s10] =	stream.linear.scatter [tilespmem:s29], [sflag:$0x4], $0x4000, $0x38;
	[tilespmem:$0x1EB80] =	vst v63  }
0x2f: {  	_ =	swait.ge [sflag:s30], $0x4000  }
0x30: {  	[sflag:s30] =	ssyncset.done $0x0  }
0x31: {  	[sflag:s30] =	ssyncadd.s32 $0xFFFFC000  }
0x32: {  	[spmem:s11] =	stream.linear.scatter [tilespmem:s29], [sflag:$0x4], $0x4000, $0x38;
	[tilespmem:$0x1EB80] =	vst v63  }
0x33: {  	_ =	swait.ge [sflag:s30], $0x4000  }
0x34: {  	[sflag:s30] =	ssyncset.done $0x0  }
0x35: {  	[sflag:s30] =	ssyncadd.s32 $0xFFFFC000  }
0x36: {  	[spmem:s13] =	stream.linear.scatter [tilespmem:s29], [sflag:$0x4], $0x4000, $0x38;
	[tilespmem:$0x1EB80] =	vst v63  }
0x37: {  	_ =	swait.ge [sflag:s30], $0x4000  }
0x38: {  	[sflag:s30] =	ssyncset.done $0x0  }
0x39: {  	[sflag:s30] =	ssyncadd.s32 $0xFFFFC000  }
0x3a: {  	[bflag:$0x0] =	sbarrier.arrive $0xFFFF  }
0x3b: {  	s21 =	rddreg [dreg:$0x7]  }
0x3c: {  	[tilespmem:s0], [sflag:$0x4] =	stream.linear.gather [hbm4b:s21+s4], $0x20, $0x38;
	[tilespmem:$0x1EB80] =	vst v63  }
0x3d: {  	_ =	swait.ge [sflag:s30], $0x20  }
0x3e: {  	[sflag:s30] =	ssyncset.done $0x0  }
0x3f: {  	s22 =	rddreg [dreg:$0x8];
	[sflag:s30] =	ssyncadd.s32 $0xFFFFFFE0  }
0x40: {  	[tilespmem:s1], [sflag:$0x4] =	stream.linear.gather [hbm4b:s22+s4], $0x20, $0x38;
	[tilespmem:$0x1EB80] =	vst v63  }
0x41: {  	_ =	swait.ge [sflag:s30], $0x20  }
0x42: {  	[sflag:s30] =	ssyncset.done $0x0  }
0x43: {  	[sflag:s30] =	ssyncadd.s32 $0xFFFFFFE0  }
0x44: {  	[tilespmem:s29], [sflag:$0x1] =	stream.indirect.gather [hbm4b:s5+s6], $0x80, s0, s6, $0xb8;
	[tilespmem:$0x1EB80] =	vst v63  }
0x45: {  	_ =	swait.ge [sflag:s7], $0x1000  }
0x46: {  	[sflag:s7] =	ssyncset.done $0x0  }
0x47: {  	[sflag:s7] =	ssyncadd.s32 $0xFFFFF000  }
0x48: {  	v1 =	vld [tilespmem:$0x14300];
	_ =	sdelay $0x7  }
0x49: {  	[tilespmem:v1+s31+$0x0] =	vst.idx.add.f32.msk $0xffff, v0  }
0x4a: {  	v1 =	vld [tilespmem:$0x14310];
	_ =	sdelay $0x7  }
0x4b: {  	[tilespmem:v1+s31+$0x0] =	vst.idx.add.f32.msk $0xffff, v0  }
0x4c: {  	[spmem:s3] =	stream.indirect.scatter.add.f32 [tilespmem:s29], [sflag:$0x4], $0x80, s1, s6, $0xb8;
	[tilespmem:$0x1EB80] =	vst v63  }
0x4d: {  	_ =	swait.ge [sflag:s30], $0x1000  }
0x4e: {  	[sflag:s30] =	ssyncset.done $0x0  }
0x4f: {  	[sflag:s30] =	ssyncadd.s32 $0xFFFFF000  }
0x50: {  	[tilespmem:s15], [sflag:$0x4] =	stream.linear.gather [hbm4b:s14+s4], $0x80, $0x38;
	[tilespmem:$0x1EB80] =	vst v63  }
0x51: {  	_ =	swait.ge [sflag:s30], $0x80  }
0x52: {  	[sflag:s30] =	ssyncset.done $0x0  }
0x53: {  	s20 =	simm.s32 $0x14100;
	s23 =	rddreg [dreg:$0x11];
	[sflag:s30] =	ssyncadd.s32 $0xFFFFFF80  }
0x54: {  	[tilespmem:s20], [sflag:$0x4] =	stream.linear.gather [hbm4b:s23+s4], $0x80, $0x38;
	[tilespmem:$0x1EB80] =	vst v63  }
0x55: {  	_ =	swait.ge [sflag:s30], $0x80  }
0x56: {  	[sflag:s30] =	ssyncset.done $0x0  }
0x57: {  	[sflag:s30] =	ssyncadd.s32 $0xFFFFFF80  }
0x58: {  	[tilespmem:s29], [sflag:$0x1] =	stream.indirect.gather [hbm4b:s5+s16], $0x80, s15, s16, $0xb8;
	[tilespmem:$0x1EB80] =	vst v63  }
0x59: {  	s24 =	simm.s32 $0x14080  }
0x5a: {  	[tilespmem:s24], [sflag:$0x2] =	stream.linear.gather [hbm4b:s28+s4], $0x80, $0x38;
	[tilespmem:$0x1EB80] =	vst v63  }
0x5b: {  	s26 =	simm.s32 $0x14180;
	s25 =	rddreg [dreg:$0x9]  }
0x5c: {  	[tilespmem:s26], [sflag:$0x3] =	stream.linear.gather [hbm4b:s25+s4], $0x80, $0x38;
	[tilespmem:$0x1EB80] =	vst v63  }
0x5d: {  	s19 =	simm.s32 $0x0;
	s20 =	simm.s32 $0x0;
	s25 =	smov.u32 s18  }
.LBB2_2:
0x5e: {  	_ =	swait.ge [sflag:s7], $0x4000  }
0x5f: {  	s21 =	sand.u32 $0x1, s20;
	p0 =	sne.s32 s19, $0x4D80;
	[sflag:s7] =	ssyncset.done $0x0  }
0x60: {  	s22 =	sxor.u32 @p0 $0x1, s21;
	s24 =	simm.s32 @p0 $0x2;
	p2 =	sgt.u32 @p0 s20, $0x99  }
0x61: {  	[sflag:s7] =	ssyncadd.s32 $0xFFFFC000;
	s23 =	sshll.u32 @p0 s22, $0x9;
	s22 =	sshll.u32 @p0 s22, $0xE  }
0x62: {  	p1 =	por !p2, !p0;
	p3 =	por p2, !p0;
	_ =	swait.ge @p0 [sflag:s24], $0x80  }
0x63: {  	s23 =	sshrl.u32 @p0 s23, $0x2;
	s22 =	sadd.s32 @p0 $0x14380, s22;
	[sflag:s24] =	ssyncset.done @p0 $0x0  }
0x64: {  	s26 =	sor.u32 @p0 $0x14000, s23;
	[sflag:s24] =	ssyncadd.s32 @p0 $0xFFFFFF80;
	s24 =	simm.s32 @p0 $0x80  }
0x65: {  	[tilespmem:s22], [sflag:$0x1] =	stream.indirect.gather @p0 [hbm4b:s5+s24], $0x80, s26, s24, $0xb8;
	[tilespmem:$0x1EB80] =	vst v63  }
0x66: {  	p4 =	seq.s32 @!p3 s19, $0x0;
	s22 =	simm.s32 @!p1 $0x3  }
0x67: {  	p5 =	por @p0 p4, p2;
	_ =	swait.ge @!p1 [sflag:s22], $0x80  }
0x68: {  	p2 =	por @p0 !p4, p2;
	s24 =	sshll.u32 @!p3 s21, $0x7;
	[sflag:s22] =	ssyncset.done @!p1 $0x0  }
0x69: {  	[sflag:s22] =	ssyncadd.s32 @!p1 $0xFFFFFF80;
	s22 =	sor.u32 @!p3 $0x14000, s24;
	s24 =	simm.s32 @!p3 $0x0  }
0x6a: {  	[tilespmem:s22], [sflag:$0x2] =	stream.linear.gather @!p3 [hbm4b:s25+s24], $0x80, $0x38;
	[tilespmem:$0x1EB80] =	vst v63  }
0x6b: {  	p2 =	por !p2, !p0;
	s22 =	sshll.u32 @!p3 s20, $0x7  }
0x6c: {  	s26 =	smov.u32 s19;
	p3 =	por p5, !p0;
	s22 =	simm.s32 @p2 $0x0  }
0x6d: {  	s24 =	simm.s32 @!p3 $0x3;
	s26 =	smov.u32 @p1 s22  }
0x6e: {  	_ =	swait.ge @!p3 [sflag:s24], $0x80;
	s22 =	sadd.s32 @p0 s26, s12  }
0x6f: {  	s23 =	sor.u32 @p0 $0x14100, s23;
	[sflag:s24] =	ssyncset.done @!p3 $0x0;
	s22 =	sshrl.u32 @p0 s22, $0x3  }
0x70: {  	[sflag:s24] =	ssyncadd.s32 @!p3 $0xFFFFFF80;
	s24 =	simm.s32 @p0 $0x0;
	s22 =	sadd.s32 @p0 s2, s22  }
0x71: {  	[tilespmem:s23], [sflag:$0x3] =	stream.linear.gather @p0 [hbm4b:s22+s24], $0x80, $0x38;
	[tilespmem:$0x1EB80] =	vst v63  }
0x72: {  	s22 =	simm.s32 @!p0 $0x3  }
0x73: {  	_ =	swait.ge @!p0 [sflag:s22], $0x80  }
0x74: {  	[sflag:s22] =	ssyncset.done @!p0 $0x0  }
0x75: {  	s24 =	sshll.u32 s21, $0x7;
	[sflag:s22] =	ssyncadd.s32 @!p0 $0xFFFFFF80  }
0x76: {  	v1 =	vld [tilespmem:s24+$0x14100];
	_ =	sdelay $0x6  }
0x77: {  	[tilespmem:$0x14200] =	vst v1  }
0x78: {  	[tilespmem:v1+s31+$0x0] =	vst.idx.add.f32.msk $0xffff, v0  }
0x79: {  	v1 =	vld [tilespmem:s24+$0x14110];
	_ =	sdelay $0x6  }
0x7a: {  	[tilespmem:$0x14210] =	vst v1  }
0x7b: {  	[tilespmem:v1+s31+$0x0] =	vst.idx.add.f32.msk $0xffff, v0  }
0x7c: {  	v1 =	vld [tilespmem:s24+$0x14120];
	_ =	sdelay $0x6  }
0x7d: {  	[tilespmem:$0x14220] =	vst v1  }
0x7e: {  	[tilespmem:v1+s31+$0x0] =	vst.idx.add.f32.msk $0xffff, v0  }
0x7f: {  	v1 =	vld [tilespmem:s24+$0x14130];
	_ =	sdelay $0x6  }
0x80: {  	[tilespmem:$0x14230] =	vst v1  }
0x81: {  	[tilespmem:v1+s31+$0x0] =	vst.idx.add.f32.msk $0xffff, v0  }
0x82: {  	v1 =	vld [tilespmem:s24+$0x14140];
	_ =	sdelay $0x6  }
0x83: {  	[tilespmem:$0x14240] =	vst v1  }
0x84: {  	[tilespmem:v1+s31+$0x0] =	vst.idx.add.f32.msk $0xffff, v0  }
0x85: {  	v1 =	vld [tilespmem:s24+$0x14150];
	_ =	sdelay $0x6  }
0x86: {  	[tilespmem:$0x14250] =	vst v1  }
0x87: {  	[tilespmem:v1+s31+$0x0] =	vst.idx.add.f32.msk $0xffff, v0  }
0x88: {  	v1 =	vld [tilespmem:s24+$0x14160];
	_ =	sdelay $0x6  }
0x89: {  	[tilespmem:$0x14260] =	vst v1  }
0x8a: {  	[tilespmem:v1+s31+$0x0] =	vst.idx.add.f32.msk $0xffff, v0  }
0x8b: {  	v1 =	vld [tilespmem:s24+$0x14170];
	_ =	sdelay $0x5  }
0x8c: {  	s19 =	sadd.s32 $0x80, s19  }
0x8d: {  	s21 =	sshll.u32 s21, $0xE;
	p0 =	sne.s32 s19, $0x4E00;
	[tilespmem:$0x14270] =	vst v1  }
.Ltmp0:
0x8e: {  	s21 =	sadd.s32 $0x14380, s21;
	s26 =	rddreg [dreg:$0x4];
	[tilespmem:v1+s31+$0x0] =	vst.idx.add.f32.msk $0xffff, v0;
	(pc) =	sbr.rel @p0 .LBB2_2-.Ltmp0, $4  }
0x8f: {  	[spmem:s3] =	stream.indirect.scatter.add.f32 [tilespmem:s21], [sflag:$0x4], $0x80, s26, s16, $0xb8;
	[tilespmem:$0x1EB80] =	vst v63  }
0x90: {  	_ =	swait.ge [sflag:s30], $0x4000  }
0x91: {  	[sflag:s30] =	ssyncset.done $0x0  }
0x92: {  	s20 =	sadd.s32 $0x1, s20;
	s25 =	sadd.s32 $0x10, s25;
	[sflag:s30] =	ssyncadd.s32 $0xFFFFC000  }
0x93: {  	s19 =	rddreg [dreg:$0xa]  }
0x94: {  	[hbm4b:s19+s4] =	stream.linear.scatter [tilespmem:s31], [sflag:$0x4], $0x2800, $0x38;
	[tilespmem:$0x1EB80] =	vst v63  }
0x95: {  	_ =	swait.ge [sflag:s30], $0x2800  }
0x96: {  	[sflag:s30] =	ssyncset.done $0x0  }
0x97: {  	[sflag:s30] =	ssyncadd.s32 $0xFFFFD800  }
0x98: {  	[bflag:$0x0] =	sbarrier.arrive $0xFFFF  }
0x99: {  	[tilespmem:s29], [sflag:$0x4] =	stream.linear.gather [spmem:s8], $0x4000, $0x38;
	[tilespmem:$0x1EB80] =	vst v63  }
0x9a: {  	_ =	swait.ge [sflag:s30], $0x4000  }
0x9b: {  	[sflag:s30] =	ssyncset.done $0x0  }
0x9c: {  	s21 =	rddreg [dreg:$0xb];
	[sflag:s30] =	ssyncadd.s32 $0xFFFFC000  }
0x9d: {  	[hbm4b:s21+s4] =	stream.linear.scatter [tilespmem:s29], [sflag:$0x4], $0x4000, $0x38;
	[tilespmem:$0x1EB80] =	vst v63  }
0x9e: {  	_ =	swait.ge [sflag:s30], $0x4000  }
0x9f: {  	[sflag:s30] =	ssyncset.done $0x0  }
0xa0: {  	[sflag:s30] =	ssyncadd.s32 $0xFFFFC000  }
0xa1: {  	[tilespmem:s29], [sflag:$0x4] =	stream.linear.gather [spmem:s9], $0x4000, $0x38;
	[tilespmem:$0x1EB80] =	vst v63  }
0xa2: {  	_ =	swait.ge [sflag:s30], $0x4000  }
0xa3: {  	[sflag:s30] =	ssyncset.done $0x0  }
0xa4: {  	s22 =	rddreg [dreg:$0xc];
	[sflag:s30] =	ssyncadd.s32 $0xFFFFC000  }
0xa5: {  	[hbm4b:s22+s4] =	stream.linear.scatter [tilespmem:s29], [sflag:$0x4], $0x4000, $0x38;
	[tilespmem:$0x1EB80] =	vst v63  }
0xa6: {  	_ =	swait.ge [sflag:s30], $0x4000  }
0xa7: {  	[sflag:s30] =	ssyncset.done $0x0  }
0xa8: {  	[sflag:s30] =	ssyncadd.s32 $0xFFFFC000  }
0xa9: {  	[tilespmem:s29], [sflag:$0x4] =	stream.linear.gather [spmem:s10], $0x4000, $0x38;
	[tilespmem:$0x1EB80] =	vst v63  }
0xaa: {  	_ =	swait.ge [sflag:s30], $0x4000  }
0xab: {  	[sflag:s30] =	ssyncset.done $0x0  }
0xac: {  	s23 =	rddreg [dreg:$0xd];
	[sflag:s30] =	ssyncadd.s32 $0xFFFFC000  }
0xad: {  	[hbm4b:s23+s4] =	stream.linear.scatter [tilespmem:s29], [sflag:$0x4], $0x4000, $0x38;
	[tilespmem:$0x1EB80] =	vst v63  }
0xae: {  	_ =	swait.ge [sflag:s30], $0x4000  }
0xaf: {  	[sflag:s30] =	ssyncset.done $0x0  }
0xb0: {  	[sflag:s30] =	ssyncadd.s32 $0xFFFFC000  }
0xb1: {  	[tilespmem:s29], [sflag:$0x4] =	stream.linear.gather [spmem:s11], $0x4000, $0x38;
	[tilespmem:$0x1EB80] =	vst v63  }
0xb2: {  	_ =	swait.ge [sflag:s30], $0x4000  }
0xb3: {  	[sflag:s30] =	ssyncset.done $0x0  }
0xb4: {  	s24 =	rddreg [dreg:$0xe];
	[sflag:s30] =	ssyncadd.s32 $0xFFFFC000  }
0xb5: {  	[hbm4b:s24+s4] =	stream.linear.scatter [tilespmem:s29], [sflag:$0x4], $0x4000, $0x38;
	[tilespmem:$0x1EB80] =	vst v63  }
0xb6: {  	_ =	swait.ge [sflag:s30], $0x4000  }
0xb7: {  	[sflag:s30] =	ssyncset.done $0x0  }
0xb8: {  	[sflag:s30] =	ssyncadd.s32 $0xFFFFC000  }
0xb9: {  	[tilespmem:s29], [sflag:$0x4] =	stream.linear.gather [spmem:s13], $0x4000, $0x38;
	[tilespmem:$0x1EB80] =	vst v63  }
0xba: {  	_ =	swait.ge [sflag:s30], $0x4000  }
0xbb: {  	[sflag:s30] =	ssyncset.done $0x0  }
0xbc: {  	s25 =	rddreg [dreg:$0xf];
	[sflag:s30] =	ssyncadd.s32 $0xFFFFC000  }
0xbd: {  	[hbm4b:s25+s4] =	stream.linear.scatter [tilespmem:s29], [sflag:$0x4], $0x4000, $0x38;
	[tilespmem:$0x1EB80] =	vst v63  }
0xbe: {  	_ =	swait.ge [sflag:s30], $0x4000  }
0xbf: {  	s17 =	sadd.s32 $0x1, s17;
	s26 =	rddreg [dreg:$0x10]  }
0xc0: {  	p0 =	sne.s32 s17, s26  }
.Ltmp1:
0xc1: {  	_ = 	snop;
	(pc) =	sbr.rel @p0 .LBB2_1-.Ltmp1, $3  }
0xc2: {  	_ =	sdelay $0x1  }
0xc3: {  	[sflag:s30] =	ssyncset.done $0x0  }
0xc4: {  	[sflag:s30] =	ssyncadd.s32 $0xFFFFC000  }
0xc5: {  	_ =	sfence.sel $0x180000  }
0xc6: {  	[bflag:$0x0] =	sbarrier.arrive $0xFFFF  }
0xc7: {  	_ =	strace $0x9000004A  }
0xc8: {  	s0 =	stileid.u32;
	[bflag:$0x2] =	sbarrier.arrive $0xFFFF  }
0xc9: {  	p0 =	sne.s32 s0, $0x0;
	s0 =	rddreg [dreg:$0x3]  }
0xca: {  	s0 =	sadd.s32 @!p0 $0x100000, s0  }
0xcb: {  	[sflag:s0] =	ssyncadd.tile.s32 @!p0 $0x1;
	_ =	shalt  }
.Lfunc_end2:
_tile_overlayer_lowered:
.L_overlay_start_2:
0xcc: {  	(tag) =	ssettag $0x2  }
0xcd: {  	s0 =	rddreg [dreg:$0x0];
	s2 =	stileid.u32  }
0xce: {  	s1 =	rddreg [dreg:$0x1];
	p0 =	sne.s32 s2, $0x0  }
0xcf: {  	s3 =	rddreg [dreg:$0x2];
	[bflag:$0x3] =	sbarrier.arrive $0xFFFF;
	s2 =	simm.s32 @!p0 $0x1C04  }
0xd0: {  	[timem:s3], [sflag:s2] =	dma.local @!p0 [hbm:s0], s1  }
0xd1: {  	s0 =	simm.s32 @!p0 $0x4  }
0xd2: {  	_ =	swait.ge @!p0 [sflag:s0], s1  }
0xd3: {  	s1 =	ssub.s32 @!p0 $0x0, s1;
	[sflag:s0] =	ssyncset.done @!p0 $0x0  }
0xd4: {  	[sflag:s0] =	ssyncadd.s32 @!p0 s1  }
0xd5: {  	[bflag:$0x3] =	sbarrier.arrive $0xFFFF  }
0xd6: {  	_ =	shalt  }

</sc_bundles>
